<compile_context>
chip_gen: v7x
topology: tpu7x:2x2x1
jax: 0.10.2.dev20260603
libtpu: 0.0.44.dev20260713+nightly
codegen_flags: <defaults>
</compile_context>

<pallas_src>
import functools

import jax
import jax.numpy as jnp
from jax import lax
from jax.experimental import pallas as pl
from jax.experimental.pallas import tpu as pltpu
from jax.experimental.pallas import tpu_sc as plsc

_SMOOTHING = 0.1
_DPAD = 32
_BI = 256


_GF = 4


def _sc_gather(table, idx2):
    info = plsc.get_sparse_core_info()
    nw = info.num_cores * info.num_subcores
    n_chunks = idx2.shape[0]
    cpw = n_chunks // nw
    ng = cpw // _GF
    mesh = plsc.VectorSubcoreMesh(core_axis_name="c", subcore_axis_name="s")

    @functools.partial(
        pl.kernel,
        mesh=mesh,
        out_type=jax.ShapeDtypeStruct((n_chunks * 128, _DPAD), jnp.float32),
        scratch_types=[
            pltpu.VMEM((cpw, 128), jnp.int32),
            pltpu.VMEM((2, _GF * 128, _DPAD), jnp.float32),
            pltpu.SemaphoreType.DMA((2,)),
        ],
        compiler_params=pltpu.CompilerParams(use_tc_tiling_on_sc=False),
    )
    def k(tbl_hbm, idx_hbm, out_hbm, idx_v, rows_v, sems):
        wid = lax.axis_index("s") * info.num_cores + lax.axis_index("c")
        crow0 = wid * cpw
        pltpu.sync_copy(idx_hbm.at[pl.ds(crow0, cpw)], idx_v)

        def fire(g, p):
            for b in range(_GF):
                pltpu.async_copy(
                    tbl_hbm.at[idx_v.at[g * _GF + b]],
                    rows_v.at[p, pl.ds(b * 128, 128)],
                    sems.at[p],
                )

        def drain_write(g, p):
            for b in range(_GF):
                pltpu.make_async_copy(
                    tbl_hbm.at[idx_v.at[g * _GF + b]],
                    rows_v.at[p, pl.ds(b * 128, 128)],
                    sems.at[p],
                ).wait()
            pltpu.sync_copy(
                rows_v.at[p],
                out_hbm.at[pl.ds((crow0 + g * _GF) * 128, _GF * 128)],
            )

        fire(0, 0)

        def body(g2, carry):
            g0 = g2 * 2

            @pl.when(g0 + 1 < ng)
            def _f1():
                fire(g0 + 1, 1)

            drain_write(g0, 0)

            @pl.when(g0 + 1 < ng)
            def _f2():
                @pl.when(g0 + 2 < ng)
                def _f3():
                    fire(g0 + 2, 0)

                drain_write(g0 + 1, 1)

            return carry

        lax.fori_loop(0, (ng + 1) // 2, body, 0)

    return k(table, idx2)


def _p1_body(A, J_ref, h_ref, aai_ref, aaj_ref,
             P_ref, m1_ref, du_ref, sumu_ref, dJa_ref, sumJ_ref, r_ref):
    aaj = jnp.transpose(aaj_ref[...][:, :, :A], (2, 0, 1))
    Ja_l, Jmax_l = [], []
    Jb = jnp.zeros(aaj.shape, jnp.float32)
    sumJ = jnp.zeros(aaj.shape[1:], jnp.float32)
    for a in range(A):
        Js = J_ref[a]
        Ja_l.append((Js * aaj).sum(0))
        Jmax_l.append(Js.max(0))
        Jb = Jb + Js * aai_ref[a][None, None, :]
        sumJ = sumJ + Js.sum(0)
    Ja = jnp.stack(Ja_l)
    Jmax = jnp.stack(Jmax_l)
    r = h_ref[...] + Ja.sum(1)
    u = r[:, None, :] - Ja - Jb
    m1 = (u + Jmax).max(0)
    t = u - m1[None]
    P = jnp.zeros(aaj.shape, jnp.float32)
    for a in range(A):
        P = P + jnp.exp(t[a][None, :, :] + J_ref[a])
    aai = aai_ref[...]
    P_ref[...] = P.astype(jnp.bfloat16)
    m1_ref[...] = m1
    du_ref[...] = (u * aai[:, None, :]).sum(0)
    sumu_ref[...] = u.sum(0)
    dJa_ref[...] = (Ja * aai[:, None, :]).sum(0)
    sumJ_ref[...] = sumJ
    q = (r * aai).sum(0, keepdims=True)
    sr = r.sum(0, keepdims=True)
    mr = r.max(0, keepdims=True)
    sa = aai.sum(0, keepdims=True)
    pad = jnp.zeros((_DPAD - A - 4,) + r.shape[1:], jnp.float32)
    r_ref[...] = jnp.concatenate([r, q, sr, mr, sa, pad], axis=0)


def _p2_body(A, K, P_ref, m1_ref, du_ref, sumu_ref, dJa_ref, sumJ_ref,
             rj_ref, aai_ref, lpij_ref, lpi_ref):
    P = P_ref[...].astype(jnp.float32)
    g = jnp.transpose(rj_ref[...][:, :, :A + 4], (2, 0, 1))
    rj = g[:A]
    dvj, sumv, m2, saj = g[A], g[A + 1], g[A + 2], g[A + 3]
    s = (P * jnp.exp(rj - m2[None])).sum(0)
    lse = m1_ref[...] + m2 + jnp.log(s)
    sai = aai_ref[...].sum(0, keepdims=True)
    lp = du_ref[...] * saj + dvj * sai + dJa_ref[...] - lse * saj * sai
    ssum = A * sumu_ref[...] + A * sumv + sumJ_ref[...] - (A * A) * lse
    nst = A * A
    p_no = (1.0 - _SMOOTHING) ** 2
    p_bg = (1.0 - p_no) / (nst - 1)
    p_fg = p_no - p_bg
    out = p_fg * lp + p_bg * ssum
    lpij_ref[...] = out
    lpi = out.sum(0, keepdims=True) * (1.0 / (2 * K))
    lpi_ref[...] = jnp.broadcast_to(lpi, lpi_ref.shape)


def kernel(h_i, J_ij_ab, aa_i, mask, neighbours):
    N, A = h_i.shape
    K = J_ij_ab.shape[1]
    np_pad = -(-N // 256) * 256

    idxT = jnp.transpose(neighbours.astype(jnp.int32))
    idx2 = jnp.pad(idxT, ((0, 0), (0, np_pad - N))).reshape(-1, 128)
    aa_tab = jnp.concatenate(
        [aa_i, jnp.zeros((N, _DPAD - A), jnp.float32)], axis=-1)

    aajR = _sc_gather(aa_tab, idx2).reshape(K, np_pad, _DPAD)

    JT = jnp.transpose(J_ij_ab, (2, 3, 1, 0))
    hT = h_i.T
    aaiT = aa_i.T

    G = -(-N // _BI)
    ek = lambda s: jax.ShapeDtypeStruct(s, jnp.float32)
    e_spec = pl.BlockSpec((A, K, _BI), lambda i: (0, 0, i))
    s_spec = pl.BlockSpec((K, _BI), lambda i: (0, i))
    n_spec = pl.BlockSpec((A, _BI), lambda i: (0, i))
    g_spec = pl.BlockSpec((K, _BI, _DPAD), lambda i: (0, i, 0))

    P, m1, du, sumu, dJa, sumJ, r32 = pl.pallas_call(
        functools.partial(_p1_body, A),
        grid=(G,),
        in_specs=[
            pl.BlockSpec((A, A, K, _BI), lambda i: (0, 0, 0, i)),
            n_spec, n_spec, g_spec,
        ],
        out_specs=[e_spec, s_spec, s_spec, s_spec, s_spec, s_spec,
                   pl.BlockSpec((_DPAD, _BI), lambda i: (0, i))],
        out_shape=[jax.ShapeDtypeStruct((A, K, N), jnp.bfloat16),
                   ek((K, N)), ek((K, N)), ek((K, N)),
                   ek((K, N)), ek((K, N)), ek((_DPAD, N))],
    )(JT, hT, aaiT, aajR)

    rjR = _sc_gather(r32.T, idx2).reshape(K, np_pad, _DPAD)

    lpij_t, lpi8 = pl.pallas_call(
        functools.partial(_p2_body, A, K),
        grid=(G,),
        in_specs=[e_spec, s_spec, s_spec, s_spec, s_spec, s_spec,
                  g_spec, n_spec],
        out_specs=[s_spec, pl.BlockSpec((8, _BI), lambda i: (0, i))],
        out_shape=[ek((K, N)), ek((8, N))],
    )(P, m1, du, sumu, dJa, sumJ, rjR, aaiT)

    return (lpi8[0], lpij_t.T)

# --- scband reference (transcript-rebuilt; emitter-appended) ---
"""Pipeline reference for scband-potts-sequence-model-65335042506803 (READ-ONLY COPY).

The authoritative reference and input builder live on the scoring server;
editing this copy changes nothing except your own understanding.
"""

import jax, jax.numpy as jnp
import numpy as np

N = 10000
K = 16
A = 20
SMOOTHING = 0.1


def setup_inputs(seed: int = 0) -> dict:
    key = jax.random.key(seed)
    k1, k2, k3, k4 = jax.random.split(key, 4)
    h_i = jax.random.normal(k1, (N, A), dtype=jnp.float32)
    J_ij_ab = jax.random.normal(k2, (N, K, A, A), dtype=jnp.float32) * 0.05
    aa_i = jax.random.uniform(k3, (N, A), dtype=jnp.float32)
    mask = jnp.ones((N,), dtype=jnp.float32)
    neighbours = jax.random.randint(k4, (N, K), 0, N).astype(jnp.int64)
    return {"h_i": h_i, "J_ij_ab": J_ij_ab, "aa_i": aa_i, "mask": mask, "neighbours": neighbours}


def reference(h_i, J_ij_ab, aa_i, mask, neighbours):
    # Faithful translation of _pair_pseudo_likelihood (Potts pair pseudo-likelihood)
    pair_mask = mask[:, None] * mask[neighbours] * (neighbours != -1)
    h = jnp.where(mask[:, None].astype(bool), h_i, 0.0)
    J = jnp.where(pair_mask[..., None, None].astype(bool), J_ij_ab, 0.0)
    aa_j = aa_i[neighbours]  # gather [N, K, A]
    J_ij_a = jnp.einsum('ijab,ijb->ija', J, aa_j)
    J_ij_b = jnp.einsum('ijab,ia->ijb', J, aa_i)
    r_i = h + J_ij_a.sum(axis=1)
    r_j = r_i[neighbours]  # gather [N, K, A]
    r_i_minus_ij = r_i[:, None, :, None] - J_ij_a[:, :, :, None]
    r_j_minus_ji = r_j[:, :, None, :] - J_ij_b[:, :, :, None]
    score_ij = r_i_minus_ij + r_j_minus_ji + J
    score_ij = jax.nn.log_softmax(score_ij, axis=(-1, -2))
    log_p_j = jnp.einsum('ijab,ijb->ija', score_ij, aa_j)
    log_p_ij = jnp.einsum('ija,ia->ij', log_p_j, aa_i)
    if SMOOTHING > 0.0:
        Nst = h.shape[-1] ** 2
        alpha = SMOOTHING
        p_no_smooth = (1 - alpha) ** 2
        p_bg = (1 - p_no_smooth) / (Nst - 1)
        p_fg = p_no_smooth - p_bg
        log_p_ij = p_fg * log_p_ij + p_bg * score_ij.sum(axis=(-1, -2))
    log_p_ij = jnp.where(pair_mask.astype(bool), log_p_ij, 0.0)
    log_p_i = mask * log_p_ij.sum(axis=-1) / jnp.maximum(2 * pair_mask.sum(axis=-1), 2)
    return (log_p_i, log_p_ij)

if __name__ == "__main__":
    import jax
    _d = setup_inputs()
    print(jax.jit(kernel)(*tuple(_d.values())))

</pallas_src>

<mosaic_0001>
#map = affine_map<(d0, d1) -> (0, 0)>
module attributes {stable_mosaic.version = 14 : i64} {
  func.func @k(%arg0: i32, %arg1: i32, %arg2: memref<10000x32xf32, #tpu.memory_space<hbm>>, %arg3: memref<1280x128xi32, #tpu.memory_space<hbm>>, %arg4: memref<163840x32xf32, #tpu.memory_space<hbm>>, %arg5: memref<40x128xi32, #tpu.memory_space<vmem>>, %arg6: memref<2x512x32xf32, #tpu.memory_space<vmem>>, %arg7: memref<2x!tpu.dma_semaphore, #tpu.memory_space<semaphore_mem>>) attributes {dimension_semantics = [#tpu.dimension_semantics<core_parallel>, #tpu.dimension_semantics<subcore_parallel>], iteration_bounds = array<i64: 2, 16>, scalar_prefetch = 0 : i64, scratch_operands = 3 : i64, tpu.core_type = #tpu.core_type<sc_vector_subcore>, window_params = [{transform_indices = #map}, {transform_indices = #map}, {transform_indices = #map}]} {
    %mul3A = arith.constant 2 : i32
    %mul3A_0 = arith.muli %arg1, %mul3A : i32
    %add3A = arith.addi %mul3A_0, %arg0 : i32
    %mul3A_1 = arith.constant 40 : i32
    %mul3A_2 = arith.muli %add3A, %mul3A_1 : i32
    "tpu.region"() ({
      %run_scoped3A = tpu.sem_alloc : memref<!tpu.dma_semaphore, #tpu.memory_space<semaphore_mem>>
      %dma_start3A_67 = arith.constant 0 : i32
      %dma_start3A_68 = tpu.memref_slice %arg3[%mul3A_2, %dma_start3A_67] : memref<1280x128xi32, #tpu.memory_space<hbm>> -> memref<40x128xi32, #tpu.memory_space<hbm>>
      %dma_start3A_69 = arith.constant 0 : i32
      %dma_start3A_70 = tpu.memref_slice %arg3[%mul3A_2, %dma_start3A_69] : memref<1280x128xi32, #tpu.memory_space<hbm>> -> memref<40x128xi32, #tpu.memory_space<hbm>>
      tpu.enqueue_dma source(%dma_start3A_70 : memref<40x128xi32, #tpu.memory_space<hbm>>) target(%arg5 : memref<40x128xi32, #tpu.memory_space<vmem>>) target_semaphore(%run_scoped3A : memref<!tpu.dma_semaphore, #tpu.memory_space<semaphore_mem>>)
      %dma_wait3A = arith.constant 0 : i32
      %dma_wait3A_71 = tpu.memref_slice %arg3[%mul3A_2, %dma_wait3A] : memref<1280x128xi32, #tpu.memory_space<hbm>> -> memref<40x128xi32, #tpu.memory_space<hbm>>
      %dma_wait3A_72 = arith.constant 0 : i32
      %dma_wait3A_73 = tpu.memref_slice %arg3[%mul3A_2, %dma_wait3A_72] : memref<1280x128xi32, #tpu.memory_space<hbm>> -> memref<40x128xi32, #tpu.memory_space<hbm>>
      tpu.wait_dma2 semaphore(%run_scoped3A : memref<!tpu.dma_semaphore, #tpu.memory_space<semaphore_mem>>) src(%dma_wait3A_73 : memref<40x128xi32, #tpu.memory_space<hbm>>) dst(%arg5 : memref<40x128xi32, #tpu.memory_space<vmem>>)
      tpu.yield
    }) : () -> ()
    %dma_start3A = arith.constant 0 : i32
    %dma_start3A_3 = arith.constant 0 : i32
    %dma_start3A_4 = arith.constant 0 : i32
    %dma_start3A_5 = arith.constant 0 : i32
    %dma_start3A_6 = arith.constant 0 : i32
    %dma_start3A_7 = tpu.memref_slice %arg6[%dma_start3A_3, %dma_start3A_5, %dma_start3A_6] : memref<2x512x32xf32, #tpu.memory_space<vmem>> -> memref<1x128x32xf32, #tpu.memory_space<vmem>>
    %dma_start3A_8 = tpu.memref_squeeze %dma_start3A_7 : memref<1x128x32xf32, #tpu.memory_space<vmem>> -> memref<128x32xf32, #tpu.memory_space<vmem>>
    %dma_start3A_9 = arith.constant 0 : i32
    %dma_start3A_10 = tpu.memref_slice %arg5[%dma_start3A, %dma_start3A_9] : memref<40x128xi32, #tpu.memory_space<vmem>> -> memref<1x128xi32, #tpu.memory_space<vmem>>
    %dma_start3A_11 = tpu.memref_squeeze %dma_start3A_10 : memref<1x128xi32, #tpu.memory_space<vmem>> -> memref<128xi32, #tpu.memory_space<vmem>>
    %dma_start3A_12 = arith.constant 0 : i32
    %dma_start3A_13 = arith.constant 0 : i32
    %dma_start3A_14 = tpu.memref_slice %arg2[%dma_start3A_12, %dma_start3A_13] : memref<10000x32xf32, #tpu.memory_space<hbm>> -> memref<10000x32xf32, #tpu.memory_space<hbm>>
    %dma_start3A_15 = tpu.memref_slice %arg7[%dma_start3A_4] : memref<2x!tpu.dma_semaphore, #tpu.memory_space<semaphore_mem>> -> memref<1x!tpu.dma_semaphore, #tpu.memory_space<semaphore_mem>>
    %dma_start3A_16 = tpu.memref_squeeze %dma_start3A_15 : memref<1x!tpu.dma_semaphore, #tpu.memory_space<semaphore_mem>> -> memref<!tpu.dma_semaphore, #tpu.memory_space<semaphore_mem>>
    tpu.enqueue_indirect_dma source(%dma_start3A_14 : memref<10000x32xf32, #tpu.memory_space<hbm>>) target(%dma_start3A_8 : memref<128x32xf32, #tpu.memory_space<vmem>>) offsets(%dma_start3A_11 : memref<128xi32, #tpu.memory_space<vmem>>) semaphore(%dma_start3A_16 : memref<!tpu.dma_semaphore, #tpu.memory_space<semaphore_mem>>)
    %dma_start3A_17 = arith.constant 1 : i32
    %dma_start3A_18 = arith.constant 0 : i32
    %dma_start3A_19 = arith.constant 0 : i32
    %dma_start3A_20 = arith.constant 128 : i32
    %dma_start3A_21 = arith.constant 0 : i32
    %dma_start3A_22 = tpu.memref_slice %arg6[%dma_start3A_18, %dma_start3A_20, %dma_start3A_21] : memref<2x512x32xf32, #tpu.memory_space<vmem>> -> memref<1x128x32xf32, #tpu.memory_space<vmem>>
    %dma_start3A_23 = tpu.memref_squeeze %dma_start3A_22 : memref<1x128x32xf32, #tpu.memory_space<vmem>> -> memref<128x32xf32, #tpu.memory_space<vmem>>
    %dma_start3A_24 = arith.constant 0 : i32
    %dma_start3A_25 = tpu.memref_slice %arg5[%dma_start3A_17, %dma_start3A_24] : memref<40x128xi32, #tpu.memory_space<vmem>> -> memref<1x128xi32, #tpu.memory_space<vmem>>
    %dma_start3A_26 = tpu.memref_squeeze %dma_start3A_25 : memref<1x128xi32, #tpu.memory_space<vmem>> -> memref<128xi32, #tpu.memory_space<vmem>>
    %dma_start3A_27 = arith.constant 0 : i32
    %dma_start3A_28 = arith.constant 0 : i32
    %dma_start3A_29 = tpu.memref_slice %arg2[%dma_start3A_27, %dma_start3A_28] : memref<10000x32xf32, #tpu.memory_space<hbm>> -> memref<10000x32xf32, #tpu.memory_space<hbm>>
    %dma_start3A_30 = tpu.memref_slice %arg7[%dma_start3A_19] : memref<2x!tpu.dma_semaphore, #tpu.memory_space<semaphore_mem>> -> memref<1x!tpu.dma_semaphore, #tpu.memory_space<semaphore_mem>>
    %dma_start3A_31 = tpu.memref_squeeze %dma_start3A_30 : memref<1x!tpu.dma_semaphore, #tpu.memory_space<semaphore_mem>> -> memref<!tpu.dma_semaphore, #tpu.memory_space<semaphore_mem>>
    tpu.enqueue_indirect_dma source(%dma_start3A_29 : memref<10000x32xf32, #tpu.memory_space<hbm>>) target(%dma_start3A_23 : memref<128x32xf32, #tpu.memory_space<vmem>>) offsets(%dma_start3A_26 : memref<128xi32, #tpu.memory_space<vmem>>) semaphore(%dma_start3A_31 : memref<!tpu.dma_semaphore, #tpu.memory_space<semaphore_mem>>)
    %dma_start3A_32 = arith.constant 2 : i32
    %dma_start3A_33 = arith.constant 0 : i32
    %dma_start3A_34 = arith.constant 0 : i32
    %dma_start3A_35 = arith.constant 256 : i32
    %dma_start3A_36 = arith.constant 0 : i32
    %dma_start3A_37 = tpu.memref_slice %arg6[%dma_start3A_33, %dma_start3A_35, %dma_start3A_36] : memref<2x512x32xf32, #tpu.memory_space<vmem>> -> memref<1x128x32xf32, #tpu.memory_space<vmem>>
    %dma_start3A_38 = tpu.memref_squeeze %dma_start3A_37 : memref<1x128x32xf32, #tpu.memory_space<vmem>> -> memref<128x32xf32, #tpu.memory_space<vmem>>
    %dma_start3A_39 = arith.constant 0 : i32
    %dma_start3A_40 = tpu.memref_slice %arg5[%dma_start3A_32, %dma_start3A_39] : memref<40x128xi32, #tpu.memory_space<vmem>> -> memref<1x128xi32, #tpu.memory_space<vmem>>
    %dma_start3A_41 = tpu.memref_squeeze %dma_start3A_40 : memref<1x128xi32, #tpu.memory_space<vmem>> -> memref<128xi32, #tpu.memory_space<vmem>>
    %dma_start3A_42 = arith.constant 0 : i32
    %dma_start3A_43 = arith.constant 0 : i32
    %dma_start3A_44 = tpu.memref_slice %arg2[%dma_start3A_42, %dma_start3A_43] : memref<10000x32xf32, #tpu.memory_space<hbm>> -> memref<10000x32xf32, #tpu.memory_space<hbm>>
    %dma_start3A_45 = tpu.memref_slice %arg7[%dma_start3A_34] : memref<2x!tpu.dma_semaphore, #tpu.memory_space<semaphore_mem>> -> memref<1x!tpu.dma_semaphore, #tpu.memory_space<semaphore_mem>>
    %dma_start3A_46 = tpu.memref_squeeze %dma_start3A_45 : memref<1x!tpu.dma_semaphore, #tpu.memory_space<semaphore_mem>> -> memref<!tpu.dma_semaphore, #tpu.memory_space<semaphore_mem>>
    tpu.enqueue_indirect_dma source(%dma_start3A_44 : memref<10000x32xf32, #tpu.memory_space<hbm>>) target(%dma_start3A_38 : memref<128x32xf32, #tpu.memory_space<vmem>>) offsets(%dma_start3A_41 : memref<128xi32, #tpu.memory_space<vmem>>) semaphore(%dma_start3A_46 : memref<!tpu.dma_semaphore, #tpu.memory_space<semaphore_mem>>)
    %dma_start3A_47 = arith.constant 3 : i32
    %dma_start3A_48 = arith.constant 0 : i32
    %dma_start3A_49 = arith.constant 0 : i32
    %dma_start3A_50 = arith.constant 384 : i32
    %dma_start3A_51 = arith.constant 0 : i32
    %dma_start3A_52 = tpu.memref_slice %arg6[%dma_start3A_48, %dma_start3A_50, %dma_start3A_51] : memref<2x512x32xf32, #tpu.memory_space<vmem>> -> memref<1x128x32xf32, #tpu.memory_space<vmem>>
    %dma_start3A_53 = tpu.memref_squeeze %dma_start3A_52 : memref<1x128x32xf32, #tpu.memory_space<vmem>> -> memref<128x32xf32, #tpu.memory_space<vmem>>
    %dma_start3A_54 = arith.constant 0 : i32
    %dma_start3A_55 = tpu.memref_slice %arg5[%dma_start3A_47, %dma_start3A_54] : memref<40x128xi32, #tpu.memory_space<vmem>> -> memref<1x128xi32, #tpu.memory_space<vmem>>
    %dma_start3A_56 = tpu.memref_squeeze %dma_start3A_55 : memref<1x128xi32, #tpu.memory_space<vmem>> -> memref<128xi32, #tpu.memory_space<vmem>>
    %dma_start3A_57 = arith.constant 0 : i32
    %dma_start3A_58 = arith.constant 0 : i32
    %dma_start3A_59 = tpu.memref_slice %arg2[%dma_start3A_57, %dma_start3A_58] : memref<10000x32xf32, #tpu.memory_space<hbm>> -> memref<10000x32xf32, #tpu.memory_space<hbm>>
    %dma_start3A_60 = tpu.memref_slice %arg7[%dma_start3A_49] : memref<2x!tpu.dma_semaphore, #tpu.memory_space<semaphore_mem>> -> memref<1x!tpu.dma_semaphore, #tpu.memory_space<semaphore_mem>>
    %dma_start3A_61 = tpu.memref_squeeze %dma_start3A_60 : memref<1x!tpu.dma_semaphore, #tpu.memory_space<semaphore_mem>> -> memref<!tpu.dma_semaphore, #tpu.memory_space<semaphore_mem>>
    tpu.enqueue_indirect_dma source(%dma_start3A_59 : memref<10000x32xf32, #tpu.memory_space<hbm>>) target(%dma_start3A_53 : memref<128x32xf32, #tpu.memory_space<vmem>>) offsets(%dma_start3A_56 : memref<128xi32, #tpu.memory_space<vmem>>) semaphore(%dma_start3A_61 : memref<!tpu.dma_semaphore, #tpu.memory_space<semaphore_mem>>)
    %scan3A = arith.constant 0 : i32
    %scan3A_62 = arith.constant 0 : i32
    %scan3A_63 = arith.constant 5 : i32
    %scan3A_64 = arith.addi %scan3A_62, %scan3A_63 : i32
    %scan3A_65 = arith.constant 1 : i32
    scf.for %scan3A_67 = %scan3A_62 to %scan3A_64 step %scan3A_65  : i32 {
      %mul3A_68 = arith.constant 2 : i32
      %mul3A_69 = arith.muli %scan3A_67, %mul3A_68 : i32
      %add3A_70 = arith.constant 1 : i32
      %add3A_71 = arith.addi %mul3A_69, %add3A_70 : i32
      %lt3A = arith.constant 10 : i32
      %lt3A_72 = arith.cmpi slt, %add3A_71, %lt3A : i32
      %convert_element_type3A = arith.extui %lt3A_72 : i1 to i32
      %cond3A = arith.constant 0 : i32
      %cond3A_73 = arith.cmpi ne, %convert_element_type3A, %cond3A : i32
      scf.if %cond3A_73 {
        %add3A_157 = arith.constant 1 : i32
        %add3A_158 = arith.addi %mul3A_69, %add3A_157 : i32
        %mul3A_159 = arith.constant 4 : i32
        %mul3A_160 = arith.muli %add3A_158, %mul3A_159 : i32
        %add3A_161 = arith.constant 0 : i32
        %add3A_162 = arith.addi %mul3A_160, %add3A_161 : i32
        %dma_start3A_163 = arith.constant 1 : i32
        %dma_start3A_164 = arith.constant 1 : i32
        %dma_start3A_165 = arith.constant 0 : i32
        %dma_start3A_166 = arith.constant 0 : i32
        %dma_start3A_167 = tpu.memref_slice %arg6[%dma_start3A_163, %dma_start3A_165, %dma_start3A_166] : memref<2x512x32xf32, #tpu.memory_space<vmem>> -> memref<1x128x32xf32, #tpu.memory_space<vmem>>
        %dma_start3A_168 = tpu.memref_squeeze %dma_start3A_167 : memref<1x128x32xf32, #tpu.memory_space<vmem>> -> memref<128x32xf32, #tpu.memory_space<vmem>>
        %dma_start3A_169 = arith.constant 0 : i32
        %dma_start3A_170 = tpu.memref_slice %arg5[%add3A_162, %dma_start3A_169] : memref<40x128xi32, #tpu.memory_space<vmem>> -> memref<1x128xi32, #tpu.memory_space<vmem>>
        %dma_start3A_171 = tpu.memref_squeeze %dma_start3A_170 : memref<1x128xi32, #tpu.memory_space<vmem>> -> memref<128xi32, #tpu.memory_space<vmem>>
        %dma_start3A_172 = arith.constant 0 : i32
        %dma_start3A_173 = arith.constant 0 : i32
        %dma_start3A_174 = tpu.memref_slice %arg2[%dma_start3A_172, %dma_start3A_173] : memref<10000x32xf32, #tpu.memory_space<hbm>> -> memref<10000x32xf32, #tpu.memory_space<hbm>>
        %dma_start3A_175 = tpu.memref_slice %arg7[%dma_start3A_164] : memref<2x!tpu.dma_semaphore, #tpu.memory_space<semaphore_mem>> -> memref<1x!tpu.dma_semaphore, #tpu.memory_space<semaphore_mem>>
        %dma_start3A_176 = tpu.memref_squeeze %dma_start3A_175 : memref<1x!tpu.dma_semaphore, #tpu.memory_space<semaphore_mem>> -> memref<!tpu.dma_semaphore, #tpu.memory_space<semaphore_mem>>
        tpu.enqueue_indirect_dma source(%dma_start3A_174 : memref<10000x32xf32, #tpu.memory_space<hbm>>) target(%dma_start3A_168 : memref<128x32xf32, #tpu.memory_space<vmem>>) offsets(%dma_start3A_171 : memref<128xi32, #tpu.memory_space<vmem>>) semaphore(%dma_start3A_176 : memref<!tpu.dma_semaphore, #tpu.memory_space<semaphore_mem>>)
        %mul3A_177 = arith.constant 4 : i32
        %mul3A_178 = arith.muli %add3A_158, %mul3A_177 : i32
        %add3A_179 = arith.constant 1 : i32
        %add3A_180 = arith.addi %mul3A_178, %add3A_179 : i32
        %dma_start3A_181 = arith.constant 1 : i32
        %dma_start3A_182 = arith.constant 1 : i32
        %dma_start3A_183 = arith.constant 128 : i32
        %dma_start3A_184 = arith.constant 0 : i32
        %dma_start3A_185 = tpu.memref_slice %arg6[%dma_start3A_181, %dma_start3A_183, %dma_start3A_184] : memref<2x512x32xf32, #tpu.memory_space<vmem>> -> memref<1x128x32xf32, #tpu.memory_space<vmem>>
        %dma_start3A_186 = tpu.memref_squeeze %dma_start3A_185 : memref<1x128x32xf32, #tpu.memory_space<vmem>> -> memref<128x32xf32, #tpu.memory_space<vmem>>
        %dma_start3A_187 = arith.constant 0 : i32
        %dma_start3A_188 = tpu.memref_slice %arg5[%add3A_180, %dma_start3A_187] : memref<40x128xi32, #tpu.memory_space<vmem>> -> memref<1x128xi32, #tpu.memory_space<vmem>>
        %dma_start3A_189 = tpu.memref_squeeze %dma_start3A_188 : memref<1x128xi32, #tpu.memory_space<vmem>> -> memref<128xi32, #tpu.memory_space<vmem>>
        %dma_start3A_190 = arith.constant 0 : i32
        %dma_start3A_191 = arith.constant 0 : i32
        %dma_start3A_192 = tpu.memref_slice %arg2[%dma_start3A_190, %dma_start3A_191] : memref<10000x32xf32, #tpu.memory_space<hbm>> -> memref<10000x32xf32, #tpu.memory_space<hbm>>
        %dma_start3A_193 = tpu.memref_slice %arg7[%dma_start3A_182] : memref<2x!tpu.dma_semaphore, #tpu.memory_space<semaphore_mem>> -> memref<1x!tpu.dma_semaphore, #tpu.memory_space<semaphore_mem>>
        %dma_start3A_194 = tpu.memref_squeeze %dma_start3A_193 : memref<1x!tpu.dma_semaphore, #tpu.memory_space<semaphore_mem>> -> memref<!tpu.dma_semaphore, #tpu.memory_space<semaphore_mem>>
        tpu.enqueue_indirect_dma source(%dma_start3A_192 : memref<10000x32xf32, #tpu.memory_space<hbm>>) target(%dma_start3A_186 : memref<128x32xf32, #tpu.memory_space<vmem>>) offsets(%dma_start3A_189 : memref<128xi32, #tpu.memory_space<vmem>>) semaphore(%dma_start3A_194 : memref<!tpu.dma_semaphore, #tpu.memory_space<semaphore_mem>>)
        %mul3A_195 = arith.constant 4 : i32
        %mul3A_196 = arith.muli %add3A_158, %mul3A_195 : i32
        %add3A_197 = arith.constant 2 : i32
        %add3A_198 = arith.addi %mul3A_196, %add3A_197 : i32
        %dma_start3A_199 = arith.constant 1 : i32
        %dma_start3A_200 = arith.constant 1 : i32
        %dma_start3A_201 = arith.constant 256 : i32
        %dma_start3A_202 = arith.constant 0 : i32
        %dma_start3A_203 = tpu.memref_slice %arg6[%dma_start3A_199, %dma_start3A_201, %dma_start3A_202] : memref<2x512x32xf32, #tpu.memory_space<vmem>> -> memref<1x128x32xf32, #tpu.memory_space<vmem>>
        %dma_start3A_204 = tpu.memref_squeeze %dma_start3A_203 : memref<1x128x32xf32, #tpu.memory_space<vmem>> -> memref<128x32xf32, #tpu.memory_space<vmem>>
        %dma_start3A_205 = arith.constant 0 : i32
        %dma_start3A_206 = tpu.memref_slice %arg5[%add3A_198, %dma_start3A_205] : memref<40x128xi32, #tpu.memory_space<vmem>> -> memref<1x128xi32, #tpu.memory_space<vmem>>
        %dma_start3A_207 = tpu.memref_squeeze %dma_start3A_206 : memref<1x128xi32, #tpu.memory_space<vmem>> -> memref<128xi32, #tpu.memory_space<vmem>>
        %dma_start3A_208 = arith.constant 0 : i32
        %dma_start3A_209 = arith.constant 0 : i32
        %dma_start3A_210 = tpu.memref_slice %arg2[%dma_start3A_208, %dma_start3A_209] : memref<10000x32xf32, #tpu.memory_space<hbm>> -> memref<10000x32xf32, #tpu.memory_space<hbm>>
        %dma_start3A_211 = tpu.memref_slice %arg7[%dma_start3A_200] : memref<2x!tpu.dma_semaphore, #tpu.memory_space<semaphore_mem>> -> memref<1x!tpu.dma_semaphore, #tpu.memory_space<semaphore_mem>>
        %dma_start3A_212 = tpu.memref_squeeze %dma_start3A_211 : memref<1x!tpu.dma_semaphore, #tpu.memory_space<semaphore_mem>> -> memref<!tpu.dma_semaphore, #tpu.memory_space<semaphore_mem>>
        tpu.enqueue_indirect_dma source(%dma_start3A_210 : memref<10000x32xf32, #tpu.memory_space<hbm>>) target(%dma_start3A_204 : memref<128x32xf32, #tpu.memory_space<vmem>>) offsets(%dma_start3A_207 : memref<128xi32, #tpu.memory_space<vmem>>) semaphore(%dma_start3A_212 : memref<!tpu.dma_semaphore, #tpu.memory_space<semaphore_mem>>)
        %mul3A_213 = arith.constant 4 : i32
        %mul3A_214 = arith.muli %add3A_158, %mul3A_213 : i32
        %add3A_215 = arith.constant 3 : i32
        %add3A_216 = arith.addi %mul3A_214, %add3A_215 : i32
        %dma_start3A_217 = arith.constant 1 : i32
        %dma_start3A_218 = arith.constant 1 : i32
        %dma_start3A_219 = arith.constant 384 : i32
        %dma_start3A_220 = arith.constant 0 : i32
        %dma_start3A_221 = tpu.memref_slice %arg6[%dma_start3A_217, %dma_start3A_219, %dma_start3A_220] : memref<2x512x32xf32, #tpu.memory_space<vmem>> -> memref<1x128x32xf32, #tpu.memory_space<vmem>>
        %dma_start3A_222 = tpu.memref_squeeze %dma_start3A_221 : memref<1x128x32xf32, #tpu.memory_space<vmem>> -> memref<128x32xf32, #tpu.memory_space<vmem>>
        %dma_start3A_223 = arith.constant 0 : i32
        %dma_start3A_224 = tpu.memref_slice %arg5[%add3A_216, %dma_start3A_223] : memref<40x128xi32, #tpu.memory_space<vmem>> -> memref<1x128xi32, #tpu.memory_space<vmem>>
        %dma_start3A_225 = tpu.memref_squeeze %dma_start3A_224 : memref<1x128xi32, #tpu.memory_space<vmem>> -> memref<128xi32, #tpu.memory_space<vmem>>
        %dma_start3A_226 = arith.constant 0 : i32
        %dma_start3A_227 = arith.constant 0 : i32
        %dma_start3A_228 = tpu.memref_slice %arg2[%dma_start3A_226, %dma_start3A_227] : memref<10000x32xf32, #tpu.memory_space<hbm>> -> memref<10000x32xf32, #tpu.memory_space<hbm>>
        %dma_start3A_229 = tpu.memref_slice %arg7[%dma_start3A_218] : memref<2x!tpu.dma_semaphore, #tpu.memory_space<semaphore_mem>> -> memref<1x!tpu.dma_semaphore, #tpu.memory_space<semaphore_mem>>
        %dma_start3A_230 = tpu.memref_squeeze %dma_start3A_229 : memref<1x!tpu.dma_semaphore, #tpu.memory_space<semaphore_mem>> -> memref<!tpu.dma_semaphore, #tpu.memory_space<semaphore_mem>>
        tpu.enqueue_indirect_dma source(%dma_start3A_228 : memref<10000x32xf32, #tpu.memory_space<hbm>>) target(%dma_start3A_222 : memref<128x32xf32, #tpu.memory_space<vmem>>) offsets(%dma_start3A_225 : memref<128xi32, #tpu.memory_space<vmem>>) semaphore(%dma_start3A_230 : memref<!tpu.dma_semaphore, #tpu.memory_space<semaphore_mem>>)
      } else {
      }
      %mul3A_74 = arith.constant 4 : i32
      %mul3A_75 = arith.muli %mul3A_69, %mul3A_74 : i32
      %add3A_76 = arith.constant 0 : i32
      %add3A_77 = arith.addi %mul3A_75, %add3A_76 : i32
      %dma_wait3A = arith.constant 0 : i32
      %dma_wait3A_78 = arith.constant 0 : i32
      %dma_wait3A_79 = arith.constant 0 : i32
      %dma_wait3A_80 = arith.constant 0 : i32
      %dma_wait3A_81 = tpu.memref_slice %arg6[%dma_wait3A, %dma_wait3A_79, %dma_wait3A_80] : memref<2x512x32xf32, #tpu.memory_space<vmem>> -> memref<1x128x32xf32, #tpu.memory_space<vmem>>
      %dma_wait3A_82 = tpu.memref_squeeze %dma_wait3A_81 : memref<1x128x32xf32, #tpu.memory_space<vmem>> -> memref<128x32xf32, #tpu.memory_space<vmem>>
      %dma_wait3A_83 = arith.constant 0 : i32
      %dma_wait3A_84 = tpu.memref_slice %arg5[%add3A_77, %dma_wait3A_83] : memref<40x128xi32, #tpu.memory_space<vmem>> -> memref<1x128xi32, #tpu.memory_space<vmem>>
      %dma_wait3A_85 = tpu.memref_squeeze %dma_wait3A_84 : memref<1x128xi32, #tpu.memory_space<vmem>> -> memref<128xi32, #tpu.memory_space<vmem>>
      %dma_wait3A_86 = arith.constant 0 : i32
      %dma_wait3A_87 = arith.constant 0 : i32
      %dma_wait3A_88 = tpu.memref_slice %arg2[%dma_wait3A_86, %dma_wait3A_87] : memref<10000x32xf32, #tpu.memory_space<hbm>> -> memref<10000x32xf32, #tpu.memory_space<hbm>>
      %dma_wait3A_89 = tpu.memref_slice %arg7[%dma_wait3A_78] : memref<2x!tpu.dma_semaphore, #tpu.memory_space<semaphore_mem>> -> memref<1x!tpu.dma_semaphore, #tpu.memory_space<semaphore_mem>>
      %dma_wait3A_90 = tpu.memref_squeeze %dma_wait3A_89 : memref<1x!tpu.dma_semaphore, #tpu.memory_space<semaphore_mem>> -> memref<!tpu.dma_semaphore, #tpu.memory_space<semaphore_mem>>
      tpu.wait_indirect_dma semaphore(%dma_wait3A_90 : memref<!tpu.dma_semaphore, #tpu.memory_space<semaphore_mem>>) src(%dma_wait3A_88 : memref<10000x32xf32, #tpu.memory_space<hbm>>) dst(%dma_wait3A_82 : memref<128x32xf32, #tpu.memory_space<vmem>>)
      %mul3A_91 = arith.constant 4 : i32
      %mul3A_92 = arith.muli %mul3A_69, %mul3A_91 : i32
      %add3A_93 = arith.constant 1 : i32
      %add3A_94 = arith.addi %mul3A_92, %add3A_93 : i32
      %dma_wait3A_95 = arith.constant 0 : i32
      %dma_wait3A_96 = arith.constant 0 : i32
      %dma_wait3A_97 = arith.constant 128 : i32
      %dma_wait3A_98 = arith.constant 0 : i32
      %dma_wait3A_99 = tpu.memref_slice %arg6[%dma_wait3A_95, %dma_wait3A_97, %dma_wait3A_98] : memref<2x512x32xf32, #tpu.memory_space<vmem>> -> memref<1x128x32xf32, #tpu.memory_space<vmem>>
      %dma_wait3A_100 = tpu.memref_squeeze %dma_wait3A_99 : memref<1x128x32xf32, #tpu.memory_space<vmem>> -> memref<128x32xf32, #tpu.memory_space<vmem>>
      %dma_wait3A_101 = arith.constant 0 : i32
      %dma_wait3A_102 = tpu.memref_slice %arg5[%add3A_94, %dma_wait3A_101] : memref<40x128xi32, #tpu.memory_space<vmem>> -> memref<1x128xi32, #tpu.memory_space<vmem>>
      %dma_wait3A_103 = tpu.memref_squeeze %dma_wait3A_102 : memref<1x128xi32, #tpu.memory_space<vmem>> -> memref<128xi32, #tpu.memory_space<vmem>>
      %dma_wait3A_104 = arith.constant 0 : i32
      %dma_wait3A_105 = arith.constant 0 : i32
      %dma_wait3A_106 = tpu.memref_slice %arg2[%dma_wait3A_104, %dma_wait3A_105] : memref<10000x32xf32, #tpu.memory_space<hbm>> -> memref<10000x32xf32, #tpu.memory_space<hbm>>
      %dma_wait3A_107 = tpu.memref_slice %arg7[%dma_wait3A_96] : memref<2x!tpu.dma_semaphore, #tpu.memory_space<semaphore_mem>> -> memref<1x!tpu.dma_semaphore, #tpu.memory_space<semaphore_mem>>
      %dma_wait3A_108 = tpu.memref_squeeze %dma_wait3A_107 : memref<1x!tpu.dma_semaphore, #tpu.memory_space<semaphore_mem>> -> memref<!tpu.dma_semaphore, #tpu.memory_space<semaphore_mem>>
      tpu.wait_indirect_dma semaphore(%dma_wait3A_108 : memref<!tpu.dma_semaphore, #tpu.memory_space<semaphore_mem>>) src(%dma_wait3A_106 : memref<10000x32xf32, #tpu.memory_space<hbm>>) dst(%dma_wait3A_100 : memref<128x32xf32, #tpu.memory_space<vmem>>)
      %mul3A_109 = arith.constant 4 : i32
      %mul3A_110 = arith.muli %mul3A_69, %mul3A_109 : i32
      %add3A_111 = arith.constant 2 : i32
      %add3A_112 = arith.addi %mul3A_110, %add3A_111 : i32
      %dma_wait3A_113 = arith.constant 0 : i32
      %dma_wait3A_114 = arith.constant 0 : i32
      %dma_wait3A_115 = arith.constant 256 : i32
      %dma_wait3A_116 = arith.constant 0 : i32
      %dma_wait3A_117 = tpu.memref_slice %arg6[%dma_wait3A_113, %dma_wait3A_115, %dma_wait3A_116] : memref<2x512x32xf32, #tpu.memory_space<vmem>> -> memref<1x128x32xf32, #tpu.memory_space<vmem>>
      %dma_wait3A_118 = tpu.memref_squeeze %dma_wait3A_117 : memref<1x128x32xf32, #tpu.memory_space<vmem>> -> memref<128x32xf32, #tpu.memory_space<vmem>>
      %dma_wait3A_119 = arith.constant 0 : i32
      %dma_wait3A_120 = tpu.memref_slice %arg5[%add3A_112, %dma_wait3A_119] : memref<40x128xi32, #tpu.memory_space<vmem>> -> memref<1x128xi32, #tpu.memory_space<vmem>>
      %dma_wait3A_121 = tpu.memref_squeeze %dma_wait3A_120 : memref<1x128xi32, #tpu.memory_space<vmem>> -> memref<128xi32, #tpu.memory_space<vmem>>
      %dma_wait3A_122 = arith.constant 0 : i32
      %dma_wait3A_123 = arith.constant 0 : i32
      %dma_wait3A_124 = tpu.memref_slice %arg2[%dma_wait3A_122, %dma_wait3A_123] : memref<10000x32xf32, #tpu.memory_space<hbm>> -> memref<10000x32xf32, #tpu.memory_space<hbm>>
      %dma_wait3A_125 = tpu.memref_slice %arg7[%dma_wait3A_114] : memref<2x!tpu.dma_semaphore, #tpu.memory_space<semaphore_mem>> -> memref<1x!tpu.dma_semaphore, #tpu.memory_space<semaphore_mem>>
      %dma_wait3A_126 = tpu.memref_squeeze %dma_wait3A_125 : memref<1x!tpu.dma_semaphore, #tpu.memory_space<semaphore_mem>> -> memref<!tpu.dma_semaphore, #tpu.memory_space<semaphore_mem>>
      tpu.wait_indirect_dma semaphore(%dma_wait3A_126 : memref<!tpu.dma_semaphore, #tpu.memory_space<semaphore_mem>>) src(%dma_wait3A_124 : memref<10000x32xf32, #tpu.memory_space<hbm>>) dst(%dma_wait3A_118 : memref<128x32xf32, #tpu.memory_space<vmem>>)
      %mul3A_127 = arith.constant 4 : i32
      %mul3A_128 = arith.muli %mul3A_69, %mul3A_127 : i32
      %add3A_129 = arith.constant 3 : i32
      %add3A_130 = arith.addi %mul3A_128, %add3A_129 : i32
      %dma_wait3A_131 = arith.constant 0 : i32
      %dma_wait3A_132 = arith.constant 0 : i32
      %dma_wait3A_133 = arith.constant 384 : i32
      %dma_wait3A_134 = arith.constant 0 : i32
      %dma_wait3A_135 = tpu.memref_slice %arg6[%dma_wait3A_131, %dma_wait3A_133, %dma_wait3A_134] : memref<2x512x32xf32, #tpu.memory_space<vmem>> -> memref<1x128x32xf32, #tpu.memory_space<vmem>>
      %dma_wait3A_136 = tpu.memref_squeeze %dma_wait3A_135 : memref<1x128x32xf32, #tpu.memory_space<vmem>> -> memref<128x32xf32, #tpu.memory_space<vmem>>
      %dma_wait3A_137 = arith.constant 0 : i32
      %dma_wait3A_138 = tpu.memref_slice %arg5[%add3A_130, %dma_wait3A_137] : memref<40x128xi32, #tpu.memory_space<vmem>> -> memref<1x128xi32, #tpu.memory_space<vmem>>
      %dma_wait3A_139 = tpu.memref_squeeze %dma_wait3A_138 : memref<1x128xi32, #tpu.memory_space<vmem>> -> memref<128xi32, #tpu.memory_space<vmem>>
      %dma_wait3A_140 = arith.constant 0 : i32
      %dma_wait3A_141 = arith.constant 0 : i32
      %dma_wait3A_142 = tpu.memref_slice %arg2[%dma_wait3A_140, %dma_wait3A_141] : memref<10000x32xf32, #tpu.memory_space<hbm>> -> memref<10000x32xf32, #tpu.memory_space<hbm>>
      %dma_wait3A_143 = tpu.memref_slice %arg7[%dma_wait3A_132] : memref<2x!tpu.dma_semaphore, #tpu.memory_space<semaphore_mem>> -> memref<1x!tpu.dma_semaphore, #tpu.memory_space<semaphore_mem>>
      %dma_wait3A_144 = tpu.memref_squeeze %dma_wait3A_143 : memref<1x!tpu.dma_semaphore, #tpu.memory_space<semaphore_mem>> -> memref<!tpu.dma_semaphore, #tpu.memory_space<semaphore_mem>>
      tpu.wait_indirect_dma semaphore(%dma_wait3A_144 : memref<!tpu.dma_semaphore, #tpu.memory_space<semaphore_mem>>) src(%dma_wait3A_142 : memref<10000x32xf32, #tpu.memory_space<hbm>>) dst(%dma_wait3A_136 : memref<128x32xf32, #tpu.memory_space<vmem>>)
      %mul3A_145 = arith.constant 4 : i32
      %mul3A_146 = arith.muli %mul3A_69, %mul3A_145 : i32
      %add3A_147 = arith.addi %mul3A_2, %mul3A_146 : i32
      %mul3A_148 = arith.constant 128 : i32
      %mul3A_149 = arith.muli %add3A_147, %mul3A_148 : i32
      %run_scoped3A = arith.constant 0 : i32
      "tpu.region"() ({
        %run_scoped3A_157 = tpu.sem_alloc : memref<!tpu.dma_semaphore, #tpu.memory_space<semaphore_mem>>
        %dma_start3A_158 = arith.constant 0 : i32
        %dma_start3A_159 = arith.constant 0 : i32
        %dma_start3A_160 = tpu.memref_slice %arg6[%run_scoped3A, %dma_start3A_158, %dma_start3A_159] : memref<2x512x32xf32, #tpu.memory_space<vmem>> -> memref<1x512x32xf32, #tpu.memory_space<vmem>>
        %dma_start3A_161 = tpu.memref_squeeze %dma_start3A_160 : memref<1x512x32xf32, #tpu.memory_space<vmem>> -> memref<512x32xf32, #tpu.memory_space<vmem>>
        %dma_start3A_162 = arith.constant 0 : i32
        %dma_start3A_163 = tpu.memref_slice %arg4[%mul3A_149, %dma_start3A_162] : memref<163840x32xf32, #tpu.memory_space<hbm>> -> memref<512x32xf32, #tpu.memory_space<hbm>>
        %dma_start3A_164 = arith.constant 0 : i32
        %dma_start3A_165 = tpu.memref_slice %arg4[%mul3A_149, %dma_start3A_164] : memref<163840x32xf32, #tpu.memory_space<hbm>> -> memref<512x32xf32, #tpu.memory_space<hbm>>
        %dma_start3A_166 = arith.constant 0 : i32
        %dma_start3A_167 = arith.constant 0 : i32
        %dma_start3A_168 = tpu.memref_slice %arg6[%run_scoped3A, %dma_start3A_166, %dma_start3A_167] : memref<2x512x32xf32, #tpu.memory_space<vmem>> -> memref<1x512x32xf32, #tpu.memory_space<vmem>>
        %dma_start3A_169 = tpu.memref_squeeze %dma_start3A_168 : memref<1x512x32xf32, #tpu.memory_space<vmem>> -> memref<512x32xf32, #tpu.memory_space<vmem>>
        tpu.enqueue_dma source(%dma_start3A_169 : memref<512x32xf32, #tpu.memory_space<vmem>>) target(%dma_start3A_165 : memref<512x32xf32, #tpu.memory_space<hbm>>) target_semaphore(%run_scoped3A_157 : memref<!tpu.dma_semaphore, #tpu.memory_space<semaphore_mem>>)
        %dma_wait3A_170 = arith.constant 0 : i32
        %dma_wait3A_171 = arith.constant 0 : i32
        %dma_wait3A_172 = tpu.memref_slice %arg6[%run_scoped3A, %dma_wait3A_170, %dma_wait3A_171] : memref<2x512x32xf32, #tpu.memory_space<vmem>> -> memref<1x512x32xf32, #tpu.memory_space<vmem>>
        %dma_wait3A_173 = tpu.memref_squeeze %dma_wait3A_172 : memref<1x512x32xf32, #tpu.memory_space<vmem>> -> memref<512x32xf32, #tpu.memory_space<vmem>>
        %dma_wait3A_174 = arith.constant 0 : i32
        %dma_wait3A_175 = tpu.memref_slice %arg4[%mul3A_149, %dma_wait3A_174] : memref<163840x32xf32, #tpu.memory_space<hbm>> -> memref<512x32xf32, #tpu.memory_space<hbm>>
        %dma_wait3A_176 = arith.constant 0 : i32
        %dma_wait3A_177 = tpu.memref_slice %arg4[%mul3A_149, %dma_wait3A_176] : memref<163840x32xf32, #tpu.memory_space<hbm>> -> memref<512x32xf32, #tpu.memory_space<hbm>>
        %dma_wait3A_178 = arith.constant 0 : i32
        %dma_wait3A_179 = arith.constant 0 : i32
        %dma_wait3A_180 = tpu.memref_slice %arg6[%run_scoped3A, %dma_wait3A_178, %dma_wait3A_179] : memref<2x512x32xf32, #tpu.memory_space<vmem>> -> memref<1x512x32xf32, #tpu.memory_space<vmem>>
        %dma_wait3A_181 = tpu.memref_squeeze %dma_wait3A_180 : memref<1x512x32xf32, #tpu.memory_space<vmem>> -> memref<512x32xf32, #tpu.memory_space<vmem>>
        tpu.wait_dma2 semaphore(%run_scoped3A_157 : memref<!tpu.dma_semaphore, #tpu.memory_space<semaphore_mem>>) src(%dma_wait3A_181 : memref<512x32xf32, #tpu.memory_space<vmem>>) dst(%dma_wait3A_177 : memref<512x32xf32, #tpu.memory_space<hbm>>)
        tpu.yield
      }) : () -> ()
      %add3A_150 = arith.constant 1 : i32
      %add3A_151 = arith.addi %mul3A_69, %add3A_150 : i32
      %lt3A_152 = arith.constant 10 : i32
      %lt3A_153 = arith.cmpi slt, %add3A_151, %lt3A_152 : i32
      %convert_element_type3A_154 = arith.extui %lt3A_153 : i1 to i32
      %cond3A_155 = arith.constant 0 : i32
      %cond3A_156 = arith.cmpi ne, %convert_element_type3A_154, %cond3A_155 : i32
      scf.if %cond3A_156 {
        %add3A_157 = arith.constant 2 : i32
        %add3A_158 = arith.addi %mul3A_69, %add3A_157 : i32
        %lt3A_159 = arith.constant 10 : i32
        %lt3A_160 = arith.cmpi slt, %add3A_158, %lt3A_159 : i32
        %convert_element_type3A_161 = arith.extui %lt3A_160 : i1 to i32
        %cond3A_162 = arith.constant 0 : i32
        %cond3A_163 = arith.cmpi ne, %convert_element_type3A_161, %cond3A_162 : i32
        scf.if %cond3A_163 {
          %add3A_244 = arith.constant 2 : i32
          %add3A_245 = arith.addi %mul3A_69, %add3A_244 : i32
          %mul3A_246 = arith.constant 4 : i32
          %mul3A_247 = arith.muli %add3A_245, %mul3A_246 : i32
          %add3A_248 = arith.constant 0 : i32
          %add3A_249 = arith.addi %mul3A_247, %add3A_248 : i32
          %dma_start3A_250 = arith.constant 0 : i32
          %dma_start3A_251 = arith.constant 0 : i32
          %dma_start3A_252 = arith.constant 0 : i32
          %dma_start3A_253 = arith.constant 0 : i32
          %dma_start3A_254 = tpu.memref_slice %arg6[%dma_start3A_250, %dma_start3A_252, %dma_start3A_253] : memref<2x512x32xf32, #tpu.memory_space<vmem>> -> memref<1x128x32xf32, #tpu.memory_space<vmem>>
          %dma_start3A_255 = tpu.memref_squeeze %dma_start3A_254 : memref<1x128x32xf32, #tpu.memory_space<vmem>> -> memref<128x32xf32, #tpu.memory_space<vmem>>
          %dma_start3A_256 = arith.constant 0 : i32
          %dma_start3A_257 = tpu.memref_slice %arg5[%add3A_249, %dma_start3A_256] : memref<40x128xi32, #tpu.memory_space<vmem>> -> memref<1x128xi32, #tpu.memory_space<vmem>>
          %dma_start3A_258 = tpu.memref_squeeze %dma_start3A_257 : memref<1x128xi32, #tpu.memory_space<vmem>> -> memref<128xi32, #tpu.memory_space<vmem>>
          %dma_start3A_259 = arith.constant 0 : i32
          %dma_start3A_260 = arith.constant 0 : i32
          %dma_start3A_261 = tpu.memref_slice %arg2[%dma_start3A_259, %dma_start3A_260] : memref<10000x32xf32, #tpu.memory_space<hbm>> -> memref<10000x32xf32, #tpu.memory_space<hbm>>
          %dma_start3A_262 = tpu.memref_slice %arg7[%dma_start3A_251] : memref<2x!tpu.dma_semaphore, #tpu.memory_space<semaphore_mem>> -> memref<1x!tpu.dma_semaphore, #tpu.memory_space<semaphore_mem>>
          %dma_start3A_263 = tpu.memref_squeeze %dma_start3A_262 : memref<1x!tpu.dma_semaphore, #tpu.memory_space<semaphore_mem>> -> memref<!tpu.dma_semaphore, #tpu.memory_space<semaphore_mem>>
          tpu.enqueue_indirect_dma source(%dma_start3A_261 : memref<10000x32xf32, #tpu.memory_space<hbm>>) target(%dma_start3A_255 : memref<128x32xf32, #tpu.memory_space<vmem>>) offsets(%dma_start3A_258 : memref<128xi32, #tpu.memory_space<vmem>>) semaphore(%dma_start3A_263 : memref<!tpu.dma_semaphore, #tpu.memory_space<semaphore_mem>>)
          %mul3A_264 = arith.constant 4 : i32
          %mul3A_265 = arith.muli %add3A_245, %mul3A_264 : i32
          %add3A_266 = arith.constant 1 : i32
          %add3A_267 = arith.addi %mul3A_265, %add3A_266 : i32
          %dma_start3A_268 = arith.constant 0 : i32
          %dma_start3A_269 = arith.constant 0 : i32
          %dma_start3A_270 = arith.constant 128 : i32
          %dma_start3A_271 = arith.constant 0 : i32
          %dma_start3A_272 = tpu.memref_slice %arg6[%dma_start3A_268, %dma_start3A_270, %dma_start3A_271] : memref<2x512x32xf32, #tpu.memory_space<vmem>> -> memref<1x128x32xf32, #tpu.memory_space<vmem>>
          %dma_start3A_273 = tpu.memref_squeeze %dma_start3A_272 : memref<1x128x32xf32, #tpu.memory_space<vmem>> -> memref<128x32xf32, #tpu.memory_space<vmem>>
          %dma_start3A_274 = arith.constant 0 : i32
          %dma_start3A_275 = tpu.memref_slice %arg5[%add3A_267, %dma_start3A_274] : memref<40x128xi32, #tpu.memory_space<vmem>> -> memref<1x128xi32, #tpu.memory_space<vmem>>
          %dma_start3A_276 = tpu.memref_squeeze %dma_start3A_275 : memref<1x128xi32, #tpu.memory_space<vmem>> -> memref<128xi32, #tpu.memory_space<vmem>>
          %dma_start3A_277 = arith.constant 0 : i32
          %dma_start3A_278 = arith.constant 0 : i32
          %dma_start3A_279 = tpu.memref_slice %arg2[%dma_start3A_277, %dma_start3A_278] : memref<10000x32xf32, #tpu.memory_space<hbm>> -> memref<10000x32xf32, #tpu.memory_space<hbm>>
          %dma_start3A_280 = tpu.memref_slice %arg7[%dma_start3A_269] : memref<2x!tpu.dma_semaphore, #tpu.memory_space<semaphore_mem>> -> memref<1x!tpu.dma_semaphore, #tpu.memory_space<semaphore_mem>>
          %dma_start3A_281 = tpu.memref_squeeze %dma_start3A_280 : memref<1x!tpu.dma_semaphore, #tpu.memory_space<semaphore_mem>> -> memref<!tpu.dma_semaphore, #tpu.memory_space<semaphore_mem>>
          tpu.enqueue_indirect_dma source(%dma_start3A_279 : memref<10000x32xf32, #tpu.memory_space<hbm>>) target(%dma_start3A_273 : memref<128x32xf32, #tpu.memory_space<vmem>>) offsets(%dma_start3A_276 : memref<128xi32, #tpu.memory_space<vmem>>) semaphore(%dma_start3A_281 : memref<!tpu.dma_semaphore, #tpu.memory_space<semaphore_mem>>)
          %mul3A_282 = arith.constant 4 : i32
          %mul3A_283 = arith.muli %add3A_245, %mul3A_282 : i32
          %add3A_284 = arith.constant 2 : i32
          %add3A_285 = arith.addi %mul3A_283, %add3A_284 : i32
          %dma_start3A_286 = arith.constant 0 : i32
          %dma_start3A_287 = arith.constant 0 : i32
          %dma_start3A_288 = arith.constant 256 : i32
          %dma_start3A_289 = arith.constant 0 : i32
          %dma_start3A_290 = tpu.memref_slice %arg6[%dma_start3A_286, %dma_start3A_288, %dma_start3A_289] : memref<2x512x32xf32, #tpu.memory_space<vmem>> -> memref<1x128x32xf32, #tpu.memory_space<vmem>>
          %dma_start3A_291 = tpu.memref_squeeze %dma_start3A_290 : memref<1x128x32xf32, #tpu.memory_space<vmem>> -> memref<128x32xf32, #tpu.memory_space<vmem>>
          %dma_start3A_292 = arith.constant 0 : i32
          %dma_start3A_293 = tpu.memref_slice %arg5[%add3A_285, %dma_start3A_292] : memref<40x128xi32, #tpu.memory_space<vmem>> -> memref<1x128xi32, #tpu.memory_space<vmem>>
          %dma_start3A_294 = tpu.memref_squeeze %dma_start3A_293 : memref<1x128xi32, #tpu.memory_space<vmem>> -> memref<128xi32, #tpu.memory_space<vmem>>
          %dma_start3A_295 = arith.constant 0 : i32
          %dma_start3A_296 = arith.constant 0 : i32
          %dma_start3A_297 = tpu.memref_slice %arg2[%dma_start3A_295, %dma_start3A_296] : memref<10000x32xf32, #tpu.memory_space<hbm>> -> memref<10000x32xf32, #tpu.memory_space<hbm>>
          %dma_start3A_298 = tpu.memref_slice %arg7[%dma_start3A_287] : memref<2x!tpu.dma_semaphore, #tpu.memory_space<semaphore_mem>> -> memref<1x!tpu.dma_semaphore, #tpu.memory_space<semaphore_mem>>
          %dma_start3A_299 = tpu.memref_squeeze %dma_start3A_298 : memref<1x!tpu.dma_semaphore, #tpu.memory_space<semaphore_mem>> -> memref<!tpu.dma_semaphore, #tpu.memory_space<semaphore_mem>>
          tpu.enqueue_indirect_dma source(%dma_start3A_297 : memref<10000x32xf32, #tpu.memory_space<hbm>>) target(%dma_start3A_291 : memref<128x32xf32, #tpu.memory_space<vmem>>) offsets(%dma_start3A_294 : memref<128xi32, #tpu.memory_space<vmem>>) semaphore(%dma_start3A_299 : memref<!tpu.dma_semaphore, #tpu.memory_space<semaphore_mem>>)
          %mul3A_300 = arith.constant 4 : i32
          %mul3A_301 = arith.muli %add3A_245, %mul3A_300 : i32
          %add3A_302 = arith.constant 3 : i32
          %add3A_303 = arith.addi %mul3A_301, %add3A_302 : i32
          %dma_start3A_304 = arith.constant 0 : i32
          %dma_start3A_305 = arith.constant 0 : i32
          %dma_start3A_306 = arith.constant 384 : i32
          %dma_start3A_307 = arith.constant 0 : i32
          %dma_start3A_308 = tpu.memref_slice %arg6[%dma_start3A_304, %dma_start3A_306, %dma_start3A_307] : memref<2x512x32xf32, #tpu.memory_space<vmem>> -> memref<1x128x32xf32, #tpu.memory_space<vmem>>
          %dma_start3A_309 = tpu.memref_squeeze %dma_start3A_308 : memref<1x128x32xf32, #tpu.memory_space<vmem>> -> memref<128x32xf32, #tpu.memory_space<vmem>>
          %dma_start3A_310 = arith.constant 0 : i32
          %dma_start3A_311 = tpu.memref_slice %arg5[%add3A_303, %dma_start3A_310] : memref<40x128xi32, #tpu.memory_space<vmem>> -> memref<1x128xi32, #tpu.memory_space<vmem>>
          %dma_start3A_312 = tpu.memref_squeeze %dma_start3A_311 : memref<1x128xi32, #tpu.memory_space<vmem>> -> memref<128xi32, #tpu.memory_space<vmem>>
          %dma_start3A_313 = arith.constant 0 : i32
          %dma_start3A_314 = arith.constant 0 : i32
          %dma_start3A_315 = tpu.memref_slice %arg2[%dma_start3A_313, %dma_start3A_314] : memref<10000x32xf32, #tpu.memory_space<hbm>> -> memref<10000x32xf32, #tpu.memory_space<hbm>>
          %dma_start3A_316 = tpu.memref_slice %arg7[%dma_start3A_305] : memref<2x!tpu.dma_semaphore, #tpu.memory_space<semaphore_mem>> -> memref<1x!tpu.dma_semaphore, #tpu.memory_space<semaphore_mem>>
          %dma_start3A_317 = tpu.memref_squeeze %dma_start3A_316 : memref<1x!tpu.dma_semaphore, #tpu.memory_space<semaphore_mem>> -> memref<!tpu.dma_semaphore, #tpu.memory_space<semaphore_mem>>
          tpu.enqueue_indirect_dma source(%dma_start3A_315 : memref<10000x32xf32, #tpu.memory_space<hbm>>) target(%dma_start3A_309 : memref<128x32xf32, #tpu.memory_space<vmem>>) offsets(%dma_start3A_312 : memref<128xi32, #tpu.memory_space<vmem>>) semaphore(%dma_start3A_317 : memref<!tpu.dma_semaphore, #tpu.memory_space<semaphore_mem>>)
        } else {
        }
        %add3A_164 = arith.constant 1 : i32
        %add3A_165 = arith.addi %mul3A_69, %add3A_164 : i32
        %mul3A_166 = arith.constant 4 : i32
        %mul3A_167 = arith.muli %add3A_165, %mul3A_166 : i32
        %add3A_168 = arith.constant 0 : i32
        %add3A_169 = arith.addi %mul3A_167, %add3A_168 : i32
        %dma_wait3A_170 = arith.constant 1 : i32
        %dma_wait3A_171 = arith.constant 1 : i32
        %dma_wait3A_172 = arith.constant 0 : i32
        %dma_wait3A_173 = arith.constant 0 : i32
        %dma_wait3A_174 = tpu.memref_slice %arg6[%dma_wait3A_170, %dma_wait3A_172, %dma_wait3A_173] : memref<2x512x32xf32, #tpu.memory_space<vmem>> -> memref<1x128x32xf32, #tpu.memory_space<vmem>>
        %dma_wait3A_175 = tpu.memref_squeeze %dma_wait3A_174 : memref<1x128x32xf32, #tpu.memory_space<vmem>> -> memref<128x32xf32, #tpu.memory_space<vmem>>
        %dma_wait3A_176 = arith.constant 0 : i32
        %dma_wait3A_177 = tpu.memref_slice %arg5[%add3A_169, %dma_wait3A_176] : memref<40x128xi32, #tpu.memory_space<vmem>> -> memref<1x128xi32, #tpu.memory_space<vmem>>
        %dma_wait3A_178 = tpu.memref_squeeze %dma_wait3A_177 : memref<1x128xi32, #tpu.memory_space<vmem>> -> memref<128xi32, #tpu.memory_space<vmem>>
        %dma_wait3A_179 = arith.constant 0 : i32
        %dma_wait3A_180 = arith.constant 0 : i32
        %dma_wait3A_181 = tpu.memref_slice %arg2[%dma_wait3A_179, %dma_wait3A_180] : memref<10000x32xf32, #tpu.memory_space<hbm>> -> memref<10000x32xf32, #tpu.memory_space<hbm>>
        %dma_wait3A_182 = tpu.memref_slice %arg7[%dma_wait3A_171] : memref<2x!tpu.dma_semaphore, #tpu.memory_space<semaphore_mem>> -> memref<1x!tpu.dma_semaphore, #tpu.memory_space<semaphore_mem>>
        %dma_wait3A_183 = tpu.memref_squeeze %dma_wait3A_182 : memref<1x!tpu.dma_semaphore, #tpu.memory_space<semaphore_mem>> -> memref<!tpu.dma_semaphore, #tpu.memory_space<semaphore_mem>>
        tpu.wait_indirect_dma semaphore(%dma_wait3A_183 : memref<!tpu.dma_semaphore, #tpu.memory_space<semaphore_mem>>) src(%dma_wait3A_181 : memref<10000x32xf32, #tpu.memory_space<hbm>>) dst(%dma_wait3A_175 : memref<128x32xf32, #tpu.memory_space<vmem>>)
        %mul3A_184 = arith.constant 4 : i32
        %mul3A_185 = arith.muli %add3A_165, %mul3A_184 : i32
        %add3A_186 = arith.constant 1 : i32
        %add3A_187 = arith.addi %mul3A_185, %add3A_186 : i32
        %dma_wait3A_188 = arith.constant 1 : i32
        %dma_wait3A_189 = arith.constant 1 : i32
        %dma_wait3A_190 = arith.constant 128 : i32
        %dma_wait3A_191 = arith.constant 0 : i32
        %dma_wait3A_192 = tpu.memref_slice %arg6[%dma_wait3A_188, %dma_wait3A_190, %dma_wait3A_191] : memref<2x512x32xf32, #tpu.memory_space<vmem>> -> memref<1x128x32xf32, #tpu.memory_space<vmem>>
        %dma_wait3A_193 = tpu.memref_squeeze %dma_wait3A_192 : memref<1x128x32xf32, #tpu.memory_space<vmem>> -> memref<128x32xf32, #tpu.memory_space<vmem>>
        %dma_wait3A_194 = arith.constant 0 : i32
        %dma_wait3A_195 = tpu.memref_slice %arg5[%add3A_187, %dma_wait3A_194] : memref<40x128xi32, #tpu.memory_space<vmem>> -> memref<1x128xi32, #tpu.memory_space<vmem>>
        %dma_wait3A_196 = tpu.memref_squeeze %dma_wait3A_195 : memref<1x128xi32, #tpu.memory_space<vmem>> -> memref<128xi32, #tpu.memory_space<vmem>>
        %dma_wait3A_197 = arith.constant 0 : i32
        %dma_wait3A_198 = arith.constant 0 : i32
        %dma_wait3A_199 = tpu.memref_slice %arg2[%dma_wait3A_197, %dma_wait3A_198] : memref<10000x32xf32, #tpu.memory_space<hbm>> -> memref<10000x32xf32, #tpu.memory_space<hbm>>
        %dma_wait3A_200 = tpu.memref_slice %arg7[%dma_wait3A_189] : memref<2x!tpu.dma_semaphore, #tpu.memory_space<semaphore_mem>> -> memref<1x!tpu.dma_semaphore, #tpu.memory_space<semaphore_mem>>
        %dma_wait3A_201 = tpu.memref_squeeze %dma_wait3A_200 : memref<1x!tpu.dma_semaphore, #tpu.memory_space<semaphore_mem>> -> memref<!tpu.dma_semaphore, #tpu.memory_space<semaphore_mem>>
        tpu.wait_indirect_dma semaphore(%dma_wait3A_201 : memref<!tpu.dma_semaphore, #tpu.memory_space<semaphore_mem>>) src(%dma_wait3A_199 : memref<10000x32xf32, #tpu.memory_space<hbm>>) dst(%dma_wait3A_193 : memref<128x32xf32, #tpu.memory_space<vmem>>)
        %mul3A_202 = arith.constant 4 : i32
        %mul3A_203 = arith.muli %add3A_165, %mul3A_202 : i32
        %add3A_204 = arith.constant 2 : i32
        %add3A_205 = arith.addi %mul3A_203, %add3A_204 : i32
        %dma_wait3A_206 = arith.constant 1 : i32
        %dma_wait3A_207 = arith.constant 1 : i32
        %dma_wait3A_208 = arith.constant 256 : i32
        %dma_wait3A_209 = arith.constant 0 : i32
        %dma_wait3A_210 = tpu.memref_slice %arg6[%dma_wait3A_206, %dma_wait3A_208, %dma_wait3A_209] : memref<2x512x32xf32, #tpu.memory_space<vmem>> -> memref<1x128x32xf32, #tpu.memory_space<vmem>>
        %dma_wait3A_211 = tpu.memref_squeeze %dma_wait3A_210 : memref<1x128x32xf32, #tpu.memory_space<vmem>> -> memref<128x32xf32, #tpu.memory_space<vmem>>
        %dma_wait3A_212 = arith.constant 0 : i32
        %dma_wait3A_213 = tpu.memref_slice %arg5[%add3A_205, %dma_wait3A_212] : memref<40x128xi32, #tpu.memory_space<vmem>> -> memref<1x128xi32, #tpu.memory_space<vmem>>
        %dma_wait3A_214 = tpu.memref_squeeze %dma_wait3A_213 : memref<1x128xi32, #tpu.memory_space<vmem>> -> memref<128xi32, #tpu.memory_space<vmem>>
        %dma_wait3A_215 = arith.constant 0 : i32
        %dma_wait3A_216 = arith.constant 0 : i32
        %dma_wait3A_217 = tpu.memref_slice %arg2[%dma_wait3A_215, %dma_wait3A_216] : memref<10000x32xf32, #tpu.memory_space<hbm>> -> memref<10000x32xf32, #tpu.memory_space<hbm>>
        %dma_wait3A_218 = tpu.memref_slice %arg7[%dma_wait3A_207] : memref<2x!tpu.dma_semaphore, #tpu.memory_space<semaphore_mem>> -> memref<1x!tpu.dma_semaphore, #tpu.memory_space<semaphore_mem>>
        %dma_wait3A_219 = tpu.memref_squeeze %dma_wait3A_218 : memref<1x!tpu.dma_semaphore, #tpu.memory_space<semaphore_mem>> -> memref<!tpu.dma_semaphore, #tpu.memory_space<semaphore_mem>>
        tpu.wait_indirect_dma semaphore(%dma_wait3A_219 : memref<!tpu.dma_semaphore, #tpu.memory_space<semaphore_mem>>) src(%dma_wait3A_217 : memref<10000x32xf32, #tpu.memory_space<hbm>>) dst(%dma_wait3A_211 : memref<128x32xf32, #tpu.memory_space<vmem>>)
        %mul3A_220 = arith.constant 4 : i32
        %mul3A_221 = arith.muli %add3A_165, %mul3A_220 : i32
        %add3A_222 = arith.constant 3 : i32
        %add3A_223 = arith.addi %mul3A_221, %add3A_222 : i32
        %dma_wait3A_224 = arith.constant 1 : i32
        %dma_wait3A_225 = arith.constant 1 : i32
        %dma_wait3A_226 = arith.constant 384 : i32
        %dma_wait3A_227 = arith.constant 0 : i32
        %dma_wait3A_228 = tpu.memref_slice %arg6[%dma_wait3A_224, %dma_wait3A_226, %dma_wait3A_227] : memref<2x512x32xf32, #tpu.memory_space<vmem>> -> memref<1x128x32xf32, #tpu.memory_space<vmem>>
        %dma_wait3A_229 = tpu.memref_squeeze %dma_wait3A_228 : memref<1x128x32xf32, #tpu.memory_space<vmem>> -> memref<128x32xf32, #tpu.memory_space<vmem>>
        %dma_wait3A_230 = arith.constant 0 : i32
        %dma_wait3A_231 = tpu.memref_slice %arg5[%add3A_223, %dma_wait3A_230] : memref<40x128xi32, #tpu.memory_space<vmem>> -> memref<1x128xi32, #tpu.memory_space<vmem>>
        %dma_wait3A_232 = tpu.memref_squeeze %dma_wait3A_231 : memref<1x128xi32, #tpu.memory_space<vmem>> -> memref<128xi32, #tpu.memory_space<vmem>>
        %dma_wait3A_233 = arith.constant 0 : i32
        %dma_wait3A_234 = arith.constant 0 : i32
        %dma_wait3A_235 = tpu.memref_slice %arg2[%dma_wait3A_233, %dma_wait3A_234] : memref<10000x32xf32, #tpu.memory_space<hbm>> -> memref<10000x32xf32, #tpu.memory_space<hbm>>
        %dma_wait3A_236 = tpu.memref_slice %arg7[%dma_wait3A_225] : memref<2x!tpu.dma_semaphore, #tpu.memory_space<semaphore_mem>> -> memref<1x!tpu.dma_semaphore, #tpu.memory_space<semaphore_mem>>
        %dma_wait3A_237 = tpu.memref_squeeze %dma_wait3A_236 : memref<1x!tpu.dma_semaphore, #tpu.memory_space<semaphore_mem>> -> memref<!tpu.dma_semaphore, #tpu.memory_space<semaphore_mem>>
        tpu.wait_indirect_dma semaphore(%dma_wait3A_237 : memref<!tpu.dma_semaphore, #tpu.memory_space<semaphore_mem>>) src(%dma_wait3A_235 : memref<10000x32xf32, #tpu.memory_space<hbm>>) dst(%dma_wait3A_229 : memref<128x32xf32, #tpu.memory_space<vmem>>)
        %mul3A_238 = arith.constant 4 : i32
        %mul3A_239 = arith.muli %add3A_165, %mul3A_238 : i32
        %add3A_240 = arith.addi %mul3A_2, %mul3A_239 : i32
        %mul3A_241 = arith.constant 128 : i32
        %mul3A_242 = arith.muli %add3A_240, %mul3A_241 : i32
        %run_scoped3A_243 = arith.constant 1 : i32
        "tpu.region"() ({
          %run_scoped3A_244 = tpu.sem_alloc : memref<!tpu.dma_semaphore, #tpu.memory_space<semaphore_mem>>
          %dma_start3A_245 = arith.constant 0 : i32
          %dma_start3A_246 = arith.constant 0 : i32
          %dma_start3A_247 = tpu.memref_slice %arg6[%run_scoped3A_243, %dma_start3A_245, %dma_start3A_246] : memref<2x512x32xf32, #tpu.memory_space<vmem>> -> memref<1x512x32xf32, #tpu.memory_space<vmem>>
          %dma_start3A_248 = tpu.memref_squeeze %dma_start3A_247 : memref<1x512x32xf32, #tpu.memory_space<vmem>> -> memref<512x32xf32, #tpu.memory_space<vmem>>
          %dma_start3A_249 = arith.constant 0 : i32
          %dma_start3A_250 = tpu.memref_slice %arg4[%mul3A_242, %dma_start3A_249] : memref<163840x32xf32, #tpu.memory_space<hbm>> -> memref<512x32xf32, #tpu.memory_space<hbm>>
          %dma_start3A_251 = arith.constant 0 : i32
          %dma_start3A_252 = tpu.memref_slice %arg4[%mul3A_242, %dma_start3A_251] : memref<163840x32xf32, #tpu.memory_space<hbm>> -> memref<512x32xf32, #tpu.memory_space<hbm>>
          %dma_start3A_253 = arith.constant 0 : i32
          %dma_start3A_254 = arith.constant 0 : i32
          %dma_start3A_255 = tpu.memref_slice %arg6[%run_scoped3A_243, %dma_start3A_253, %dma_start3A_254] : memref<2x512x32xf32, #tpu.memory_space<vmem>> -> memref<1x512x32xf32, #tpu.memory_space<vmem>>
          %dma_start3A_256 = tpu.memref_squeeze %dma_start3A_255 : memref<1x512x32xf32, #tpu.memory_space<vmem>> -> memref<512x32xf32, #tpu.memory_space<vmem>>
          tpu.enqueue_dma source(%dma_start3A_256 : memref<512x32xf32, #tpu.memory_space<vmem>>) target(%dma_start3A_252 : memref<512x32xf32, #tpu.memory_space<hbm>>) target_semaphore(%run_scoped3A_244 : memref<!tpu.dma_semaphore, #tpu.memory_space<semaphore_mem>>)
          %dma_wait3A_257 = arith.constant 0 : i32
          %dma_wait3A_258 = arith.constant 0 : i32
          %dma_wait3A_259 = tpu.memref_slice %arg6[%run_scoped3A_243, %dma_wait3A_257, %dma_wait3A_258] : memref<2x512x32xf32, #tpu.memory_space<vmem>> -> memref<1x512x32xf32, #tpu.memory_space<vmem>>
          %dma_wait3A_260 = tpu.memref_squeeze %dma_wait3A_259 : memref<1x512x32xf32, #tpu.memory_space<vmem>> -> memref<512x32xf32, #tpu.memory_space<vmem>>
          %dma_wait3A_261 = arith.constant 0 : i32
          %dma_wait3A_262 = tpu.memref_slice %arg4[%mul3A_242, %dma_wait3A_261] : memref<163840x32xf32, #tpu.memory_space<hbm>> -> memref<512x32xf32, #tpu.memory_space<hbm>>
          %dma_wait3A_263 = arith.constant 0 : i32
          %dma_wait3A_264 = tpu.memref_slice %arg4[%mul3A_242, %dma_wait3A_263] : memref<163840x32xf32, #tpu.memory_space<hbm>> -> memref<512x32xf32, #tpu.memory_space<hbm>>
          %dma_wait3A_265 = arith.constant 0 : i32
          %dma_wait3A_266 = arith.constant 0 : i32
          %dma_wait3A_267 = tpu.memref_slice %arg6[%run_scoped3A_243, %dma_wait3A_265, %dma_wait3A_266] : memref<2x512x32xf32, #tpu.memory_space<vmem>> -> memref<1x512x32xf32, #tpu.memory_space<vmem>>
          %dma_wait3A_268 = tpu.memref_squeeze %dma_wait3A_267 : memref<1x512x32xf32, #tpu.memory_space<vmem>> -> memref<512x32xf32, #tpu.memory_space<vmem>>
          tpu.wait_dma2 semaphore(%run_scoped3A_244 : memref<!tpu.dma_semaphore, #tpu.memory_space<semaphore_mem>>) src(%dma_wait3A_268 : memref<512x32xf32, #tpu.memory_space<vmem>>) dst(%dma_wait3A_264 : memref<512x32xf32, #tpu.memory_space<hbm>>)
          tpu.yield
        }) : () -> ()
      } else {
      }
    }
    %scan3A_66 = arith.constant 5 : i32
    return
  }
}

#map = affine_map<(d0, d1) -> (0, 0)>
module attributes {stable_mosaic.version = 14 : i64} {
  func.func @k(%arg0: i32, %arg1: i32, %arg2: memref<10000x32xf32, #tpu.memory_space<hbm>>, %arg3: memref<1280x128xi32, #tpu.memory_space<hbm>>, %arg4: memref<163840x32xf32, #tpu.memory_space<hbm>>, %arg5: memref<40x128xi32, #tpu.memory_space<vmem>>, %arg6: memref<2x512x32xf32, #tpu.memory_space<vmem>>, %arg7: memref<2x!tpu.dma_semaphore, #tpu.memory_space<semaphore_mem>>) attributes {dimension_semantics = [#tpu.dimension_semantics<core_parallel>, #tpu.dimension_semantics<subcore_parallel>], iteration_bounds = array<i64: 2, 16>, scalar_prefetch = 0 : i64, scratch_operands = 3 : i64, tpu.core_type = #tpu.core_type<sc_vector_subcore>, window_params = [{transform_indices = #map}, {transform_indices = #map}, {transform_indices = #map}]} {
    %mul3A = arith.constant 2 : i32
    %mul3A_0 = arith.muli %arg1, %mul3A : i32
    %add3A = arith.addi %mul3A_0, %arg0 : i32
    %mul3A_1 = arith.constant 40 : i32
    %mul3A_2 = arith.muli %add3A, %mul3A_1 : i32
    "tpu.region"() ({
      %run_scoped3A = tpu.sem_alloc : memref<!tpu.dma_semaphore, #tpu.memory_space<semaphore_mem>>
      %dma_start3A_67 = arith.constant 0 : i32
      %dma_start3A_68 = tpu.memref_slice %arg3[%mul3A_2, %dma_start3A_67] : memref<1280x128xi32, #tpu.memory_space<hbm>> -> memref<40x128xi32, #tpu.memory_space<hbm>>
      %dma_start3A_69 = arith.constant 0 : i32
      %dma_start3A_70 = tpu.memref_slice %arg3[%mul3A_2, %dma_start3A_69] : memref<1280x128xi32, #tpu.memory_space<hbm>> -> memref<40x128xi32, #tpu.memory_space<hbm>>
      tpu.enqueue_dma source(%dma_start3A_70 : memref<40x128xi32, #tpu.memory_space<hbm>>) target(%arg5 : memref<40x128xi32, #tpu.memory_space<vmem>>) target_semaphore(%run_scoped3A : memref<!tpu.dma_semaphore, #tpu.memory_space<semaphore_mem>>)
      %dma_wait3A = arith.constant 0 : i32
      %dma_wait3A_71 = tpu.memref_slice %arg3[%mul3A_2, %dma_wait3A] : memref<1280x128xi32, #tpu.memory_space<hbm>> -> memref<40x128xi32, #tpu.memory_space<hbm>>
      %dma_wait3A_72 = arith.constant 0 : i32
      %dma_wait3A_73 = tpu.memref_slice %arg3[%mul3A_2, %dma_wait3A_72] : memref<1280x128xi32, #tpu.memory_space<hbm>> -> memref<40x128xi32, #tpu.memory_space<hbm>>
      tpu.wait_dma2 semaphore(%run_scoped3A : memref<!tpu.dma_semaphore, #tpu.memory_space<semaphore_mem>>) src(%dma_wait3A_73 : memref<40x128xi32, #tpu.memory_space<hbm>>) dst(%arg5 : memref<40x128xi32, #tpu.memory_space<vmem>>)
      tpu.yield
    }) : () -> ()
    %dma_start3A = arith.constant 0 : i32
    %dma_start3A_3 = arith.constant 0 : i32
    %dma_start3A_4 = arith.constant 0 : i32
    %dma_start3A_5 = arith.constant 0 : i32
    %dma_start3A_6 = arith.constant 0 : i32
    %dma_start3A_7 = tpu.memref_slice %arg6[%dma_start3A_3, %dma_start3A_5, %dma_start3A_6] : memref<2x512x32xf32, #tpu.memory_space<vmem>> -> memref<1x128x32xf32, #tpu.memory_space<vmem>>
    %dma_start3A_8 = tpu.memref_squeeze %dma_start3A_7 : memref<1x128x32xf32, #tpu.memory_space<vmem>> -> memref<128x32xf32, #tpu.memory_space<vmem>>
    %dma_start3A_9 = arith.constant 0 : i32
    %dma_start3A_10 = tpu.memref_slice %arg5[%dma_start3A, %dma_start3A_9] : memref<40x128xi32, #tpu.memory_space<vmem>> -> memref<1x128xi32, #tpu.memory_space<vmem>>
    %dma_start3A_11 = tpu.memref_squeeze %dma_start3A_10 : memref<1x128xi32, #tpu.memory_space<vmem>> -> memref<128xi32, #tpu.memory_space<vmem>>
    %dma_start3A_12 = arith.constant 0 : i32
    %dma_start3A_13 = arith.constant 0 : i32
    %dma_start3A_14 = tpu.memref_slice %arg2[%dma_start3A_12, %dma_start3A_13] : memref<10000x32xf32, #tpu.memory_space<hbm>> -> memref<10000x32xf32, #tpu.memory_space<hbm>>
    %dma_start3A_15 = tpu.memref_slice %arg7[%dma_start3A_4] : memref<2x!tpu.dma_semaphore, #tpu.memory_space<semaphore_mem>> -> memref<1x!tpu.dma_semaphore, #tpu.memory_space<semaphore_mem>>
    %dma_start3A_16 = tpu.memref_squeeze %dma_start3A_15 : memref<1x!tpu.dma_semaphore, #tpu.memory_space<semaphore_mem>> -> memref<!tpu.dma_semaphore, #tpu.memory_space<semaphore_mem>>
    tpu.enqueue_indirect_dma source(%dma_start3A_14 : memref<10000x32xf32, #tpu.memory_space<hbm>>) target(%dma_start3A_8 : memref<128x32xf32, #tpu.memory_space<vmem>>) offsets(%dma_start3A_11 : memref<128xi32, #tpu.memory_space<vmem>>) semaphore(%dma_start3A_16 : memref<!tpu.dma_semaphore, #tpu.memory_space<semaphore_mem>>)
    %dma_start3A_17 = arith.constant 1 : i32
    %dma_start3A_18 = arith.constant 0 : i32
    %dma_start3A_19 = arith.constant 0 : i32
    %dma_start3A_20 = arith.constant 128 : i32
    %dma_start3A_21 = arith.constant 0 : i32
    %dma_start3A_22 = tpu.memref_slice %arg6[%dma_start3A_18, %dma_start3A_20, %dma_start3A_21] : memref<2x512x32xf32, #tpu.memory_space<vmem>> -> memref<1x128x32xf32, #tpu.memory_space<vmem>>
    %dma_start3A_23 = tpu.memref_squeeze %dma_start3A_22 : memref<1x128x32xf32, #tpu.memory_space<vmem>> -> memref<128x32xf32, #tpu.memory_space<vmem>>
    %dma_start3A_24 = arith.constant 0 : i32
    %dma_start3A_25 = tpu.memref_slice %arg5[%dma_start3A_17, %dma_start3A_24] : memref<40x128xi32, #tpu.memory_space<vmem>> -> memref<1x128xi32, #tpu.memory_space<vmem>>
    %dma_start3A_26 = tpu.memref_squeeze %dma_start3A_25 : memref<1x128xi32, #tpu.memory_space<vmem>> -> memref<128xi32, #tpu.memory_space<vmem>>
    %dma_start3A_27 = arith.constant 0 : i32
    %dma_start3A_28 = arith.constant 0 : i32
    %dma_start3A_29 = tpu.memref_slice %arg2[%dma_start3A_27, %dma_start3A_28] : memref<10000x32xf32, #tpu.memory_space<hbm>> -> memref<10000x32xf32, #tpu.memory_space<hbm>>
    %dma_start3A_30 = tpu.memref_slice %arg7[%dma_start3A_19] : memref<2x!tpu.dma_semaphore, #tpu.memory_space<semaphore_mem>> -> memref<1x!tpu.dma_semaphore, #tpu.memory_space<semaphore_mem>>
    %dma_start3A_31 = tpu.memref_squeeze %dma_start3A_30 : memref<1x!tpu.dma_semaphore, #tpu.memory_space<semaphore_mem>> -> memref<!tpu.dma_semaphore, #tpu.memory_space<semaphore_mem>>
    tpu.enqueue_indirect_dma source(%dma_start3A_29 : memref<10000x32xf32, #tpu.memory_space<hbm>>) target(%dma_start3A_23 : memref<128x32xf32, #tpu.memory_space<vmem>>) offsets(%dma_start3A_26 : memref<128xi32, #tpu.memory_space<vmem>>) semaphore(%dma_start3A_31 : memref<!tpu.dma_semaphore, #tpu.memory_space<semaphore_mem>>)
    %dma_start3A_32 = arith.constant 2 : i32
    %dma_start3A_33 = arith.constant 0 : i32
    %dma_start3A_34 = arith.constant 0 : i32
    %dma_start3A_35 = arith.constant 256 : i32
    %dma_start3A_36 = arith.constant 0 : i32
    %dma_start3A_37 = tpu.memref_slice %arg6[%dma_start3A_33, %dma_start3A_35, %dma_start3A_36] : memref<2x512x32xf32, #tpu.memory_space<vmem>> -> memref<1x128x32xf32, #tpu.memory_space<vmem>>
    %dma_start3A_38 = tpu.memref_squeeze %dma_start3A_37 : memref<1x128x32xf32, #tpu.memory_space<vmem>> -> memref<128x32xf32, #tpu.memory_space<vmem>>
    %dma_start3A_39 = arith.constant 0 : i32
    %dma_start3A_40 = tpu.memref_slice %arg5[%dma_start3A_32, %dma_start3A_39] : memref<40x128xi32, #tpu.memory_space<vmem>> -> memref<1x128xi32, #tpu.memory_space<vmem>>
    %dma_start3A_41 = tpu.memref_squeeze %dma_start3A_40 : memref<1x128xi32, #tpu.memory_space<vmem>> -> memref<128xi32, #tpu.memory_space<vmem>>
    %dma_start3A_42 = arith.constant 0 : i32
    %dma_start3A_43 = arith.constant 0 : i32
    %dma_start3A_44 = tpu.memref_slice %arg2[%dma_start3A_42, %dma_start3A_43] : memref<10000x32xf32, #tpu.memory_space<hbm>> -> memref<10000x32xf32, #tpu.memory_space<hbm>>
    %dma_start3A_45 = tpu.memref_slice %arg7[%dma_start3A_34] : memref<2x!tpu.dma_semaphore, #tpu.memory_space<semaphore_mem>> -> memref<1x!tpu.dma_semaphore, #tpu.memory_space<semaphore_mem>>
    %dma_start3A_46 = tpu.memref_squeeze %dma_start3A_45 : memref<1x!tpu.dma_semaphore, #tpu.memory_space<semaphore_mem>> -> memref<!tpu.dma_semaphore, #tpu.memory_space<semaphore_mem>>
    tpu.enqueue_indirect_dma source(%dma_start3A_44 : memref<10000x32xf32, #tpu.memory_space<hbm>>) target(%dma_start3A_38 : memref<128x32xf32, #tpu.memory_space<vmem>>) offsets(%dma_start3A_41 : memref<128xi32, #tpu.memory_space<vmem>>) semaphore(%dma_start3A_46 : memref<!tpu.dma_semaphore, #tpu.memory_space<semaphore_mem>>)
    %dma_start3A_47 = arith.constant 3 : i32
    %dma_start3A_48 = arith.constant 0 : i32
    %dma_start3A_49 = arith.constant 0 : i32
    %dma_start3A_50 = arith.constant 384 : i32
    %dma_start3A_51 = arith.constant 0 : i32
    %dma_start3A_52 = tpu.memref_slice %arg6[%dma_start3A_48, %dma_start3A_50, %dma_start3A_51] : memref<2x512x32xf32, #tpu.memory_space<vmem>> -> memref<1x128x32xf32, #tpu.memory_space<vmem>>
    %dma_start3A_53 = tpu.memref_squeeze %dma_start3A_52 : memref<1x128x32xf32, #tpu.memory_space<vmem>> -> memref<128x32xf32, #tpu.memory_space<vmem>>
    %dma_start3A_54 = arith.constant 0 : i32
    %dma_start3A_55 = tpu.memref_slice %arg5[%dma_start3A_47, %dma_start3A_54] : memref<40x128xi32, #tpu.memory_space<vmem>> -> memref<1x128xi32, #tpu.memory_space<vmem>>
    %dma_start3A_56 = tpu.memref_squeeze %dma_start3A_55 : memref<1x128xi32, #tpu.memory_space<vmem>> -> memref<128xi32, #tpu.memory_space<vmem>>
    %dma_start3A_57 = arith.constant 0 : i32
    %dma_start3A_58 = arith.constant 0 : i32
    %dma_start3A_59 = tpu.memref_slice %arg2[%dma_start3A_57, %dma_start3A_58] : memref<10000x32xf32, #tpu.memory_space<hbm>> -> memref<10000x32xf32, #tpu.memory_space<hbm>>
    %dma_start3A_60 = tpu.memref_slice %arg7[%dma_start3A_49] : memref<2x!tpu.dma_semaphore, #tpu.memory_space<semaphore_mem>> -> memref<1x!tpu.dma_semaphore, #tpu.memory_space<semaphore_mem>>
    %dma_start3A_61 = tpu.memref_squeeze %dma_start3A_60 : memref<1x!tpu.dma_semaphore, #tpu.memory_space<semaphore_mem>> -> memref<!tpu.dma_semaphore, #tpu.memory_space<semaphore_mem>>
    tpu.enqueue_indirect_dma source(%dma_start3A_59 : memref<10000x32xf32, #tpu.memory_space<hbm>>) target(%dma_start3A_53 : memref<128x32xf32, #tpu.memory_space<vmem>>) offsets(%dma_start3A_56 : memref<128xi32, #tpu.memory_space<vmem>>) semaphore(%dma_start3A_61 : memref<!tpu.dma_semaphore, #tpu.memory_space<semaphore_mem>>)
    %scan3A = arith.constant 0 : i32
    %scan3A_62 = arith.constant 0 : i32
    %scan3A_63 = arith.constant 5 : i32
    %scan3A_64 = arith.addi %scan3A_62, %scan3A_63 : i32
    %scan3A_65 = arith.constant 1 : i32
    scf.for %scan3A_67 = %scan3A_62 to %scan3A_64 step %scan3A_65  : i32 {
      %mul3A_68 = arith.constant 2 : i32
      %mul3A_69 = arith.muli %scan3A_67, %mul3A_68 : i32
      %add3A_70 = arith.constant 1 : i32
      %add3A_71 = arith.addi %mul3A_69, %add3A_70 : i32
      %lt3A = arith.constant 10 : i32
      %lt3A_72 = arith.cmpi slt, %add3A_71, %lt3A : i32
      %convert_element_type3A = arith.extui %lt3A_72 : i1 to i32
      %cond3A = arith.constant 0 : i32
      %cond3A_73 = arith.cmpi ne, %convert_element_type3A, %cond3A : i32
      scf.if %cond3A_73 {
        %add3A_157 = arith.constant 1 : i32
        %add3A_158 = arith.addi %mul3A_69, %add3A_157 : i32
        %mul3A_159 = arith.constant 4 : i32
        %mul3A_160 = arith.muli %add3A_158, %mul3A_159 : i32
        %add3A_161 = arith.constant 0 : i32
        %add3A_162 = arith.addi %mul3A_160, %add3A_161 : i32
        %dma_start3A_163 = arith.constant 1 : i32
        %dma_start3A_164 = arith.constant 1 : i32
        %dma_start3A_165 = arith.constant 0 : i32
        %dma_start3A_166 = arith.constant 0 : i32
        %dma_start3A_167 = tpu.memref_slice %arg6[%dma_start3A_163, %dma_start3A_165, %dma_start3A_166] : memref<2x512x32xf32, #tpu.memory_space<vmem>> -> memref<1x128x32xf32, #tpu.memory_space<vmem>>
        %dma_start3A_168 = tpu.memref_squeeze %dma_start3A_167 : memref<1x128x32xf32, #tpu.memory_space<vmem>> -> memref<128x32xf32, #tpu.memory_space<vmem>>
        %dma_start3A_169 = arith.constant 0 : i32
        %dma_start3A_170 = tpu.memref_slice %arg5[%add3A_162, %dma_start3A_169] : memref<40x128xi32, #tpu.memory_space<vmem>> -> memref<1x128xi32, #tpu.memory_space<vmem>>
        %dma_start3A_171 = tpu.memref_squeeze %dma_start3A_170 : memref<1x128xi32, #tpu.memory_space<vmem>> -> memref<128xi32, #tpu.memory_space<vmem>>
        %dma_start3A_172 = arith.constant 0 : i32
        %dma_start3A_173 = arith.constant 0 : i32
        %dma_start3A_174 = tpu.memref_slice %arg2[%dma_start3A_172, %dma_start3A_173] : memref<10000x32xf32, #tpu.memory_space<hbm>> -> memref<10000x32xf32, #tpu.memory_space<hbm>>
        %dma_start3A_175 = tpu.memref_slice %arg7[%dma_start3A_164] : memref<2x!tpu.dma_semaphore, #tpu.memory_space<semaphore_mem>> -> memref<1x!tpu.dma_semaphore, #tpu.memory_space<semaphore_mem>>
        %dma_start3A_176 = tpu.memref_squeeze %dma_start3A_175 : memref<1x!tpu.dma_semaphore, #tpu.memory_space<semaphore_mem>> -> memref<!tpu.dma_semaphore, #tpu.memory_space<semaphore_mem>>
        tpu.enqueue_indirect_dma source(%dma_start3A_174 : memref<10000x32xf32, #tpu.memory_space<hbm>>) target(%dma_start3A_168 : memref<128x32xf32, #tpu.memory_space<vmem>>) offsets(%dma_start3A_171 : memref<128xi32, #tpu.memory_space<vmem>>) semaphore(%dma_start3A_176 : memref<!tpu.dma_semaphore, #tpu.memory_space<semaphore_mem>>)
        %mul3A_177 = arith.constant 4 : i32
        %mul3A_178 = arith.muli %add3A_158, %mul3A_177 : i32
        %add3A_179 = arith.constant 1 : i32
        %add3A_180 = arith.addi %mul3A_178, %add3A_179 : i32
        %dma_start3A_181 = arith.constant 1 : i32
        %dma_start3A_182 = arith.constant 1 : i32
        %dma_start3A_183 = arith.constant 128 : i32
        %dma_start3A_184 = arith.constant 0 : i32
        %dma_start3A_185 = tpu.memref_slice %arg6[%dma_start3A_181, %dma_start3A_183, %dma_start3A_184] : memref<2x512x32xf32, #tpu.memory_space<vmem>> -> memref<1x128x32xf32, #tpu.memory_space<vmem>>
        %dma_start3A_186 = tpu.memref_squeeze %dma_start3A_185 : memref<1x128x32xf32, #tpu.memory_space<vmem>> -> memref<128x32xf32, #tpu.memory_space<vmem>>
        %dma_start3A_187 = arith.constant 0 : i32
        %dma_start3A_188 = tpu.memref_slice %arg5[%add3A_180, %dma_start3A_187] : memref<40x128xi32, #tpu.memory_space<vmem>> -> memref<1x128xi32, #tpu.memory_space<vmem>>
        %dma_start3A_189 = tpu.memref_squeeze %dma_start3A_188 : memref<1x128xi32, #tpu.memory_space<vmem>> -> memref<128xi32, #tpu.memory_space<vmem>>
        %dma_start3A_190 = arith.constant 0 : i32
        %dma_start3A_191 = arith.constant 0 : i32
        %dma_start3A_192 = tpu.memref_slice %arg2[%dma_start3A_190, %dma_start3A_191] : memref<10000x32xf32, #tpu.memory_space<hbm>> -> memref<10000x32xf32, #tpu.memory_space<hbm>>
        %dma_start3A_193 = tpu.memref_slice %arg7[%dma_start3A_182] : memref<2x!tpu.dma_semaphore, #tpu.memory_space<semaphore_mem>> -> memref<1x!tpu.dma_semaphore, #tpu.memory_space<semaphore_mem>>
        %dma_start3A_194 = tpu.memref_squeeze %dma_start3A_193 : memref<1x!tpu.dma_semaphore, #tpu.memory_space<semaphore_mem>> -> memref<!tpu.dma_semaphore, #tpu.memory_space<semaphore_mem>>
        tpu.enqueue_indirect_dma source(%dma_start3A_192 : memref<10000x32xf32, #tpu.memory_space<hbm>>) target(%dma_start3A_186 : memref<128x32xf32, #tpu.memory_space<vmem>>) offsets(%dma_start3A_189 : memref<128xi32, #tpu.memory_space<vmem>>) semaphore(%dma_start3A_194 : memref<!tpu.dma_semaphore, #tpu.memory_space<semaphore_mem>>)
        %mul3A_195 = arith.constant 4 : i32
        %mul3A_196 = arith.muli %add3A_158, %mul3A_195 : i32
        %add3A_197 = arith.constant 2 : i32
        %add3A_198 = arith.addi %mul3A_196, %add3A_197 : i32
        %dma_start3A_199 = arith.constant 1 : i32
        %dma_start3A_200 = arith.constant 1 : i32
        %dma_start3A_201 = arith.constant 256 : i32
        %dma_start3A_202 = arith.constant 0 : i32
        %dma_start3A_203 = tpu.memref_slice %arg6[%dma_start3A_199, %dma_start3A_201, %dma_start3A_202] : memref<2x512x32xf32, #tpu.memory_space<vmem>> -> memref<1x128x32xf32, #tpu.memory_space<vmem>>
        %dma_start3A_204 = tpu.memref_squeeze %dma_start3A_203 : memref<1x128x32xf32, #tpu.memory_space<vmem>> -> memref<128x32xf32, #tpu.memory_space<vmem>>
        %dma_start3A_205 = arith.constant 0 : i32
        %dma_start3A_206 = tpu.memref_slice %arg5[%add3A_198, %dma_start3A_205] : memref<40x128xi32, #tpu.memory_space<vmem>> -> memref<1x128xi32, #tpu.memory_space<vmem>>
        %dma_start3A_207 = tpu.memref_squeeze %dma_start3A_206 : memref<1x128xi32, #tpu.memory_space<vmem>> -> memref<128xi32, #tpu.memory_space<vmem>>
        %dma_start3A_208 = arith.constant 0 : i32
        %dma_start3A_209 = arith.constant 0 : i32
        %dma_start3A_210 = tpu.memref_slice %arg2[%dma_start3A_208, %dma_start3A_209] : memref<10000x32xf32, #tpu.memory_space<hbm>> -> memref<10000x32xf32, #tpu.memory_space<hbm>>
        %dma_start3A_211 = tpu.memref_slice %arg7[%dma_start3A_200] : memref<2x!tpu.dma_semaphore, #tpu.memory_space<semaphore_mem>> -> memref<1x!tpu.dma_semaphore, #tpu.memory_space<semaphore_mem>>
        %dma_start3A_212 = tpu.memref_squeeze %dma_start3A_211 : memref<1x!tpu.dma_semaphore, #tpu.memory_space<semaphore_mem>> -> memref<!tpu.dma_semaphore, #tpu.memory_space<semaphore_mem>>
        tpu.enqueue_indirect_dma source(%dma_start3A_210 : memref<10000x32xf32, #tpu.memory_space<hbm>>) target(%dma_start3A_204 : memref<128x32xf32, #tpu.memory_space<vmem>>) offsets(%dma_start3A_207 : memref<128xi32, #tpu.memory_space<vmem>>) semaphore(%dma_start3A_212 : memref<!tpu.dma_semaphore, #tpu.memory_space<semaphore_mem>>)
        %mul3A_213 = arith.constant 4 : i32
        %mul3A_214 = arith.muli %add3A_158, %mul3A_213 : i32
        %add3A_215 = arith.constant 3 : i32
        %add3A_216 = arith.addi %mul3A_214, %add3A_215 : i32
        %dma_start3A_217 = arith.constant 1 : i32
        %dma_start3A_218 = arith.constant 1 : i32
        %dma_start3A_219 = arith.constant 384 : i32
        %dma_start3A_220 = arith.constant 0 : i32
        %dma_start3A_221 = tpu.memref_slice %arg6[%dma_start3A_217, %dma_start3A_219, %dma_start3A_220] : memref<2x512x32xf32, #tpu.memory_space<vmem>> -> memref<1x128x32xf32, #tpu.memory_space<vmem>>
        %dma_start3A_222 = tpu.memref_squeeze %dma_start3A_221 : memref<1x128x32xf32, #tpu.memory_space<vmem>> -> memref<128x32xf32, #tpu.memory_space<vmem>>
        %dma_start3A_223 = arith.constant 0 : i32
        %dma_start3A_224 = tpu.memref_slice %arg5[%add3A_216, %dma_start3A_223] : memref<40x128xi32, #tpu.memory_space<vmem>> -> memref<1x128xi32, #tpu.memory_space<vmem>>
        %dma_start3A_225 = tpu.memref_squeeze %dma_start3A_224 : memref<1x128xi32, #tpu.memory_space<vmem>> -> memref<128xi32, #tpu.memory_space<vmem>>
        %dma_start3A_226 = arith.constant 0 : i32
        %dma_start3A_227 = arith.constant 0 : i32
        %dma_start3A_228 = tpu.memref_slice %arg2[%dma_start3A_226, %dma_start3A_227] : memref<10000x32xf32, #tpu.memory_space<hbm>> -> memref<10000x32xf32, #tpu.memory_space<hbm>>
        %dma_start3A_229 = tpu.memref_slice %arg7[%dma_start3A_218] : memref<2x!tpu.dma_semaphore, #tpu.memory_space<semaphore_mem>> -> memref<1x!tpu.dma_semaphore, #tpu.memory_space<semaphore_mem>>
        %dma_start3A_230 = tpu.memref_squeeze %dma_start3A_229 : memref<1x!tpu.dma_semaphore, #tpu.memory_space<semaphore_mem>> -> memref<!tpu.dma_semaphore, #tpu.memory_space<semaphore_mem>>
        tpu.enqueue_indirect_dma source(%dma_start3A_228 : memref<10000x32xf32, #tpu.memory_space<hbm>>) target(%dma_start3A_222 : memref<128x32xf32, #tpu.memory_space<vmem>>) offsets(%dma_start3A_225 : memref<128xi32, #tpu.memory_space<vmem>>) semaphore(%dma_start3A_230 : memref<!tpu.dma_semaphore, #tpu.memory_space<semaphore_mem>>)
      } else {
      }
      %mul3A_74 = arith.constant 4 : i32
      %mul3A_75 = arith.muli %mul3A_69, %mul3A_74 : i32
      %add3A_76 = arith.constant 0 : i32
      %add3A_77 = arith.addi %mul3A_75, %add3A_76 : i32
      %dma_wait3A = arith.constant 0 : i32
      %dma_wait3A_78 = arith.constant 0 : i32
      %dma_wait3A_79 = arith.constant 0 : i32
      %dma_wait3A_80 = arith.constant 0 : i32
      %dma_wait3A_81 = tpu.memref_slice %arg6[%dma_wait3A, %dma_wait3A_79, %dma_wait3A_80] : memref<2x512x32xf32, #tpu.memory_space<vmem>> -> memref<1x128x32xf32, #tpu.memory_space<vmem>>
      %dma_wait3A_82 = tpu.memref_squeeze %dma_wait3A_81 : memref<1x128x32xf32, #tpu.memory_space<vmem>> -> memref<128x32xf32, #tpu.memory_space<vmem>>
      %dma_wait3A_83 = arith.constant 0 : i32
      %dma_wait3A_84 = tpu.memref_slice %arg5[%add3A_77, %dma_wait3A_83] : memref<40x128xi32, #tpu.memory_space<vmem>> -> memref<1x128xi32, #tpu.memory_space<vmem>>
      %dma_wait3A_85 = tpu.memref_squeeze %dma_wait3A_84 : memref<1x128xi32, #tpu.memory_space<vmem>> -> memref<128xi32, #tpu.memory_space<vmem>>
      %dma_wait3A_86 = arith.constant 0 : i32
      %dma_wait3A_87 = arith.constant 0 : i32
      %dma_wait3A_88 = tpu.memref_slice %arg2[%dma_wait3A_86, %dma_wait3A_87] : memref<10000x32xf32, #tpu.memory_space<hbm>> -> memref<10000x32xf32, #tpu.memory_space<hbm>>
      %dma_wait3A_89 = tpu.memref_slice %arg7[%dma_wait3A_78] : memref<2x!tpu.dma_semaphore, #tpu.memory_space<semaphore_mem>> -> memref<1x!tpu.dma_semaphore, #tpu.memory_space<semaphore_mem>>
      %dma_wait3A_90 = tpu.memref_squeeze %dma_wait3A_89 : memref<1x!tpu.dma_semaphore, #tpu.memory_space<semaphore_mem>> -> memref<!tpu.dma_semaphore, #tpu.memory_space<semaphore_mem>>
      tpu.wait_indirect_dma semaphore(%dma_wait3A_90 : memref<!tpu.dma_semaphore, #tpu.memory_space<semaphore_mem>>) src(%dma_wait3A_88 : memref<10000x32xf32, #tpu.memory_space<hbm>>) dst(%dma_wait3A_82 : memref<128x32xf32, #tpu.memory_space<vmem>>)
      %mul3A_91 = arith.constant 4 : i32
      %mul3A_92 = arith.muli %mul3A_69, %mul3A_91 : i32
      %add3A_93 = arith.constant 1 : i32
      %add3A_94 = arith.addi %mul3A_92, %add3A_93 : i32
      %dma_wait3A_95 = arith.constant 0 : i32
      %dma_wait3A_96 = arith.constant 0 : i32
      %dma_wait3A_97 = arith.constant 128 : i32
      %dma_wait3A_98 = arith.constant 0 : i32
      %dma_wait3A_99 = tpu.memref_slice %arg6[%dma_wait3A_95, %dma_wait3A_97, %dma_wait3A_98] : memref<2x512x32xf32, #tpu.memory_space<vmem>> -> memref<1x128x32xf32, #tpu.memory_space<vmem>>
      %dma_wait3A_100 = tpu.memref_squeeze %dma_wait3A_99 : memref<1x128x32xf32, #tpu.memory_space<vmem>> -> memref<128x32xf32, #tpu.memory_space<vmem>>
      %dma_wait3A_101 = arith.constant 0 : i32
      %dma_wait3A_102 = tpu.memref_slice %arg5[%add3A_94, %dma_wait3A_101] : memref<40x128xi32, #tpu.memory_space<vmem>> -> memref<1x128xi32, #tpu.memory_space<vmem>>
      %dma_wait3A_103 = tpu.memref_squeeze %dma_wait3A_102 : memref<1x128xi32, #tpu.memory_space<vmem>> -> memref<128xi32, #tpu.memory_space<vmem>>
      %dma_wait3A_104 = arith.constant 0 : i32
      %dma_wait3A_105 = arith.constant 0 : i32
      %dma_wait3A_106 = tpu.memref_slice %arg2[%dma_wait3A_104, %dma_wait3A_105] : memref<10000x32xf32, #tpu.memory_space<hbm>> -> memref<10000x32xf32, #tpu.memory_space<hbm>>
      %dma_wait3A_107 = tpu.memref_slice %arg7[%dma_wait3A_96] : memref<2x!tpu.dma_semaphore, #tpu.memory_space<semaphore_mem>> -> memref<1x!tpu.dma_semaphore, #tpu.memory_space<semaphore_mem>>
      %dma_wait3A_108 = tpu.memref_squeeze %dma_wait3A_107 : memref<1x!tpu.dma_semaphore, #tpu.memory_space<semaphore_mem>> -> memref<!tpu.dma_semaphore, #tpu.memory_space<semaphore_mem>>
      tpu.wait_indirect_dma semaphore(%dma_wait3A_108 : memref<!tpu.dma_semaphore, #tpu.memory_space<semaphore_mem>>) src(%dma_wait3A_106 : memref<10000x32xf32, #tpu.memory_space<hbm>>) dst(%dma_wait3A_100 : memref<128x32xf32, #tpu.memory_space<vmem>>)
      %mul3A_109 = arith.constant 4 : i32
      %mul3A_110 = arith.muli %mul3A_69, %mul3A_109 : i32
      %add3A_111 = arith.constant 2 : i32
      %add3A_112 = arith.addi %mul3A_110, %add3A_111 : i32
      %dma_wait3A_113 = arith.constant 0 : i32
      %dma_wait3A_114 = arith.constant 0 : i32
      %dma_wait3A_115 = arith.constant 256 : i32
      %dma_wait3A_116 = arith.constant 0 : i32
      %dma_wait3A_117 = tpu.memref_slice %arg6[%dma_wait3A_113, %dma_wait3A_115, %dma_wait3A_116] : memref<2x512x32xf32, #tpu.memory_space<vmem>> -> memref<1x128x32xf32, #tpu.memory_space<vmem>>
      %dma_wait3A_118 = tpu.memref_squeeze %dma_wait3A_117 : memref<1x128x32xf32, #tpu.memory_space<vmem>> -> memref<128x32xf32, #tpu.memory_space<vmem>>
      %dma_wait3A_119 = arith.constant 0 : i32
      %dma_wait3A_120 = tpu.memref_slice %arg5[%add3A_112, %dma_wait3A_119] : memref<40x128xi32, #tpu.memory_space<vmem>> -> memref<1x128xi32, #tpu.memory_space<vmem>>
      %dma_wait3A_121 = tpu.memref_squeeze %dma_wait3A_120 : memref<1x128xi32, #tpu.memory_space<vmem>> -> memref<128xi32, #tpu.memory_space<vmem>>
      %dma_wait3A_122 = arith.constant 0 : i32
      %dma_wait3A_123 = arith.constant 0 : i32
      %dma_wait3A_124 = tpu.memref_slice %arg2[%dma_wait3A_122, %dma_wait3A_123] : memref<10000x32xf32, #tpu.memory_space<hbm>> -> memref<10000x32xf32, #tpu.memory_space<hbm>>
      %dma_wait3A_125 = tpu.memref_slice %arg7[%dma_wait3A_114] : memref<2x!tpu.dma_semaphore, #tpu.memory_space<semaphore_mem>> -> memref<1x!tpu.dma_semaphore, #tpu.memory_space<semaphore_mem>>
      %dma_wait3A_126 = tpu.memref_squeeze %dma_wait3A_125 : memref<1x!tpu.dma_semaphore, #tpu.memory_space<semaphore_mem>> -> memref<!tpu.dma_semaphore, #tpu.memory_space<semaphore_mem>>
      tpu.wait_indirect_dma semaphore(%dma_wait3A_126 : memref<!tpu.dma_semaphore, #tpu.memory_space<semaphore_mem>>) src(%dma_wait3A_124 : memref<10000x32xf32, #tpu.memory_space<hbm>>) dst(%dma_wait3A_118 : memref<128x32xf32, #tpu.memory_space<vmem>>)
      %mul3A_127 = arith.constant 4 : i32
      %mul3A_128 = arith.muli %mul3A_69, %mul3A_127 : i32
      %add3A_129 = arith.constant 3 : i32
      %add3A_130 = arith.addi %mul3A_128, %add3A_129 : i32
      %dma_wait3A_131 = arith.constant 0 : i32
      %dma_wait3A_132 = arith.constant 0 : i32
      %dma_wait3A_133 = arith.constant 384 : i32
      %dma_wait3A_134 = arith.constant 0 : i32
      %dma_wait3A_135 = tpu.memref_slice %arg6[%dma_wait3A_131, %dma_wait3A_133, %dma_wait3A_134] : memref<2x512x32xf32, #tpu.memory_space<vmem>> -> memref<1x128x32xf32, #tpu.memory_space<vmem>>
      %dma_wait3A_136 = tpu.memref_squeeze %dma_wait3A_135 : memref<1x128x32xf32, #tpu.memory_space<vmem>> -> memref<128x32xf32, #tpu.memory_space<vmem>>
      %dma_wait3A_137 = arith.constant 0 : i32
      %dma_wait3A_138 = tpu.memref_slice %arg5[%add3A_130, %dma_wait3A_137] : memref<40x128xi32, #tpu.memory_space<vmem>> -> memref<1x128xi32, #tpu.memory_space<vmem>>
      %dma_wait3A_139 = tpu.memref_squeeze %dma_wait3A_138 : memref<1x128xi32, #tpu.memory_space<vmem>> -> memref<128xi32, #tpu.memory_space<vmem>>
      %dma_wait3A_140 = arith.constant 0 : i32
      %dma_wait3A_141 = arith.constant 0 : i32
      %dma_wait3A_142 = tpu.memref_slice %arg2[%dma_wait3A_140, %dma_wait3A_141] : memref<10000x32xf32, #tpu.memory_space<hbm>> -> memref<10000x32xf32, #tpu.memory_space<hbm>>
      %dma_wait3A_143 = tpu.memref_slice %arg7[%dma_wait3A_132] : memref<2x!tpu.dma_semaphore, #tpu.memory_space<semaphore_mem>> -> memref<1x!tpu.dma_semaphore, #tpu.memory_space<semaphore_mem>>
      %dma_wait3A_144 = tpu.memref_squeeze %dma_wait3A_143 : memref<1x!tpu.dma_semaphore, #tpu.memory_space<semaphore_mem>> -> memref<!tpu.dma_semaphore, #tpu.memory_space<semaphore_mem>>
      tpu.wait_indirect_dma semaphore(%dma_wait3A_144 : memref<!tpu.dma_semaphore, #tpu.memory_space<semaphore_mem>>) src(%dma_wait3A_142 : memref<10000x32xf32, #tpu.memory_space<hbm>>) dst(%dma_wait3A_136 : memref<128x32xf32, #tpu.memory_space<vmem>>)
      %mul3A_145 = arith.constant 4 : i32
      %mul3A_146 = arith.muli %mul3A_69, %mul3A_145 : i32
      %add3A_147 = arith.addi %mul3A_2, %mul3A_146 : i32
      %mul3A_148 = arith.constant 128 : i32
      %mul3A_149 = arith.muli %add3A_147, %mul3A_148 : i32
      %run_scoped3A = arith.constant 0 : i32
      "tpu.region"() ({
        %run_scoped3A_157 = tpu.sem_alloc : memref<!tpu.dma_semaphore, #tpu.memory_space<semaphore_mem>>
        %dma_start3A_158 = arith.constant 0 : i32
        %dma_start3A_159 = arith.constant 0 : i32
        %dma_start3A_160 = tpu.memref_slice %arg6[%run_scoped3A, %dma_start3A_158, %dma_start3A_159] : memref<2x512x32xf32, #tpu.memory_space<vmem>> -> memref<1x512x32xf32, #tpu.memory_space<vmem>>
        %dma_start3A_161 = tpu.memref_squeeze %dma_start3A_160 : memref<1x512x32xf32, #tpu.memory_space<vmem>> -> memref<512x32xf32, #tpu.memory_space<vmem>>
        %dma_start3A_162 = arith.constant 0 : i32
        %dma_start3A_163 = tpu.memref_slice %arg4[%mul3A_149, %dma_start3A_162] : memref<163840x32xf32, #tpu.memory_space<hbm>> -> memref<512x32xf32, #tpu.memory_space<hbm>>
        %dma_start3A_164 = arith.constant 0 : i32
        %dma_start3A_165 = tpu.memref_slice %arg4[%mul3A_149, %dma_start3A_164] : memref<163840x32xf32, #tpu.memory_space<hbm>> -> memref<512x32xf32, #tpu.memory_space<hbm>>
        %dma_start3A_166 = arith.constant 0 : i32
        %dma_start3A_167 = arith.constant 0 : i32
        %dma_start3A_168 = tpu.memref_slice %arg6[%run_scoped3A, %dma_start3A_166, %dma_start3A_167] : memref<2x512x32xf32, #tpu.memory_space<vmem>> -> memref<1x512x32xf32, #tpu.memory_space<vmem>>
        %dma_start3A_169 = tpu.memref_squeeze %dma_start3A_168 : memref<1x512x32xf32, #tpu.memory_space<vmem>> -> memref<512x32xf32, #tpu.memory_space<vmem>>
        tpu.enqueue_dma source(%dma_start3A_169 : memref<512x32xf32, #tpu.memory_space<vmem>>) target(%dma_start3A_165 : memref<512x32xf32, #tpu.memory_space<hbm>>) target_semaphore(%run_scoped3A_157 : memref<!tpu.dma_semaphore, #tpu.memory_space<semaphore_mem>>)
        %dma_wait3A_170 = arith.constant 0 : i32
        %dma_wait3A_171 = arith.constant 0 : i32
        %dma_wait3A_172 = tpu.memref_slice %arg6[%run_scoped3A, %dma_wait3A_170, %dma_wait3A_171] : memref<2x512x32xf32, #tpu.memory_space<vmem>> -> memref<1x512x32xf32, #tpu.memory_space<vmem>>
        %dma_wait3A_173 = tpu.memref_squeeze %dma_wait3A_172 : memref<1x512x32xf32, #tpu.memory_space<vmem>> -> memref<512x32xf32, #tpu.memory_space<vmem>>
        %dma_wait3A_174 = arith.constant 0 : i32
        %dma_wait3A_175 = tpu.memref_slice %arg4[%mul3A_149, %dma_wait3A_174] : memref<163840x32xf32, #tpu.memory_space<hbm>> -> memref<512x32xf32, #tpu.memory_space<hbm>>
        %dma_wait3A_176 = arith.constant 0 : i32
        %dma_wait3A_177 = tpu.memref_slice %arg4[%mul3A_149, %dma_wait3A_176] : memref<163840x32xf32, #tpu.memory_space<hbm>> -> memref<512x32xf32, #tpu.memory_space<hbm>>
        %dma_wait3A_178 = arith.constant 0 : i32
        %dma_wait3A_179 = arith.constant 0 : i32
        %dma_wait3A_180 = tpu.memref_slice %arg6[%run_scoped3A, %dma_wait3A_178, %dma_wait3A_179] : memref<2x512x32xf32, #tpu.memory_space<vmem>> -> memref<1x512x32xf32, #tpu.memory_space<vmem>>
        %dma_wait3A_181 = tpu.memref_squeeze %dma_wait3A_180 : memref<1x512x32xf32, #tpu.memory_space<vmem>> -> memref<512x32xf32, #tpu.memory_space<vmem>>
        tpu.wait_dma2 semaphore(%run_scoped3A_157 : memref<!tpu.dma_semaphore, #tpu.memory_space<semaphore_mem>>) src(%dma_wait3A_181 : memref<512x32xf32, #tpu.memory_space<vmem>>) dst(%dma_wait3A_177 : memref<512x32xf32, #tpu.memory_space<hbm>>)
        tpu.yield
      }) : () -> ()
      %add3A_150 = arith.constant 1 : i32
      %add3A_151 = arith.addi %mul3A_69, %add3A_150 : i32
      %lt3A_152 = arith.constant 10 : i32
      %lt3A_153 = arith.cmpi slt, %add3A_151, %lt3A_152 : i32
      %convert_element_type3A_154 = arith.extui %lt3A_153 : i1 to i32
      %cond3A_155 = arith.constant 0 : i32
      %cond3A_156 = arith.cmpi ne, %convert_element_type3A_154, %cond3A_155 : i32
      scf.if %cond3A_156 {
        %add3A_157 = arith.constant 2 : i32
        %add3A_158 = arith.addi %mul3A_69, %add3A_157 : i32
        %lt3A_159 = arith.constant 10 : i32
        %lt3A_160 = arith.cmpi slt, %add3A_158, %lt3A_159 : i32
        %convert_element_type3A_161 = arith.extui %lt3A_160 : i1 to i32
        %cond3A_162 = arith.constant 0 : i32
        %cond3A_163 = arith.cmpi ne, %convert_element_type3A_161, %cond3A_162 : i32
        scf.if %cond3A_163 {
          %add3A_244 = arith.constant 2 : i32
          %add3A_245 = arith.addi %mul3A_69, %add3A_244 : i32
          %mul3A_246 = arith.constant 4 : i32
          %mul3A_247 = arith.muli %add3A_245, %mul3A_246 : i32
          %add3A_248 = arith.constant 0 : i32
          %add3A_249 = arith.addi %mul3A_247, %add3A_248 : i32
          %dma_start3A_250 = arith.constant 0 : i32
          %dma_start3A_251 = arith.constant 0 : i32
          %dma_start3A_252 = arith.constant 0 : i32
          %dma_start3A_253 = arith.constant 0 : i32
          %dma_start3A_254 = tpu.memref_slice %arg6[%dma_start3A_250, %dma_start3A_252, %dma_start3A_253] : memref<2x512x32xf32, #tpu.memory_space<vmem>> -> memref<1x128x32xf32, #tpu.memory_space<vmem>>
          %dma_start3A_255 = tpu.memref_squeeze %dma_start3A_254 : memref<1x128x32xf32, #tpu.memory_space<vmem>> -> memref<128x32xf32, #tpu.memory_space<vmem>>
          %dma_start3A_256 = arith.constant 0 : i32
          %dma_start3A_257 = tpu.memref_slice %arg5[%add3A_249, %dma_start3A_256] : memref<40x128xi32, #tpu.memory_space<vmem>> -> memref<1x128xi32, #tpu.memory_space<vmem>>
          %dma_start3A_258 = tpu.memref_squeeze %dma_start3A_257 : memref<1x128xi32, #tpu.memory_space<vmem>> -> memref<128xi32, #tpu.memory_space<vmem>>
          %dma_start3A_259 = arith.constant 0 : i32
          %dma_start3A_260 = arith.constant 0 : i32
          %dma_start3A_261 = tpu.memref_slice %arg2[%dma_start3A_259, %dma_start3A_260] : memref<10000x32xf32, #tpu.memory_space<hbm>> -> memref<10000x32xf32, #tpu.memory_space<hbm>>
          %dma_start3A_262 = tpu.memref_slice %arg7[%dma_start3A_251] : memref<2x!tpu.dma_semaphore, #tpu.memory_space<semaphore_mem>> -> memref<1x!tpu.dma_semaphore, #tpu.memory_space<semaphore_mem>>
          %dma_start3A_263 = tpu.memref_squeeze %dma_start3A_262 : memref<1x!tpu.dma_semaphore, #tpu.memory_space<semaphore_mem>> -> memref<!tpu.dma_semaphore, #tpu.memory_space<semaphore_mem>>
          tpu.enqueue_indirect_dma source(%dma_start3A_261 : memref<10000x32xf32, #tpu.memory_space<hbm>>) target(%dma_start3A_255 : memref<128x32xf32, #tpu.memory_space<vmem>>) offsets(%dma_start3A_258 : memref<128xi32, #tpu.memory_space<vmem>>) semaphore(%dma_start3A_263 : memref<!tpu.dma_semaphore, #tpu.memory_space<semaphore_mem>>)
          %mul3A_264 = arith.constant 4 : i32
          %mul3A_265 = arith.muli %add3A_245, %mul3A_264 : i32
          %add3A_266 = arith.constant 1 : i32
          %add3A_267 = arith.addi %mul3A_265, %add3A_266 : i32
          %dma_start3A_268 = arith.constant 0 : i32
          %dma_start3A_269 = arith.constant 0 : i32
          %dma_start3A_270 = arith.constant 128 : i32
          %dma_start3A_271 = arith.constant 0 : i32
          %dma_start3A_272 = tpu.memref_slice %arg6[%dma_start3A_268, %dma_start3A_270, %dma_start3A_271] : memref<2x512x32xf32, #tpu.memory_space<vmem>> -> memref<1x128x32xf32, #tpu.memory_space<vmem>>
          %dma_start3A_273 = tpu.memref_squeeze %dma_start3A_272 : memref<1x128x32xf32, #tpu.memory_space<vmem>> -> memref<128x32xf32, #tpu.memory_space<vmem>>
          %dma_start3A_274 = arith.constant 0 : i32
          %dma_start3A_275 = tpu.memref_slice %arg5[%add3A_267, %dma_start3A_274] : memref<40x128xi32, #tpu.memory_space<vmem>> -> memref<1x128xi32, #tpu.memory_space<vmem>>
          %dma_start3A_276 = tpu.memref_squeeze %dma_start3A_275 : memref<1x128xi32, #tpu.memory_space<vmem>> -> memref<128xi32, #tpu.memory_space<vmem>>
          %dma_start3A_277 = arith.constant 0 : i32
          %dma_start3A_278 = arith.constant 0 : i32
          %dma_start3A_279 = tpu.memref_slice %arg2[%dma_start3A_277, %dma_start3A_278] : memref<10000x32xf32, #tpu.memory_space<hbm>> -> memref<10000x32xf32, #tpu.memory_space<hbm>>
          %dma_start3A_280 = tpu.memref_slice %arg7[%dma_start3A_269] : memref<2x!tpu.dma_semaphore, #tpu.memory_space<semaphore_mem>> -> memref<1x!tpu.dma_semaphore, #tpu.memory_space<semaphore_mem>>
          %dma_start3A_281 = tpu.memref_squeeze %dma_start3A_280 : memref<1x!tpu.dma_semaphore, #tpu.memory_space<semaphore_mem>> -> memref<!tpu.dma_semaphore, #tpu.memory_space<semaphore_mem>>
          tpu.enqueue_indirect_dma source(%dma_start3A_279 : memref<10000x32xf32, #tpu.memory_space<hbm>>) target(%dma_start3A_273 : memref<128x32xf32, #tpu.memory_space<vmem>>) offsets(%dma_start3A_276 : memref<128xi32, #tpu.memory_space<vmem>>) semaphore(%dma_start3A_281 : memref<!tpu.dma_semaphore, #tpu.memory_space<semaphore_mem>>)
          %mul3A_282 = arith.constant 4 : i32
          %mul3A_283 = arith.muli %add3A_245, %mul3A_282 : i32
          %add3A_284 = arith.constant 2 : i32
          %add3A_285 = arith.addi %mul3A_283, %add3A_284 : i32
          %dma_start3A_286 = arith.constant 0 : i32
          %dma_start3A_287 = arith.constant 0 : i32
          %dma_start3A_288 = arith.constant 256 : i32
          %dma_start3A_289 = arith.constant 0 : i32
          %dma_start3A_290 = tpu.memref_slice %arg6[%dma_start3A_286, %dma_start3A_288, %dma_start3A_289] : memref<2x512x32xf32, #tpu.memory_space<vmem>> -> memref<1x128x32xf32, #tpu.memory_space<vmem>>
          %dma_start3A_291 = tpu.memref_squeeze %dma_start3A_290 : memref<1x128x32xf32, #tpu.memory_space<vmem>> -> memref<128x32xf32, #tpu.memory_space<vmem>>
          %dma_start3A_292 = arith.constant 0 : i32
          %dma_start3A_293 = tpu.memref_slice %arg5[%add3A_285, %dma_start3A_292] : memref<40x128xi32, #tpu.memory_space<vmem>> -> memref<1x128xi32, #tpu.memory_space<vmem>>
          %dma_start3A_294 = tpu.memref_squeeze %dma_start3A_293 : memref<1x128xi32, #tpu.memory_space<vmem>> -> memref<128xi32, #tpu.memory_space<vmem>>
          %dma_start3A_295 = arith.constant 0 : i32
          %dma_start3A_296 = arith.constant 0 : i32
          %dma_start3A_297 = tpu.memref_slice %arg2[%dma_start3A_295, %dma_start3A_296] : memref<10000x32xf32, #tpu.memory_space<hbm>> -> memref<10000x32xf32, #tpu.memory_space<hbm>>
          %dma_start3A_298 = tpu.memref_slice %arg7[%dma_start3A_287] : memref<2x!tpu.dma_semaphore, #tpu.memory_space<semaphore_mem>> -> memref<1x!tpu.dma_semaphore, #tpu.memory_space<semaphore_mem>>
          %dma_start3A_299 = tpu.memref_squeeze %dma_start3A_298 : memref<1x!tpu.dma_semaphore, #tpu.memory_space<semaphore_mem>> -> memref<!tpu.dma_semaphore, #tpu.memory_space<semaphore_mem>>
          tpu.enqueue_indirect_dma source(%dma_start3A_297 : memref<10000x32xf32, #tpu.memory_space<hbm>>) target(%dma_start3A_291 : memref<128x32xf32, #tpu.memory_space<vmem>>) offsets(%dma_start3A_294 : memref<128xi32, #tpu.memory_space<vmem>>) semaphore(%dma_start3A_299 : memref<!tpu.dma_semaphore, #tpu.memory_space<semaphore_mem>>)
          %mul3A_300 = arith.constant 4 : i32
          %mul3A_301 = arith.muli %add3A_245, %mul3A_300 : i32
          %add3A_302 = arith.constant 3 : i32
          %add3A_303 = arith.addi %mul3A_301, %add3A_302 : i32
          %dma_start3A_304 = arith.constant 0 : i32
          %dma_start3A_305 = arith.constant 0 : i32
          %dma_start3A_306 = arith.constant 384 : i32
          %dma_start3A_307 = arith.constant 0 : i32
          %dma_start3A_308 = tpu.memref_slice %arg6[%dma_start3A_304, %dma_start3A_306, %dma_start3A_307] : memref<2x512x32xf32, #tpu.memory_space<vmem>> -> memref<1x128x32xf32, #tpu.memory_space<vmem>>
          %dma_start3A_309 = tpu.memref_squeeze %dma_start3A_308 : memref<1x128x32xf32, #tpu.memory_space<vmem>> -> memref<128x32xf32, #tpu.memory_space<vmem>>
          %dma_start3A_310 = arith.constant 0 : i32
          %dma_start3A_311 = tpu.memref_slice %arg5[%add3A_303, %dma_start3A_310] : memref<40x128xi32, #tpu.memory_space<vmem>> -> memref<1x128xi32, #tpu.memory_space<vmem>>
          %dma_start3A_312 = tpu.memref_squeeze %dma_start3A_311 : memref<1x128xi32, #tpu.memory_space<vmem>> -> memref<128xi32, #tpu.memory_space<vmem>>
          %dma_start3A_313 = arith.constant 0 : i32
          %dma_start3A_314 = arith.constant 0 : i32
          %dma_start3A_315 = tpu.memref_slice %arg2[%dma_start3A_313, %dma_start3A_314] : memref<10000x32xf32, #tpu.memory_space<hbm>> -> memref<10000x32xf32, #tpu.memory_space<hbm>>
          %dma_start3A_316 = tpu.memref_slice %arg7[%dma_start3A_305] : memref<2x!tpu.dma_semaphore, #tpu.memory_space<semaphore_mem>> -> memref<1x!tpu.dma_semaphore, #tpu.memory_space<semaphore_mem>>
          %dma_start3A_317 = tpu.memref_squeeze %dma_start3A_316 : memref<1x!tpu.dma_semaphore, #tpu.memory_space<semaphore_mem>> -> memref<!tpu.dma_semaphore, #tpu.memory_space<semaphore_mem>>
          tpu.enqueue_indirect_dma source(%dma_start3A_315 : memref<10000x32xf32, #tpu.memory_space<hbm>>) target(%dma_start3A_309 : memref<128x32xf32, #tpu.memory_space<vmem>>) offsets(%dma_start3A_312 : memref<128xi32, #tpu.memory_space<vmem>>) semaphore(%dma_start3A_317 : memref<!tpu.dma_semaphore, #tpu.memory_space<semaphore_mem>>)
        } else {
        }
        %add3A_164 = arith.constant 1 : i32
        %add3A_165 = arith.addi %mul3A_69, %add3A_164 : i32
        %mul3A_166 = arith.constant 4 : i32
        %mul3A_167 = arith.muli %add3A_165, %mul3A_166 : i32
        %add3A_168 = arith.constant 0 : i32
        %add3A_169 = arith.addi %mul3A_167, %add3A_168 : i32
        %dma_wait3A_170 = arith.constant 1 : i32
        %dma_wait3A_171 = arith.constant 1 : i32
        %dma_wait3A_172 = arith.constant 0 : i32
        %dma_wait3A_173 = arith.constant 0 : i32
        %dma_wait3A_174 = tpu.memref_slice %arg6[%dma_wait3A_170, %dma_wait3A_172, %dma_wait3A_173] : memref<2x512x32xf32, #tpu.memory_space<vmem>> -> memref<1x128x32xf32, #tpu.memory_space<vmem>>
        %dma_wait3A_175 = tpu.memref_squeeze %dma_wait3A_174 : memref<1x128x32xf32, #tpu.memory_space<vmem>> -> memref<128x32xf32, #tpu.memory_space<vmem>>
        %dma_wait3A_176 = arith.constant 0 : i32
        %dma_wait3A_177 = tpu.memref_slice %arg5[%add3A_169, %dma_wait3A_176] : memref<40x128xi32, #tpu.memory_space<vmem>> -> memref<1x128xi32, #tpu.memory_space<vmem>>
        %dma_wait3A_178 = tpu.memref_squeeze %dma_wait3A_177 : memref<1x128xi32, #tpu.memory_space<vmem>> -> memref<128xi32, #tpu.memory_space<vmem>>
        %dma_wait3A_179 = arith.constant 0 : i32
        %dma_wait3A_180 = arith.constant 0 : i32
        %dma_wait3A_181 = tpu.memref_slice %arg2[%dma_wait3A_179, %dma_wait3A_180] : memref<10000x32xf32, #tpu.memory_space<hbm>> -> memref<10000x32xf32, #tpu.memory_space<hbm>>
        %dma_wait3A_182 = tpu.memref_slice %arg7[%dma_wait3A_171] : memref<2x!tpu.dma_semaphore, #tpu.memory_space<semaphore_mem>> -> memref<1x!tpu.dma_semaphore, #tpu.memory_space<semaphore_mem>>
        %dma_wait3A_183 = tpu.memref_squeeze %dma_wait3A_182 : memref<1x!tpu.dma_semaphore, #tpu.memory_space<semaphore_mem>> -> memref<!tpu.dma_semaphore, #tpu.memory_space<semaphore_mem>>
        tpu.wait_indirect_dma semaphore(%dma_wait3A_183 : memref<!tpu.dma_semaphore, #tpu.memory_space<semaphore_mem>>) src(%dma_wait3A_181 : memref<10000x32xf32, #tpu.memory_space<hbm>>) dst(%dma_wait3A_175 : memref<128x32xf32, #tpu.memory_space<vmem>>)
        %mul3A_184 = arith.constant 4 : i32
        %mul3A_185 = arith.muli %add3A_165, %mul3A_184 : i32
        %add3A_186 = arith.constant 1 : i32
        %add3A_187 = arith.addi %mul3A_185, %add3A_186 : i32
        %dma_wait3A_188 = arith.constant 1 : i32
        %dma_wait3A_189 = arith.constant 1 : i32
        %dma_wait3A_190 = arith.constant 128 : i32
        %dma_wait3A_191 = arith.constant 0 : i32
        %dma_wait3A_192 = tpu.memref_slice %arg6[%dma_wait3A_188, %dma_wait3A_190, %dma_wait3A_191] : memref<2x512x32xf32, #tpu.memory_space<vmem>> -> memref<1x128x32xf32, #tpu.memory_space<vmem>>
        %dma_wait3A_193 = tpu.memref_squeeze %dma_wait3A_192 : memref<1x128x32xf32, #tpu.memory_space<vmem>> -> memref<128x32xf32, #tpu.memory_space<vmem>>
        %dma_wait3A_194 = arith.constant 0 : i32
        %dma_wait3A_195 = tpu.memref_slice %arg5[%add3A_187, %dma_wait3A_194] : memref<40x128xi32, #tpu.memory_space<vmem>> -> memref<1x128xi32, #tpu.memory_space<vmem>>
        %dma_wait3A_196 = tpu.memref_squeeze %dma_wait3A_195 : memref<1x128xi32, #tpu.memory_space<vmem>> -> memref<128xi32, #tpu.memory_space<vmem>>
        %dma_wait3A_197 = arith.constant 0 : i32
        %dma_wait3A_198 = arith.constant 0 : i32
        %dma_wait3A_199 = tpu.memref_slice %arg2[%dma_wait3A_197, %dma_wait3A_198] : memref<10000x32xf32, #tpu.memory_space<hbm>> -> memref<10000x32xf32, #tpu.memory_space<hbm>>
        %dma_wait3A_200 = tpu.memref_slice %arg7[%dma_wait3A_189] : memref<2x!tpu.dma_semaphore, #tpu.memory_space<semaphore_mem>> -> memref<1x!tpu.dma_semaphore, #tpu.memory_space<semaphore_mem>>
        %dma_wait3A_201 = tpu.memref_squeeze %dma_wait3A_200 : memref<1x!tpu.dma_semaphore, #tpu.memory_space<semaphore_mem>> -> memref<!tpu.dma_semaphore, #tpu.memory_space<semaphore_mem>>
        tpu.wait_indirect_dma semaphore(%dma_wait3A_201 : memref<!tpu.dma_semaphore, #tpu.memory_space<semaphore_mem>>) src(%dma_wait3A_199 : memref<10000x32xf32, #tpu.memory_space<hbm>>) dst(%dma_wait3A_193 : memref<128x32xf32, #tpu.memory_space<vmem>>)
        %mul3A_202 = arith.constant 4 : i32
        %mul3A_203 = arith.muli %add3A_165, %mul3A_202 : i32
        %add3A_204 = arith.constant 2 : i32
        %add3A_205 = arith.addi %mul3A_203, %add3A_204 : i32
        %dma_wait3A_206 = arith.constant 1 : i32
        %dma_wait3A_207 = arith.constant 1 : i32
        %dma_wait3A_208 = arith.constant 256 : i32
        %dma_wait3A_209 = arith.constant 0 : i32
        %dma_wait3A_210 = tpu.memref_slice %arg6[%dma_wait3A_206, %dma_wait3A_208, %dma_wait3A_209] : memref<2x512x32xf32, #tpu.memory_space<vmem>> -> memref<1x128x32xf32, #tpu.memory_space<vmem>>
        %dma_wait3A_211 = tpu.memref_squeeze %dma_wait3A_210 : memref<1x128x32xf32, #tpu.memory_space<vmem>> -> memref<128x32xf32, #tpu.memory_space<vmem>>
        %dma_wait3A_212 = arith.constant 0 : i32
        %dma_wait3A_213 = tpu.memref_slice %arg5[%add3A_205, %dma_wait3A_212] : memref<40x128xi32, #tpu.memory_space<vmem>> -> memref<1x128xi32, #tpu.memory_space<vmem>>
        %dma_wait3A_214 = tpu.memref_squeeze %dma_wait3A_213 : memref<1x128xi32, #tpu.memory_space<vmem>> -> memref<128xi32, #tpu.memory_space<vmem>>
        %dma_wait3A_215 = arith.constant 0 : i32
        %dma_wait3A_216 = arith.constant 0 : i32
        %dma_wait3A_217 = tpu.memref_slice %arg2[%dma_wait3A_215, %dma_wait3A_216] : memref<10000x32xf32, #tpu.memory_space<hbm>> -> memref<10000x32xf32, #tpu.memory_space<hbm>>
        %dma_wait3A_218 = tpu.memref_slice %arg7[%dma_wait3A_207] : memref<2x!tpu.dma_semaphore, #tpu.memory_space<semaphore_mem>> -> memref<1x!tpu.dma_semaphore, #tpu.memory_space<semaphore_mem>>
        %dma_wait3A_219 = tpu.memref_squeeze %dma_wait3A_218 : memref<1x!tpu.dma_semaphore, #tpu.memory_space<semaphore_mem>> -> memref<!tpu.dma_semaphore, #tpu.memory_space<semaphore_mem>>
        tpu.wait_indirect_dma semaphore(%dma_wait3A_219 : memref<!tpu.dma_semaphore, #tpu.memory_space<semaphore_mem>>) src(%dma_wait3A_217 : memref<10000x32xf32, #tpu.memory_space<hbm>>) dst(%dma_wait3A_211 : memref<128x32xf32, #tpu.memory_space<vmem>>)
        %mul3A_220 = arith.constant 4 : i32
        %mul3A_221 = arith.muli %add3A_165, %mul3A_220 : i32
        %add3A_222 = arith.constant 3 : i32
        %add3A_223 = arith.addi %mul3A_221, %add3A_222 : i32
        %dma_wait3A_224 = arith.constant 1 : i32
        %dma_wait3A_225 = arith.constant 1 : i32
        %dma_wait3A_226 = arith.constant 384 : i32
        %dma_wait3A_227 = arith.constant 0 : i32
        %dma_wait3A_228 = tpu.memref_slice %arg6[%dma_wait3A_224, %dma_wait3A_226, %dma_wait3A_227] : memref<2x512x32xf32, #tpu.memory_space<vmem>> -> memref<1x128x32xf32, #tpu.memory_space<vmem>>
        %dma_wait3A_229 = tpu.memref_squeeze %dma_wait3A_228 : memref<1x128x32xf32, #tpu.memory_space<vmem>> -> memref<128x32xf32, #tpu.memory_space<vmem>>
        %dma_wait3A_230 = arith.constant 0 : i32
        %dma_wait3A_231 = tpu.memref_slice %arg5[%add3A_223, %dma_wait3A_230] : memref<40x128xi32, #tpu.memory_space<vmem>> -> memref<1x128xi32, #tpu.memory_space<vmem>>
        %dma_wait3A_232 = tpu.memref_squeeze %dma_wait3A_231 : memref<1x128xi32, #tpu.memory_space<vmem>> -> memref<128xi32, #tpu.memory_space<vmem>>
        %dma_wait3A_233 = arith.constant 0 : i32
        %dma_wait3A_234 = arith.constant 0 : i32
        %dma_wait3A_235 = tpu.memref_slice %arg2[%dma_wait3A_233, %dma_wait3A_234] : memref<10000x32xf32, #tpu.memory_space<hbm>> -> memref<10000x32xf32, #tpu.memory_space<hbm>>
        %dma_wait3A_236 = tpu.memref_slice %arg7[%dma_wait3A_225] : memref<2x!tpu.dma_semaphore, #tpu.memory_space<semaphore_mem>> -> memref<1x!tpu.dma_semaphore, #tpu.memory_space<semaphore_mem>>
        %dma_wait3A_237 = tpu.memref_squeeze %dma_wait3A_236 : memref<1x!tpu.dma_semaphore, #tpu.memory_space<semaphore_mem>> -> memref<!tpu.dma_semaphore, #tpu.memory_space<semaphore_mem>>
        tpu.wait_indirect_dma semaphore(%dma_wait3A_237 : memref<!tpu.dma_semaphore, #tpu.memory_space<semaphore_mem>>) src(%dma_wait3A_235 : memref<10000x32xf32, #tpu.memory_space<hbm>>) dst(%dma_wait3A_229 : memref<128x32xf32, #tpu.memory_space<vmem>>)
        %mul3A_238 = arith.constant 4 : i32
        %mul3A_239 = arith.muli %add3A_165, %mul3A_238 : i32
        %add3A_240 = arith.addi %mul3A_2, %mul3A_239 : i32
        %mul3A_241 = arith.constant 128 : i32
        %mul3A_242 = arith.muli %add3A_240, %mul3A_241 : i32
        %run_scoped3A_243 = arith.constant 1 : i32
        "tpu.region"() ({
          %run_scoped3A_244 = tpu.sem_alloc : memref<!tpu.dma_semaphore, #tpu.memory_space<semaphore_mem>>
          %dma_start3A_245 = arith.constant 0 : i32
          %dma_start3A_246 = arith.constant 0 : i32
          %dma_start3A_247 = tpu.memref_slice %arg6[%run_scoped3A_243, %dma_start3A_245, %dma_start3A_246] : memref<2x512x32xf32, #tpu.memory_space<vmem>> -> memref<1x512x32xf32, #tpu.memory_space<vmem>>
          %dma_start3A_248 = tpu.memref_squeeze %dma_start3A_247 : memref<1x512x32xf32, #tpu.memory_space<vmem>> -> memref<512x32xf32, #tpu.memory_space<vmem>>
          %dma_start3A_249 = arith.constant 0 : i32
          %dma_start3A_250 = tpu.memref_slice %arg4[%mul3A_242, %dma_start3A_249] : memref<163840x32xf32, #tpu.memory_space<hbm>> -> memref<512x32xf32, #tpu.memory_space<hbm>>
          %dma_start3A_251 = arith.constant 0 : i32
          %dma_start3A_252 = tpu.memref_slice %arg4[%mul3A_242, %dma_start3A_251] : memref<163840x32xf32, #tpu.memory_space<hbm>> -> memref<512x32xf32, #tpu.memory_space<hbm>>
          %dma_start3A_253 = arith.constant 0 : i32
          %dma_start3A_254 = arith.constant 0 : i32
          %dma_start3A_255 = tpu.memref_slice %arg6[%run_scoped3A_243, %dma_start3A_253, %dma_start3A_254] : memref<2x512x32xf32, #tpu.memory_space<vmem>> -> memref<1x512x32xf32, #tpu.memory_space<vmem>>
          %dma_start3A_256 = tpu.memref_squeeze %dma_start3A_255 : memref<1x512x32xf32, #tpu.memory_space<vmem>> -> memref<512x32xf32, #tpu.memory_space<vmem>>
          tpu.enqueue_dma source(%dma_start3A_256 : memref<512x32xf32, #tpu.memory_space<vmem>>) target(%dma_start3A_252 : memref<512x32xf32, #tpu.memory_space<hbm>>) target_semaphore(%run_scoped3A_244 : memref<!tpu.dma_semaphore, #tpu.memory_space<semaphore_mem>>)
          %dma_wait3A_257 = arith.constant 0 : i32
          %dma_wait3A_258 = arith.constant 0 : i32
          %dma_wait3A_259 = tpu.memref_slice %arg6[%run_scoped3A_243, %dma_wait3A_257, %dma_wait3A_258] : memref<2x512x32xf32, #tpu.memory_space<vmem>> -> memref<1x512x32xf32, #tpu.memory_space<vmem>>
          %dma_wait3A_260 = tpu.memref_squeeze %dma_wait3A_259 : memref<1x512x32xf32, #tpu.memory_space<vmem>> -> memref<512x32xf32, #tpu.memory_space<vmem>>
          %dma_wait3A_261 = arith.constant 0 : i32
          %dma_wait3A_262 = tpu.memref_slice %arg4[%mul3A_242, %dma_wait3A_261] : memref<163840x32xf32, #tpu.memory_space<hbm>> -> memref<512x32xf32, #tpu.memory_space<hbm>>
          %dma_wait3A_263 = arith.constant 0 : i32
          %dma_wait3A_264 = tpu.memref_slice %arg4[%mul3A_242, %dma_wait3A_263] : memref<163840x32xf32, #tpu.memory_space<hbm>> -> memref<512x32xf32, #tpu.memory_space<hbm>>
          %dma_wait3A_265 = arith.constant 0 : i32
          %dma_wait3A_266 = arith.constant 0 : i32
          %dma_wait3A_267 = tpu.memref_slice %arg6[%run_scoped3A_243, %dma_wait3A_265, %dma_wait3A_266] : memref<2x512x32xf32, #tpu.memory_space<vmem>> -> memref<1x512x32xf32, #tpu.memory_space<vmem>>
          %dma_wait3A_268 = tpu.memref_squeeze %dma_wait3A_267 : memref<1x512x32xf32, #tpu.memory_space<vmem>> -> memref<512x32xf32, #tpu.memory_space<vmem>>
          tpu.wait_dma2 semaphore(%run_scoped3A_244 : memref<!tpu.dma_semaphore, #tpu.memory_space<semaphore_mem>>) src(%dma_wait3A_268 : memref<512x32xf32, #tpu.memory_space<vmem>>) dst(%dma_wait3A_264 : memref<512x32xf32, #tpu.memory_space<hbm>>)
          tpu.yield
        }) : () -> ()
      } else {
      }
    }
    %scan3A_66 = arith.constant 5 : i32
    return
  }
}

module attributes {stable_mosaic.version = 14 : i64} {
  func.func @_p1_body(%arg0: i32, %arg1: memref<20x20x16x256xf32, #tpu.memory_space<vmem>>, %arg2: memref<20x256xf32, #tpu.memory_space<vmem>>, %arg3: memref<20x256xf32, #tpu.memory_space<vmem>>, %arg4: memref<16x256x32xf32, #tpu.memory_space<vmem>>, %arg5: memref<20x16x256xbf16, #tpu.memory_space<vmem>>, %arg6: memref<16x256xf32, #tpu.memory_space<vmem>>, %arg7: memref<16x256xf32, #tpu.memory_space<vmem>>, %arg8: memref<16x256xf32, #tpu.memory_space<vmem>>, %arg9: memref<16x256xf32, #tpu.memory_space<vmem>>, %arg10: memref<16x256xf32, #tpu.memory_space<vmem>>, %arg11: memref<32x256xf32, #tpu.memory_space<vmem>>) attributes {dimension_semantics = [#tpu.dimension_semantics<arbitrary>], iteration_bounds = array<i64: 40>, scalar_prefetch = 0 : i64, scratch_operands = 0 : i64, tpu.core_type = #tpu.core_type<tc>, window_params = [{transform_indices = @transform_0, window_bounds = array<i64: 20, 20, 16, 256>}, {transform_indices = @transform_1, window_bounds = array<i64: 20, 256>}, {transform_indices = @transform_2, window_bounds = array<i64: 20, 256>}, {transform_indices = @transform_3, window_bounds = array<i64: 16, 256, 32>}, {transform_indices = @transform_4, window_bounds = array<i64: 20, 16, 256>}, {transform_indices = @transform_5, window_bounds = array<i64: 16, 256>}, {transform_indices = @transform_6, window_bounds = array<i64: 16, 256>}, {transform_indices = @transform_7, window_bounds = array<i64: 16, 256>}, {transform_indices = @transform_8, window_bounds = array<i64: 16, 256>}, {transform_indices = @transform_9, window_bounds = array<i64: 16, 256>}, {transform_indices = @transform_10, window_bounds = array<i64: 32, 256>}]} {
    %get3A = arith.constant 0 : index
    %get3A_0 = arith.constant 0 : index
    %get3A_1 = arith.constant 0 : index
    %get3A_2 = vector.load %arg4[%get3A, %get3A_0, %get3A_1] : memref<16x256x32xf32, #tpu.memory_space<vmem>>, vector<16x256x32xf32>
    %slice3A = vector.extract_strided_slice %get3A_2 {offsets = [0, 0, 0], sizes = [16, 256, 20], strides = [1, 1, 1]} : vector<16x256x32xf32> to vector<16x256x20xf32>
    %transpose3A = tpu.transpose %slice3A, [2, 0, 1] : vector<16x256x20xf32> -> vector<20x16x256xf32>
    %broadcast_in_dim3A = arith.constant 0.000000e+00 : f32
    %broadcast_in_dim3A_3 = vector.broadcast %broadcast_in_dim3A : f32 to vector<20x16x256xf32>
    %broadcast_in_dim3A_4 = arith.constant 0.000000e+00 : f32
    %broadcast_in_dim3A_5 = vector.broadcast %broadcast_in_dim3A_4 : f32 to vector<16x256xf32>
    %get3A_6 = arith.constant 0 : index
    %get3A_7 = arith.constant 0 : index
    %get3A_8 = arith.constant 0 : index
    %get3A_9 = arith.constant 0 : index
    %get3A_10 = vector.load %arg1[%get3A_6, %get3A_7, %get3A_8, %get3A_9] : memref<20x20x16x256xf32, #tpu.memory_space<vmem>>, vector<1x20x16x256xf32>
    %get3A_11 = vector.shape_cast %get3A_10 : vector<1x20x16x256xf32> to vector<20x16x256xf32>
    %mul3A = arith.mulf %get3A_11, %transpose3A : vector<20x16x256xf32>
    %reduce_sum3A = arith.constant dense<0.000000e+00> : vector<16x256xf32>
    %reduce_sum3A_12 = vector.multi_reduction <add>, %mul3A, %reduce_sum3A [0] : vector<20x16x256xf32> to vector<16x256xf32>
    %reduce_max3A = arith.constant dense<0xFF800000> : vector<16x256xf32>
    %reduce_max3A_13 = vector.multi_reduction <maximumf>, %get3A_11, %reduce_max3A [0] : vector<20x16x256xf32> to vector<16x256xf32>
    %get3A_14 = arith.constant 0 : index
    %get3A_15 = arith.constant 0 : index
    %get3A_16 = vector.load %arg3[%get3A_14, %get3A_15] : memref<20x256xf32, #tpu.memory_space<vmem>>, vector<1x256xf32>
    %get3A_17 = vector.shape_cast %get3A_16 : vector<1x256xf32> to vector<256xf32>
    %broadcast_in_dim3A_18 = vector.shape_cast %get3A_17 : vector<256xf32> to vector<1x1x256xf32>
    %mul3A_19 = vector.broadcast %broadcast_in_dim3A_18 : vector<1x1x256xf32> to vector<20x16x256xf32>
    %mul3A_20 = arith.mulf %get3A_11, %mul3A_19 : vector<20x16x256xf32>
    %add3A = arith.addf %broadcast_in_dim3A_3, %mul3A_20 : vector<20x16x256xf32>
    %reduce_sum3A_21 = arith.constant dense<0.000000e+00> : vector<16x256xf32>
    %reduce_sum3A_22 = vector.multi_reduction <add>, %get3A_11, %reduce_sum3A_21 [0] : vector<20x16x256xf32> to vector<16x256xf32>
    %add3A_23 = arith.addf %broadcast_in_dim3A_5, %reduce_sum3A_22 : vector<16x256xf32>
    %get3A_24 = arith.constant 1 : index
    %get3A_25 = arith.constant 0 : index
    %get3A_26 = arith.constant 0 : index
    %get3A_27 = arith.constant 0 : index
    %get3A_28 = vector.load %arg1[%get3A_24, %get3A_25, %get3A_26, %get3A_27] : memref<20x20x16x256xf32, #tpu.memory_space<vmem>>, vector<1x20x16x256xf32>
    %get3A_29 = vector.shape_cast %get3A_28 : vector<1x20x16x256xf32> to vector<20x16x256xf32>
    %mul3A_30 = arith.mulf %get3A_29, %transpose3A : vector<20x16x256xf32>
    %reduce_sum3A_31 = arith.constant dense<0.000000e+00> : vector<16x256xf32>
    %reduce_sum3A_32 = vector.multi_reduction <add>, %mul3A_30, %reduce_sum3A_31 [0] : vector<20x16x256xf32> to vector<16x256xf32>
    %reduce_max3A_33 = arith.constant dense<0xFF800000> : vector<16x256xf32>
    %reduce_max3A_34 = vector.multi_reduction <maximumf>, %get3A_29, %reduce_max3A_33 [0] : vector<20x16x256xf32> to vector<16x256xf32>
    %get3A_35 = arith.constant 1 : index
    %get3A_36 = arith.constant 0 : index
    %get3A_37 = vector.load %arg3[%get3A_35, %get3A_36] : memref<20x256xf32, #tpu.memory_space<vmem>>, vector<1x256xf32>
    %get3A_38 = vector.shape_cast %get3A_37 : vector<1x256xf32> to vector<256xf32>
    %broadcast_in_dim3A_39 = vector.shape_cast %get3A_38 : vector<256xf32> to vector<1x1x256xf32>
    %mul3A_40 = vector.broadcast %broadcast_in_dim3A_39 : vector<1x1x256xf32> to vector<20x16x256xf32>
    %mul3A_41 = arith.mulf %get3A_29, %mul3A_40 : vector<20x16x256xf32>
    %add3A_42 = arith.addf %add3A, %mul3A_41 : vector<20x16x256xf32>
    %reduce_sum3A_43 = arith.constant dense<0.000000e+00> : vector<16x256xf32>
    %reduce_sum3A_44 = vector.multi_reduction <add>, %get3A_29, %reduce_sum3A_43 [0] : vector<20x16x256xf32> to vector<16x256xf32>
    %add3A_45 = arith.addf %add3A_23, %reduce_sum3A_44 : vector<16x256xf32>
    %get3A_46 = arith.constant 2 : index
    %get3A_47 = arith.constant 0 : index
    %get3A_48 = arith.constant 0 : index
    %get3A_49 = arith.constant 0 : index
    %get3A_50 = vector.load %arg1[%get3A_46, %get3A_47, %get3A_48, %get3A_49] : memref<20x20x16x256xf32, #tpu.memory_space<vmem>>, vector<1x20x16x256xf32>
    %get3A_51 = vector.shape_cast %get3A_50 : vector<1x20x16x256xf32> to vector<20x16x256xf32>
    %mul3A_52 = arith.mulf %get3A_51, %transpose3A : vector<20x16x256xf32>
    %reduce_sum3A_53 = arith.constant dense<0.000000e+00> : vector<16x256xf32>
    %reduce_sum3A_54 = vector.multi_reduction <add>, %mul3A_52, %reduce_sum3A_53 [0] : vector<20x16x256xf32> to vector<16x256xf32>
    %reduce_max3A_55 = arith.constant dense<0xFF800000> : vector<16x256xf32>
    %reduce_max3A_56 = vector.multi_reduction <maximumf>, %get3A_51, %reduce_max3A_55 [0] : vector<20x16x256xf32> to vector<16x256xf32>
    %get3A_57 = arith.constant 2 : index
    %get3A_58 = arith.constant 0 : index
    %get3A_59 = vector.load %arg3[%get3A_57, %get3A_58] : memref<20x256xf32, #tpu.memory_space<vmem>>, vector<1x256xf32>
    %get3A_60 = vector.shape_cast %get3A_59 : vector<1x256xf32> to vector<256xf32>
    %broadcast_in_dim3A_61 = vector.shape_cast %get3A_60 : vector<256xf32> to vector<1x1x256xf32>
    %mul3A_62 = vector.broadcast %broadcast_in_dim3A_61 : vector<1x1x256xf32> to vector<20x16x256xf32>
    %mul3A_63 = arith.mulf %get3A_51, %mul3A_62 : vector<20x16x256xf32>
    %add3A_64 = arith.addf %add3A_42, %mul3A_63 : vector<20x16x256xf32>
    %reduce_sum3A_65 = arith.constant dense<0.000000e+00> : vector<16x256xf32>
    %reduce_sum3A_66 = vector.multi_reduction <add>, %get3A_51, %reduce_sum3A_65 [0] : vector<20x16x256xf32> to vector<16x256xf32>
    %add3A_67 = arith.addf %add3A_45, %reduce_sum3A_66 : vector<16x256xf32>
    %get3A_68 = arith.constant 3 : index
    %get3A_69 = arith.constant 0 : index
    %get3A_70 = arith.constant 0 : index
    %get3A_71 = arith.constant 0 : index
    %get3A_72 = vector.load %arg1[%get3A_68, %get3A_69, %get3A_70, %get3A_71] : memref<20x20x16x256xf32, #tpu.memory_space<vmem>>, vector<1x20x16x256xf32>
    %get3A_73 = vector.shape_cast %get3A_72 : vector<1x20x16x256xf32> to vector<20x16x256xf32>
    %mul3A_74 = arith.mulf %get3A_73, %transpose3A : vector<20x16x256xf32>
    %reduce_sum3A_75 = arith.constant dense<0.000000e+00> : vector<16x256xf32>
    %reduce_sum3A_76 = vector.multi_reduction <add>, %mul3A_74, %reduce_sum3A_75 [0] : vector<20x16x256xf32> to vector<16x256xf32>
    %reduce_max3A_77 = arith.constant dense<0xFF800000> : vector<16x256xf32>
    %reduce_max3A_78 = vector.multi_reduction <maximumf>, %get3A_73, %reduce_max3A_77 [0] : vector<20x16x256xf32> to vector<16x256xf32>
    %get3A_79 = arith.constant 3 : index
    %get3A_80 = arith.constant 0 : index
    %get3A_81 = vector.load %arg3[%get3A_79, %get3A_80] : memref<20x256xf32, #tpu.memory_space<vmem>>, vector<1x256xf32>
    %get3A_82 = vector.shape_cast %get3A_81 : vector<1x256xf32> to vector<256xf32>
    %broadcast_in_dim3A_83 = vector.shape_cast %get3A_82 : vector<256xf32> to vector<1x1x256xf32>
    %mul3A_84 = vector.broadcast %broadcast_in_dim3A_83 : vector<1x1x256xf32> to vector<20x16x256xf32>
    %mul3A_85 = arith.mulf %get3A_73, %mul3A_84 : vector<20x16x256xf32>
    %add3A_86 = arith.addf %add3A_64, %mul3A_85 : vector<20x16x256xf32>
    %reduce_sum3A_87 = arith.constant dense<0.000000e+00> : vector<16x256xf32>
    %reduce_sum3A_88 = vector.multi_reduction <add>, %get3A_73, %reduce_sum3A_87 [0] : vector<20x16x256xf32> to vector<16x256xf32>
    %add3A_89 = arith.addf %add3A_67, %reduce_sum3A_88 : vector<16x256xf32>
    %get3A_90 = arith.constant 4 : index
    %get3A_91 = arith.constant 0 : index
    %get3A_92 = arith.constant 0 : index
    %get3A_93 = arith.constant 0 : index
    %get3A_94 = vector.load %arg1[%get3A_90, %get3A_91, %get3A_92, %get3A_93] : memref<20x20x16x256xf32, #tpu.memory_space<vmem>>, vector<1x20x16x256xf32>
    %get3A_95 = vector.shape_cast %get3A_94 : vector<1x20x16x256xf32> to vector<20x16x256xf32>
    %mul3A_96 = arith.mulf %get3A_95, %transpose3A : vector<20x16x256xf32>
    %reduce_sum3A_97 = arith.constant dense<0.000000e+00> : vector<16x256xf32>
    %reduce_sum3A_98 = vector.multi_reduction <add>, %mul3A_96, %reduce_sum3A_97 [0] : vector<20x16x256xf32> to vector<16x256xf32>
    %reduce_max3A_99 = arith.constant dense<0xFF800000> : vector<16x256xf32>
    %reduce_max3A_100 = vector.multi_reduction <maximumf>, %get3A_95, %reduce_max3A_99 [0] : vector<20x16x256xf32> to vector<16x256xf32>
    %get3A_101 = arith.constant 4 : index
    %get3A_102 = arith.constant 0 : index
    %get3A_103 = vector.load %arg3[%get3A_101, %get3A_102] : memref<20x256xf32, #tpu.memory_space<vmem>>, vector<1x256xf32>
    %get3A_104 = vector.shape_cast %get3A_103 : vector<1x256xf32> to vector<256xf32>
    %broadcast_in_dim3A_105 = vector.shape_cast %get3A_104 : vector<256xf32> to vector<1x1x256xf32>
    %mul3A_106 = vector.broadcast %broadcast_in_dim3A_105 : vector<1x1x256xf32> to vector<20x16x256xf32>
    %mul3A_107 = arith.mulf %get3A_95, %mul3A_106 : vector<20x16x256xf32>
    %add3A_108 = arith.addf %add3A_86, %mul3A_107 : vector<20x16x256xf32>
    %reduce_sum3A_109 = arith.constant dense<0.000000e+00> : vector<16x256xf32>
    %reduce_sum3A_110 = vector.multi_reduction <add>, %get3A_95, %reduce_sum3A_109 [0] : vector<20x16x256xf32> to vector<16x256xf32>
    %add3A_111 = arith.addf %add3A_89, %reduce_sum3A_110 : vector<16x256xf32>
    %get3A_112 = arith.constant 5 : index
    %get3A_113 = arith.constant 0 : index
    %get3A_114 = arith.constant 0 : index
    %get3A_115 = arith.constant 0 : index
    %get3A_116 = vector.load %arg1[%get3A_112, %get3A_113, %get3A_114, %get3A_115] : memref<20x20x16x256xf32, #tpu.memory_space<vmem>>, vector<1x20x16x256xf32>
    %get3A_117 = vector.shape_cast %get3A_116 : vector<1x20x16x256xf32> to vector<20x16x256xf32>
    %mul3A_118 = arith.mulf %get3A_117, %transpose3A : vector<20x16x256xf32>
    %reduce_sum3A_119 = arith.constant dense<0.000000e+00> : vector<16x256xf32>
    %reduce_sum3A_120 = vector.multi_reduction <add>, %mul3A_118, %reduce_sum3A_119 [0] : vector<20x16x256xf32> to vector<16x256xf32>
    %reduce_max3A_121 = arith.constant dense<0xFF800000> : vector<16x256xf32>
    %reduce_max3A_122 = vector.multi_reduction <maximumf>, %get3A_117, %reduce_max3A_121 [0] : vector<20x16x256xf32> to vector<16x256xf32>
    %get3A_123 = arith.constant 5 : index
    %get3A_124 = arith.constant 0 : index
    %get3A_125 = vector.load %arg3[%get3A_123, %get3A_124] : memref<20x256xf32, #tpu.memory_space<vmem>>, vector<1x256xf32>
    %get3A_126 = vector.shape_cast %get3A_125 : vector<1x256xf32> to vector<256xf32>
    %broadcast_in_dim3A_127 = vector.shape_cast %get3A_126 : vector<256xf32> to vector<1x1x256xf32>
    %mul3A_128 = vector.broadcast %broadcast_in_dim3A_127 : vector<1x1x256xf32> to vector<20x16x256xf32>
    %mul3A_129 = arith.mulf %get3A_117, %mul3A_128 : vector<20x16x256xf32>
    %add3A_130 = arith.addf %add3A_108, %mul3A_129 : vector<20x16x256xf32>
    %reduce_sum3A_131 = arith.constant dense<0.000000e+00> : vector<16x256xf32>
    %reduce_sum3A_132 = vector.multi_reduction <add>, %get3A_117, %reduce_sum3A_131 [0] : vector<20x16x256xf32> to vector<16x256xf32>
    %add3A_133 = arith.addf %add3A_111, %reduce_sum3A_132 : vector<16x256xf32>
    %get3A_134 = arith.constant 6 : index
    %get3A_135 = arith.constant 0 : index
    %get3A_136 = arith.constant 0 : index
    %get3A_137 = arith.constant 0 : index
    %get3A_138 = vector.load %arg1[%get3A_134, %get3A_135, %get3A_136, %get3A_137] : memref<20x20x16x256xf32, #tpu.memory_space<vmem>>, vector<1x20x16x256xf32>
    %get3A_139 = vector.shape_cast %get3A_138 : vector<1x20x16x256xf32> to vector<20x16x256xf32>
    %mul3A_140 = arith.mulf %get3A_139, %transpose3A : vector<20x16x256xf32>
    %reduce_sum3A_141 = arith.constant dense<0.000000e+00> : vector<16x256xf32>
    %reduce_sum3A_142 = vector.multi_reduction <add>, %mul3A_140, %reduce_sum3A_141 [0] : vector<20x16x256xf32> to vector<16x256xf32>
    %reduce_max3A_143 = arith.constant dense<0xFF800000> : vector<16x256xf32>
    %reduce_max3A_144 = vector.multi_reduction <maximumf>, %get3A_139, %reduce_max3A_143 [0] : vector<20x16x256xf32> to vector<16x256xf32>
    %get3A_145 = arith.constant 6 : index
    %get3A_146 = arith.constant 0 : index
    %get3A_147 = vector.load %arg3[%get3A_145, %get3A_146] : memref<20x256xf32, #tpu.memory_space<vmem>>, vector<1x256xf32>
    %get3A_148 = vector.shape_cast %get3A_147 : vector<1x256xf32> to vector<256xf32>
    %broadcast_in_dim3A_149 = vector.shape_cast %get3A_148 : vector<256xf32> to vector<1x1x256xf32>
    %mul3A_150 = vector.broadcast %broadcast_in_dim3A_149 : vector<1x1x256xf32> to vector<20x16x256xf32>
    %mul3A_151 = arith.mulf %get3A_139, %mul3A_150 : vector<20x16x256xf32>
    %add3A_152 = arith.addf %add3A_130, %mul3A_151 : vector<20x16x256xf32>
    %reduce_sum3A_153 = arith.constant dense<0.000000e+00> : vector<16x256xf32>
    %reduce_sum3A_154 = vector.multi_reduction <add>, %get3A_139, %reduce_sum3A_153 [0] : vector<20x16x256xf32> to vector<16x256xf32>
    %add3A_155 = arith.addf %add3A_133, %reduce_sum3A_154 : vector<16x256xf32>
    %get3A_156 = arith.constant 7 : index
    %get3A_157 = arith.constant 0 : index
    %get3A_158 = arith.constant 0 : index
    %get3A_159 = arith.constant 0 : index
    %get3A_160 = vector.load %arg1[%get3A_156, %get3A_157, %get3A_158, %get3A_159] : memref<20x20x16x256xf32, #tpu.memory_space<vmem>>, vector<1x20x16x256xf32>
    %get3A_161 = vector.shape_cast %get3A_160 : vector<1x20x16x256xf32> to vector<20x16x256xf32>
    %mul3A_162 = arith.mulf %get3A_161, %transpose3A : vector<20x16x256xf32>
    %reduce_sum3A_163 = arith.constant dense<0.000000e+00> : vector<16x256xf32>
    %reduce_sum3A_164 = vector.multi_reduction <add>, %mul3A_162, %reduce_sum3A_163 [0] : vector<20x16x256xf32> to vector<16x256xf32>
    %reduce_max3A_165 = arith.constant dense<0xFF800000> : vector<16x256xf32>
    %reduce_max3A_166 = vector.multi_reduction <maximumf>, %get3A_161, %reduce_max3A_165 [0] : vector<20x16x256xf32> to vector<16x256xf32>
    %get3A_167 = arith.constant 7 : index
    %get3A_168 = arith.constant 0 : index
    %get3A_169 = vector.load %arg3[%get3A_167, %get3A_168] : memref<20x256xf32, #tpu.memory_space<vmem>>, vector<1x256xf32>
    %get3A_170 = vector.shape_cast %get3A_169 : vector<1x256xf32> to vector<256xf32>
    %broadcast_in_dim3A_171 = vector.shape_cast %get3A_170 : vector<256xf32> to vector<1x1x256xf32>
    %mul3A_172 = vector.broadcast %broadcast_in_dim3A_171 : vector<1x1x256xf32> to vector<20x16x256xf32>
    %mul3A_173 = arith.mulf %get3A_161, %mul3A_172 : vector<20x16x256xf32>
    %add3A_174 = arith.addf %add3A_152, %mul3A_173 : vector<20x16x256xf32>
    %reduce_sum3A_175 = arith.constant dense<0.000000e+00> : vector<16x256xf32>
    %reduce_sum3A_176 = vector.multi_reduction <add>, %get3A_161, %reduce_sum3A_175 [0] : vector<20x16x256xf32> to vector<16x256xf32>
    %add3A_177 = arith.addf %add3A_155, %reduce_sum3A_176 : vector<16x256xf32>
    %get3A_178 = arith.constant 8 : index
    %get3A_179 = arith.constant 0 : index
    %get3A_180 = arith.constant 0 : index
    %get3A_181 = arith.constant 0 : index
    %get3A_182 = vector.load %arg1[%get3A_178, %get3A_179, %get3A_180, %get3A_181] : memref<20x20x16x256xf32, #tpu.memory_space<vmem>>, vector<1x20x16x256xf32>
    %get3A_183 = vector.shape_cast %get3A_182 : vector<1x20x16x256xf32> to vector<20x16x256xf32>
    %mul3A_184 = arith.mulf %get3A_183, %transpose3A : vector<20x16x256xf32>
    %reduce_sum3A_185 = arith.constant dense<0.000000e+00> : vector<16x256xf32>
    %reduce_sum3A_186 = vector.multi_reduction <add>, %mul3A_184, %reduce_sum3A_185 [0] : vector<20x16x256xf32> to vector<16x256xf32>
    %reduce_max3A_187 = arith.constant dense<0xFF800000> : vector<16x256xf32>
    %reduce_max3A_188 = vector.multi_reduction <maximumf>, %get3A_183, %reduce_max3A_187 [0] : vector<20x16x256xf32> to vector<16x256xf32>
    %get3A_189 = arith.constant 8 : index
    %get3A_190 = arith.constant 0 : index
    %get3A_191 = vector.load %arg3[%get3A_189, %get3A_190] : memref<20x256xf32, #tpu.memory_space<vmem>>, vector<1x256xf32>
    %get3A_192 = vector.shape_cast %get3A_191 : vector<1x256xf32> to vector<256xf32>
    %broadcast_in_dim3A_193 = vector.shape_cast %get3A_192 : vector<256xf32> to vector<1x1x256xf32>
    %mul3A_194 = vector.broadcast %broadcast_in_dim3A_193 : vector<1x1x256xf32> to vector<20x16x256xf32>
    %mul3A_195 = arith.mulf %get3A_183, %mul3A_194 : vector<20x16x256xf32>
    %add3A_196 = arith.addf %add3A_174, %mul3A_195 : vector<20x16x256xf32>
    %reduce_sum3A_197 = arith.constant dense<0.000000e+00> : vector<16x256xf32>
    %reduce_sum3A_198 = vector.multi_reduction <add>, %get3A_183, %reduce_sum3A_197 [0] : vector<20x16x256xf32> to vector<16x256xf32>
    %add3A_199 = arith.addf %add3A_177, %reduce_sum3A_198 : vector<16x256xf32>
    %get3A_200 = arith.constant 9 : index
    %get3A_201 = arith.constant 0 : index
    %get3A_202 = arith.constant 0 : index
    %get3A_203 = arith.constant 0 : index
    %get3A_204 = vector.load %arg1[%get3A_200, %get3A_201, %get3A_202, %get3A_203] : memref<20x20x16x256xf32, #tpu.memory_space<vmem>>, vector<1x20x16x256xf32>
    %get3A_205 = vector.shape_cast %get3A_204 : vector<1x20x16x256xf32> to vector<20x16x256xf32>
    %mul3A_206 = arith.mulf %get3A_205, %transpose3A : vector<20x16x256xf32>
    %reduce_sum3A_207 = arith.constant dense<0.000000e+00> : vector<16x256xf32>
    %reduce_sum3A_208 = vector.multi_reduction <add>, %mul3A_206, %reduce_sum3A_207 [0] : vector<20x16x256xf32> to vector<16x256xf32>
    %reduce_max3A_209 = arith.constant dense<0xFF800000> : vector<16x256xf32>
    %reduce_max3A_210 = vector.multi_reduction <maximumf>, %get3A_205, %reduce_max3A_209 [0] : vector<20x16x256xf32> to vector<16x256xf32>
    %get3A_211 = arith.constant 9 : index
    %get3A_212 = arith.constant 0 : index
    %get3A_213 = vector.load %arg3[%get3A_211, %get3A_212] : memref<20x256xf32, #tpu.memory_space<vmem>>, vector<1x256xf32>
    %get3A_214 = vector.shape_cast %get3A_213 : vector<1x256xf32> to vector<256xf32>
    %broadcast_in_dim3A_215 = vector.shape_cast %get3A_214 : vector<256xf32> to vector<1x1x256xf32>
    %mul3A_216 = vector.broadcast %broadcast_in_dim3A_215 : vector<1x1x256xf32> to vector<20x16x256xf32>
    %mul3A_217 = arith.mulf %get3A_205, %mul3A_216 : vector<20x16x256xf32>
    %add3A_218 = arith.addf %add3A_196, %mul3A_217 : vector<20x16x256xf32>
    %reduce_sum3A_219 = arith.constant dense<0.000000e+00> : vector<16x256xf32>
    %reduce_sum3A_220 = vector.multi_reduction <add>, %get3A_205, %reduce_sum3A_219 [0] : vector<20x16x256xf32> to vector<16x256xf32>
    %add3A_221 = arith.addf %add3A_199, %reduce_sum3A_220 : vector<16x256xf32>
    %get3A_222 = arith.constant 10 : index
    %get3A_223 = arith.constant 0 : index
    %get3A_224 = arith.constant 0 : index
    %get3A_225 = arith.constant 0 : index
    %get3A_226 = vector.load %arg1[%get3A_222, %get3A_223, %get3A_224, %get3A_225] : memref<20x20x16x256xf32, #tpu.memory_space<vmem>>, vector<1x20x16x256xf32>
    %get3A_227 = vector.shape_cast %get3A_226 : vector<1x20x16x256xf32> to vector<20x16x256xf32>
    %mul3A_228 = arith.mulf %get3A_227, %transpose3A : vector<20x16x256xf32>
    %reduce_sum3A_229 = arith.constant dense<0.000000e+00> : vector<16x256xf32>
    %reduce_sum3A_230 = vector.multi_reduction <add>, %mul3A_228, %reduce_sum3A_229 [0] : vector<20x16x256xf32> to vector<16x256xf32>
    %reduce_max3A_231 = arith.constant dense<0xFF800000> : vector<16x256xf32>
    %reduce_max3A_232 = vector.multi_reduction <maximumf>, %get3A_227, %reduce_max3A_231 [0] : vector<20x16x256xf32> to vector<16x256xf32>
    %get3A_233 = arith.constant 10 : index
    %get3A_234 = arith.constant 0 : index
    %get3A_235 = vector.load %arg3[%get3A_233, %get3A_234] : memref<20x256xf32, #tpu.memory_space<vmem>>, vector<1x256xf32>
    %get3A_236 = vector.shape_cast %get3A_235 : vector<1x256xf32> to vector<256xf32>
    %broadcast_in_dim3A_237 = vector.shape_cast %get3A_236 : vector<256xf32> to vector<1x1x256xf32>
    %mul3A_238 = vector.broadcast %broadcast_in_dim3A_237 : vector<1x1x256xf32> to vector<20x16x256xf32>
    %mul3A_239 = arith.mulf %get3A_227, %mul3A_238 : vector<20x16x256xf32>
    %add3A_240 = arith.addf %add3A_218, %mul3A_239 : vector<20x16x256xf32>
    %reduce_sum3A_241 = arith.constant dense<0.000000e+00> : vector<16x256xf32>
    %reduce_sum3A_242 = vector.multi_reduction <add>, %get3A_227, %reduce_sum3A_241 [0] : vector<20x16x256xf32> to vector<16x256xf32>
    %add3A_243 = arith.addf %add3A_221, %reduce_sum3A_242 : vector<16x256xf32>
    %get3A_244 = arith.constant 11 : index
    %get3A_245 = arith.constant 0 : index
    %get3A_246 = arith.constant 0 : index
    %get3A_247 = arith.constant 0 : index
    %get3A_248 = vector.load %arg1[%get3A_244, %get3A_245, %get3A_246, %get3A_247] : memref<20x20x16x256xf32, #tpu.memory_space<vmem>>, vector<1x20x16x256xf32>
    %get3A_249 = vector.shape_cast %get3A_248 : vector<1x20x16x256xf32> to vector<20x16x256xf32>
    %mul3A_250 = arith.mulf %get3A_249, %transpose3A : vector<20x16x256xf32>
    %reduce_sum3A_251 = arith.constant dense<0.000000e+00> : vector<16x256xf32>
    %reduce_sum3A_252 = vector.multi_reduction <add>, %mul3A_250, %reduce_sum3A_251 [0] : vector<20x16x256xf32> to vector<16x256xf32>
    %reduce_max3A_253 = arith.constant dense<0xFF800000> : vector<16x256xf32>
    %reduce_max3A_254 = vector.multi_reduction <maximumf>, %get3A_249, %reduce_max3A_253 [0] : vector<20x16x256xf32> to vector<16x256xf32>
    %get3A_255 = arith.constant 11 : index
    %get3A_256 = arith.constant 0 : index
    %get3A_257 = vector.load %arg3[%get3A_255, %get3A_256] : memref<20x256xf32, #tpu.memory_space<vmem>>, vector<1x256xf32>
    %get3A_258 = vector.shape_cast %get3A_257 : vector<1x256xf32> to vector<256xf32>
    %broadcast_in_dim3A_259 = vector.shape_cast %get3A_258 : vector<256xf32> to vector<1x1x256xf32>
    %mul3A_260 = vector.broadcast %broadcast_in_dim3A_259 : vector<1x1x256xf32> to vector<20x16x256xf32>
    %mul3A_261 = arith.mulf %get3A_249, %mul3A_260 : vector<20x16x256xf32>
    %add3A_262 = arith.addf %add3A_240, %mul3A_261 : vector<20x16x256xf32>
    %reduce_sum3A_263 = arith.constant dense<0.000000e+00> : vector<16x256xf32>
    %reduce_sum3A_264 = vector.multi_reduction <add>, %get3A_249, %reduce_sum3A_263 [0] : vector<20x16x256xf32> to vector<16x256xf32>
    %add3A_265 = arith.addf %add3A_243, %reduce_sum3A_264 : vector<16x256xf32>
    %get3A_266 = arith.constant 12 : index
    %get3A_267 = arith.constant 0 : index
    %get3A_268 = arith.constant 0 : index
    %get3A_269 = arith.constant 0 : index
    %get3A_270 = vector.load %arg1[%get3A_266, %get3A_267, %get3A_268, %get3A_269] : memref<20x20x16x256xf32, #tpu.memory_space<vmem>>, vector<1x20x16x256xf32>
    %get3A_271 = vector.shape_cast %get3A_270 : vector<1x20x16x256xf32> to vector<20x16x256xf32>
    %mul3A_272 = arith.mulf %get3A_271, %transpose3A : vector<20x16x256xf32>
    %reduce_sum3A_273 = arith.constant dense<0.000000e+00> : vector<16x256xf32>
    %reduce_sum3A_274 = vector.multi_reduction <add>, %mul3A_272, %reduce_sum3A_273 [0] : vector<20x16x256xf32> to vector<16x256xf32>
    %reduce_max3A_275 = arith.constant dense<0xFF800000> : vector<16x256xf32>
    %reduce_max3A_276 = vector.multi_reduction <maximumf>, %get3A_271, %reduce_max3A_275 [0] : vector<20x16x256xf32> to vector<16x256xf32>
    %get3A_277 = arith.constant 12 : index
    %get3A_278 = arith.constant 0 : index
    %get3A_279 = vector.load %arg3[%get3A_277, %get3A_278] : memref<20x256xf32, #tpu.memory_space<vmem>>, vector<1x256xf32>
    %get3A_280 = vector.shape_cast %get3A_279 : vector<1x256xf32> to vector<256xf32>
    %broadcast_in_dim3A_281 = vector.shape_cast %get3A_280 : vector<256xf32> to vector<1x1x256xf32>
    %mul3A_282 = vector.broadcast %broadcast_in_dim3A_281 : vector<1x1x256xf32> to vector<20x16x256xf32>
    %mul3A_283 = arith.mulf %get3A_271, %mul3A_282 : vector<20x16x256xf32>
    %add3A_284 = arith.addf %add3A_262, %mul3A_283 : vector<20x16x256xf32>
    %reduce_sum3A_285 = arith.constant dense<0.000000e+00> : vector<16x256xf32>
    %reduce_sum3A_286 = vector.multi_reduction <add>, %get3A_271, %reduce_sum3A_285 [0] : vector<20x16x256xf32> to vector<16x256xf32>
    %add3A_287 = arith.addf %add3A_265, %reduce_sum3A_286 : vector<16x256xf32>
    %get3A_288 = arith.constant 13 : index
    %get3A_289 = arith.constant 0 : index
    %get3A_290 = arith.constant 0 : index
    %get3A_291 = arith.constant 0 : index
    %get3A_292 = vector.load %arg1[%get3A_288, %get3A_289, %get3A_290, %get3A_291] : memref<20x20x16x256xf32, #tpu.memory_space<vmem>>, vector<1x20x16x256xf32>
    %get3A_293 = vector.shape_cast %get3A_292 : vector<1x20x16x256xf32> to vector<20x16x256xf32>
    %mul3A_294 = arith.mulf %get3A_293, %transpose3A : vector<20x16x256xf32>
    %reduce_sum3A_295 = arith.constant dense<0.000000e+00> : vector<16x256xf32>
    %reduce_sum3A_296 = vector.multi_reduction <add>, %mul3A_294, %reduce_sum3A_295 [0] : vector<20x16x256xf32> to vector<16x256xf32>
    %reduce_max3A_297 = arith.constant dense<0xFF800000> : vector<16x256xf32>
    %reduce_max3A_298 = vector.multi_reduction <maximumf>, %get3A_293, %reduce_max3A_297 [0] : vector<20x16x256xf32> to vector<16x256xf32>
    %get3A_299 = arith.constant 13 : index
    %get3A_300 = arith.constant 0 : index
    %get3A_301 = vector.load %arg3[%get3A_299, %get3A_300] : memref<20x256xf32, #tpu.memory_space<vmem>>, vector<1x256xf32>
    %get3A_302 = vector.shape_cast %get3A_301 : vector<1x256xf32> to vector<256xf32>
    %broadcast_in_dim3A_303 = vector.shape_cast %get3A_302 : vector<256xf32> to vector<1x1x256xf32>
    %mul3A_304 = vector.broadcast %broadcast_in_dim3A_303 : vector<1x1x256xf32> to vector<20x16x256xf32>
    %mul3A_305 = arith.mulf %get3A_293, %mul3A_304 : vector<20x16x256xf32>
    %add3A_306 = arith.addf %add3A_284, %mul3A_305 : vector<20x16x256xf32>
    %reduce_sum3A_307 = arith.constant dense<0.000000e+00> : vector<16x256xf32>
    %reduce_sum3A_308 = vector.multi_reduction <add>, %get3A_293, %reduce_sum3A_307 [0] : vector<20x16x256xf32> to vector<16x256xf32>
    %add3A_309 = arith.addf %add3A_287, %reduce_sum3A_308 : vector<16x256xf32>
    %get3A_310 = arith.constant 14 : index
    %get3A_311 = arith.constant 0 : index
    %get3A_312 = arith.constant 0 : index
    %get3A_313 = arith.constant 0 : index
    %get3A_314 = vector.load %arg1[%get3A_310, %get3A_311, %get3A_312, %get3A_313] : memref<20x20x16x256xf32, #tpu.memory_space<vmem>>, vector<1x20x16x256xf32>
    %get3A_315 = vector.shape_cast %get3A_314 : vector<1x20x16x256xf32> to vector<20x16x256xf32>
    %mul3A_316 = arith.mulf %get3A_315, %transpose3A : vector<20x16x256xf32>
    %reduce_sum3A_317 = arith.constant dense<0.000000e+00> : vector<16x256xf32>
    %reduce_sum3A_318 = vector.multi_reduction <add>, %mul3A_316, %reduce_sum3A_317 [0] : vector<20x16x256xf32> to vector<16x256xf32>
    %reduce_max3A_319 = arith.constant dense<0xFF800000> : vector<16x256xf32>
    %reduce_max3A_320 = vector.multi_reduction <maximumf>, %get3A_315, %reduce_max3A_319 [0] : vector<20x16x256xf32> to vector<16x256xf32>
    %get3A_321 = arith.constant 14 : index
    %get3A_322 = arith.constant 0 : index
    %get3A_323 = vector.load %arg3[%get3A_321, %get3A_322] : memref<20x256xf32, #tpu.memory_space<vmem>>, vector<1x256xf32>
    %get3A_324 = vector.shape_cast %get3A_323 : vector<1x256xf32> to vector<256xf32>
    %broadcast_in_dim3A_325 = vector.shape_cast %get3A_324 : vector<256xf32> to vector<1x1x256xf32>
    %mul3A_326 = vector.broadcast %broadcast_in_dim3A_325 : vector<1x1x256xf32> to vector<20x16x256xf32>
    %mul3A_327 = arith.mulf %get3A_315, %mul3A_326 : vector<20x16x256xf32>
    %add3A_328 = arith.addf %add3A_306, %mul3A_327 : vector<20x16x256xf32>
    %reduce_sum3A_329 = arith.constant dense<0.000000e+00> : vector<16x256xf32>
    %reduce_sum3A_330 = vector.multi_reduction <add>, %get3A_315, %reduce_sum3A_329 [0] : vector<20x16x256xf32> to vector<16x256xf32>
    %add3A_331 = arith.addf %add3A_309, %reduce_sum3A_330 : vector<16x256xf32>
    %get3A_332 = arith.constant 15 : index
    %get3A_333 = arith.constant 0 : index
    %get3A_334 = arith.constant 0 : index
    %get3A_335 = arith.constant 0 : index
    %get3A_336 = vector.load %arg1[%get3A_332, %get3A_333, %get3A_334, %get3A_335] : memref<20x20x16x256xf32, #tpu.memory_space<vmem>>, vector<1x20x16x256xf32>
    %get3A_337 = vector.shape_cast %get3A_336 : vector<1x20x16x256xf32> to vector<20x16x256xf32>
    %mul3A_338 = arith.mulf %get3A_337, %transpose3A : vector<20x16x256xf32>
    %reduce_sum3A_339 = arith.constant dense<0.000000e+00> : vector<16x256xf32>
    %reduce_sum3A_340 = vector.multi_reduction <add>, %mul3A_338, %reduce_sum3A_339 [0] : vector<20x16x256xf32> to vector<16x256xf32>
    %reduce_max3A_341 = arith.constant dense<0xFF800000> : vector<16x256xf32>
    %reduce_max3A_342 = vector.multi_reduction <maximumf>, %get3A_337, %reduce_max3A_341 [0] : vector<20x16x256xf32> to vector<16x256xf32>
    %get3A_343 = arith.constant 15 : index
    %get3A_344 = arith.constant 0 : index
    %get3A_345 = vector.load %arg3[%get3A_343, %get3A_344] : memref<20x256xf32, #tpu.memory_space<vmem>>, vector<1x256xf32>
    %get3A_346 = vector.shape_cast %get3A_345 : vector<1x256xf32> to vector<256xf32>
    %broadcast_in_dim3A_347 = vector.shape_cast %get3A_346 : vector<256xf32> to vector<1x1x256xf32>
    %mul3A_348 = vector.broadcast %broadcast_in_dim3A_347 : vector<1x1x256xf32> to vector<20x16x256xf32>
    %mul3A_349 = arith.mulf %get3A_337, %mul3A_348 : vector<20x16x256xf32>
    %add3A_350 = arith.addf %add3A_328, %mul3A_349 : vector<20x16x256xf32>
    %reduce_sum3A_351 = arith.constant dense<0.000000e+00> : vector<16x256xf32>
    %reduce_sum3A_352 = vector.multi_reduction <add>, %get3A_337, %reduce_sum3A_351 [0] : vector<20x16x256xf32> to vector<16x256xf32>
    %add3A_353 = arith.addf %add3A_331, %reduce_sum3A_352 : vector<16x256xf32>
    %get3A_354 = arith.constant 16 : index
    %get3A_355 = arith.constant 0 : index
    %get3A_356 = arith.constant 0 : index
    %get3A_357 = arith.constant 0 : index
    %get3A_358 = vector.load %arg1[%get3A_354, %get3A_355, %get3A_356, %get3A_357] : memref<20x20x16x256xf32, #tpu.memory_space<vmem>>, vector<1x20x16x256xf32>
    %get3A_359 = vector.shape_cast %get3A_358 : vector<1x20x16x256xf32> to vector<20x16x256xf32>
    %mul3A_360 = arith.mulf %get3A_359, %transpose3A : vector<20x16x256xf32>
    %reduce_sum3A_361 = arith.constant dense<0.000000e+00> : vector<16x256xf32>
    %reduce_sum3A_362 = vector.multi_reduction <add>, %mul3A_360, %reduce_sum3A_361 [0] : vector<20x16x256xf32> to vector<16x256xf32>
    %reduce_max3A_363 = arith.constant dense<0xFF800000> : vector<16x256xf32>
    %reduce_max3A_364 = vector.multi_reduction <maximumf>, %get3A_359, %reduce_max3A_363 [0] : vector<20x16x256xf32> to vector<16x256xf32>
    %get3A_365 = arith.constant 16 : index
    %get3A_366 = arith.constant 0 : index
    %get3A_367 = vector.load %arg3[%get3A_365, %get3A_366] : memref<20x256xf32, #tpu.memory_space<vmem>>, vector<1x256xf32>
    %get3A_368 = vector.shape_cast %get3A_367 : vector<1x256xf32> to vector<256xf32>
    %broadcast_in_dim3A_369 = vector.shape_cast %get3A_368 : vector<256xf32> to vector<1x1x256xf32>
    %mul3A_370 = vector.broadcast %broadcast_in_dim3A_369 : vector<1x1x256xf32> to vector<20x16x256xf32>
    %mul3A_371 = arith.mulf %get3A_359, %mul3A_370 : vector<20x16x256xf32>
    %add3A_372 = arith.addf %add3A_350, %mul3A_371 : vector<20x16x256xf32>
    %reduce_sum3A_373 = arith.constant dense<0.000000e+00> : vector<16x256xf32>
    %reduce_sum3A_374 = vector.multi_reduction <add>, %get3A_359, %reduce_sum3A_373 [0] : vector<20x16x256xf32> to vector<16x256xf32>
    %add3A_375 = arith.addf %add3A_353, %reduce_sum3A_374 : vector<16x256xf32>
    %get3A_376 = arith.constant 17 : index
    %get3A_377 = arith.constant 0 : index
    %get3A_378 = arith.constant 0 : index
    %get3A_379 = arith.constant 0 : index
    %get3A_380 = vector.load %arg1[%get3A_376, %get3A_377, %get3A_378, %get3A_379] : memref<20x20x16x256xf32, #tpu.memory_space<vmem>>, vector<1x20x16x256xf32>
    %get3A_381 = vector.shape_cast %get3A_380 : vector<1x20x16x256xf32> to vector<20x16x256xf32>
    %mul3A_382 = arith.mulf %get3A_381, %transpose3A : vector<20x16x256xf32>
    %reduce_sum3A_383 = arith.constant dense<0.000000e+00> : vector<16x256xf32>
    %reduce_sum3A_384 = vector.multi_reduction <add>, %mul3A_382, %reduce_sum3A_383 [0] : vector<20x16x256xf32> to vector<16x256xf32>
    %reduce_max3A_385 = arith.constant dense<0xFF800000> : vector<16x256xf32>
    %reduce_max3A_386 = vector.multi_reduction <maximumf>, %get3A_381, %reduce_max3A_385 [0] : vector<20x16x256xf32> to vector<16x256xf32>
    %get3A_387 = arith.constant 17 : index
    %get3A_388 = arith.constant 0 : index
    %get3A_389 = vector.load %arg3[%get3A_387, %get3A_388] : memref<20x256xf32, #tpu.memory_space<vmem>>, vector<1x256xf32>
    %get3A_390 = vector.shape_cast %get3A_389 : vector<1x256xf32> to vector<256xf32>
    %broadcast_in_dim3A_391 = vector.shape_cast %get3A_390 : vector<256xf32> to vector<1x1x256xf32>
    %mul3A_392 = vector.broadcast %broadcast_in_dim3A_391 : vector<1x1x256xf32> to vector<20x16x256xf32>
    %mul3A_393 = arith.mulf %get3A_381, %mul3A_392 : vector<20x16x256xf32>
    %add3A_394 = arith.addf %add3A_372, %mul3A_393 : vector<20x16x256xf32>
    %reduce_sum3A_395 = arith.constant dense<0.000000e+00> : vector<16x256xf32>
    %reduce_sum3A_396 = vector.multi_reduction <add>, %get3A_381, %reduce_sum3A_395 [0] : vector<20x16x256xf32> to vector<16x256xf32>
    %add3A_397 = arith.addf %add3A_375, %reduce_sum3A_396 : vector<16x256xf32>
    %get3A_398 = arith.constant 18 : index
    %get3A_399 = arith.constant 0 : index
    %get3A_400 = arith.constant 0 : index
    %get3A_401 = arith.constant 0 : index
    %get3A_402 = vector.load %arg1[%get3A_398, %get3A_399, %get3A_400, %get3A_401] : memref<20x20x16x256xf32, #tpu.memory_space<vmem>>, vector<1x20x16x256xf32>
    %get3A_403 = vector.shape_cast %get3A_402 : vector<1x20x16x256xf32> to vector<20x16x256xf32>
    %mul3A_404 = arith.mulf %get3A_403, %transpose3A : vector<20x16x256xf32>
    %reduce_sum3A_405 = arith.constant dense<0.000000e+00> : vector<16x256xf32>
    %reduce_sum3A_406 = vector.multi_reduction <add>, %mul3A_404, %reduce_sum3A_405 [0] : vector<20x16x256xf32> to vector<16x256xf32>
    %reduce_max3A_407 = arith.constant dense<0xFF800000> : vector<16x256xf32>
    %reduce_max3A_408 = vector.multi_reduction <maximumf>, %get3A_403, %reduce_max3A_407 [0] : vector<20x16x256xf32> to vector<16x256xf32>
    %get3A_409 = arith.constant 18 : index
    %get3A_410 = arith.constant 0 : index
    %get3A_411 = vector.load %arg3[%get3A_409, %get3A_410] : memref<20x256xf32, #tpu.memory_space<vmem>>, vector<1x256xf32>
    %get3A_412 = vector.shape_cast %get3A_411 : vector<1x256xf32> to vector<256xf32>
    %broadcast_in_dim3A_413 = vector.shape_cast %get3A_412 : vector<256xf32> to vector<1x1x256xf32>
    %mul3A_414 = vector.broadcast %broadcast_in_dim3A_413 : vector<1x1x256xf32> to vector<20x16x256xf32>
    %mul3A_415 = arith.mulf %get3A_403, %mul3A_414 : vector<20x16x256xf32>
    %add3A_416 = arith.addf %add3A_394, %mul3A_415 : vector<20x16x256xf32>
    %reduce_sum3A_417 = arith.constant dense<0.000000e+00> : vector<16x256xf32>
    %reduce_sum3A_418 = vector.multi_reduction <add>, %get3A_403, %reduce_sum3A_417 [0] : vector<20x16x256xf32> to vector<16x256xf32>
    %add3A_419 = arith.addf %add3A_397, %reduce_sum3A_418 : vector<16x256xf32>
    %get3A_420 = arith.constant 19 : index
    %get3A_421 = arith.constant 0 : index
    %get3A_422 = arith.constant 0 : index
    %get3A_423 = arith.constant 0 : index
    %get3A_424 = vector.load %arg1[%get3A_420, %get3A_421, %get3A_422, %get3A_423] : memref<20x20x16x256xf32, #tpu.memory_space<vmem>>, vector<1x20x16x256xf32>
    %get3A_425 = vector.shape_cast %get3A_424 : vector<1x20x16x256xf32> to vector<20x16x256xf32>
    %mul3A_426 = arith.mulf %get3A_425, %transpose3A : vector<20x16x256xf32>
    %reduce_sum3A_427 = arith.constant dense<0.000000e+00> : vector<16x256xf32>
    %reduce_sum3A_428 = vector.multi_reduction <add>, %mul3A_426, %reduce_sum3A_427 [0] : vector<20x16x256xf32> to vector<16x256xf32>
    %reduce_max3A_429 = arith.constant dense<0xFF800000> : vector<16x256xf32>
    %reduce_max3A_430 = vector.multi_reduction <maximumf>, %get3A_425, %reduce_max3A_429 [0] : vector<20x16x256xf32> to vector<16x256xf32>
    %get3A_431 = arith.constant 19 : index
    %get3A_432 = arith.constant 0 : index
    %get3A_433 = vector.load %arg3[%get3A_431, %get3A_432] : memref<20x256xf32, #tpu.memory_space<vmem>>, vector<1x256xf32>
    %get3A_434 = vector.shape_cast %get3A_433 : vector<1x256xf32> to vector<256xf32>
    %broadcast_in_dim3A_435 = vector.shape_cast %get3A_434 : vector<256xf32> to vector<1x1x256xf32>
    %mul3A_436 = vector.broadcast %broadcast_in_dim3A_435 : vector<1x1x256xf32> to vector<20x16x256xf32>
    %mul3A_437 = arith.mulf %get3A_425, %mul3A_436 : vector<20x16x256xf32>
    %add3A_438 = arith.addf %add3A_416, %mul3A_437 : vector<20x16x256xf32>
    %reduce_sum3A_439 = arith.constant dense<0.000000e+00> : vector<16x256xf32>
    %reduce_sum3A_440 = vector.multi_reduction <add>, %get3A_425, %reduce_sum3A_439 [0] : vector<20x16x256xf32> to vector<16x256xf32>
    %add3A_441 = arith.addf %add3A_419, %reduce_sum3A_440 : vector<16x256xf32>
    %stack3A = vector.shape_cast %reduce_sum3A_12 : vector<16x256xf32> to vector<1x16x256xf32>
    %stack3A_442 = vector.shape_cast %reduce_sum3A_32 : vector<16x256xf32> to vector<1x16x256xf32>
    %stack3A_443 = vector.shape_cast %reduce_sum3A_54 : vector<16x256xf32> to vector<1x16x256xf32>
    %stack3A_444 = vector.shape_cast %reduce_sum3A_76 : vector<16x256xf32> to vector<1x16x256xf32>
    %stack3A_445 = vector.shape_cast %reduce_sum3A_98 : vector<16x256xf32> to vector<1x16x256xf32>
    %stack3A_446 = vector.shape_cast %reduce_sum3A_120 : vector<16x256xf32> to vector<1x16x256xf32>
    %stack3A_447 = vector.shape_cast %reduce_sum3A_142 : vector<16x256xf32> to vector<1x16x256xf32>
    %stack3A_448 = vector.shape_cast %reduce_sum3A_164 : vector<16x256xf32> to vector<1x16x256xf32>
    %stack3A_449 = vector.shape_cast %reduce_sum3A_186 : vector<16x256xf32> to vector<1x16x256xf32>
    %stack3A_450 = vector.shape_cast %reduce_sum3A_208 : vector<16x256xf32> to vector<1x16x256xf32>
    %stack3A_451 = vector.shape_cast %reduce_sum3A_230 : vector<16x256xf32> to vector<1x16x256xf32>
    %stack3A_452 = vector.shape_cast %reduce_sum3A_252 : vector<16x256xf32> to vector<1x16x256xf32>
    %stack3A_453 = vector.shape_cast %reduce_sum3A_274 : vector<16x256xf32> to vector<1x16x256xf32>
    %stack3A_454 = vector.shape_cast %reduce_sum3A_296 : vector<16x256xf32> to vector<1x16x256xf32>
    %stack3A_455 = vector.shape_cast %reduce_sum3A_318 : vector<16x256xf32> to vector<1x16x256xf32>
    %stack3A_456 = vector.shape_cast %reduce_sum3A_340 : vector<16x256xf32> to vector<1x16x256xf32>
    %stack3A_457 = vector.shape_cast %reduce_sum3A_362 : vector<16x256xf32> to vector<1x16x256xf32>
    %stack3A_458 = vector.shape_cast %reduce_sum3A_384 : vector<16x256xf32> to vector<1x16x256xf32>
    %stack3A_459 = vector.shape_cast %reduce_sum3A_406 : vector<16x256xf32> to vector<1x16x256xf32>
    %stack3A_460 = vector.shape_cast %reduce_sum3A_428 : vector<16x256xf32> to vector<1x16x256xf32>
    %stack3A_461 = tpu.concatenate %stack3A, %stack3A_442, %stack3A_443, %stack3A_444, %stack3A_445, %stack3A_446, %stack3A_447, %stack3A_448, %stack3A_449, %stack3A_450, %stack3A_451, %stack3A_452, %stack3A_453, %stack3A_454, %stack3A_455, %stack3A_456, %stack3A_457, %stack3A_458, %stack3A_459, %stack3A_460 in 0 : vector<1x16x256xf32>, vector<1x16x256xf32>, vector<1x16x256xf32>, vector<1x16x256xf32>, vector<1x16x256xf32>, vector<1x16x256xf32>, vector<1x16x256xf32>, vector<1x16x256xf32>, vector<1x16x256xf32>, vector<1x16x256xf32>, vector<1x16x256xf32>, vector<1x16x256xf32>, vector<1x16x256xf32>, vector<1x16x256xf32>, vector<1x16x256xf32>, vector<1x16x256xf32>, vector<1x16x256xf32>, vector<1x16x256xf32>, vector<1x16x256xf32>, vector<1x16x256xf32> -> vector<20x16x256xf32>
    %stack3A_462 = vector.shape_cast %reduce_max3A_13 : vector<16x256xf32> to vector<1x16x256xf32>
    %stack3A_463 = vector.shape_cast %reduce_max3A_34 : vector<16x256xf32> to vector<1x16x256xf32>
    %stack3A_464 = vector.shape_cast %reduce_max3A_56 : vector<16x256xf32> to vector<1x16x256xf32>
    %stack3A_465 = vector.shape_cast %reduce_max3A_78 : vector<16x256xf32> to vector<1x16x256xf32>
    %stack3A_466 = vector.shape_cast %reduce_max3A_100 : vector<16x256xf32> to vector<1x16x256xf32>
    %stack3A_467 = vector.shape_cast %reduce_max3A_122 : vector<16x256xf32> to vector<1x16x256xf32>
    %stack3A_468 = vector.shape_cast %reduce_max3A_144 : vector<16x256xf32> to vector<1x16x256xf32>
    %stack3A_469 = vector.shape_cast %reduce_max3A_166 : vector<16x256xf32> to vector<1x16x256xf32>
    %stack3A_470 = vector.shape_cast %reduce_max3A_188 : vector<16x256xf32> to vector<1x16x256xf32>
    %stack3A_471 = vector.shape_cast %reduce_max3A_210 : vector<16x256xf32> to vector<1x16x256xf32>
    %stack3A_472 = vector.shape_cast %reduce_max3A_232 : vector<16x256xf32> to vector<1x16x256xf32>
    %stack3A_473 = vector.shape_cast %reduce_max3A_254 : vector<16x256xf32> to vector<1x16x256xf32>
    %stack3A_474 = vector.shape_cast %reduce_max3A_276 : vector<16x256xf32> to vector<1x16x256xf32>
    %stack3A_475 = vector.shape_cast %reduce_max3A_298 : vector<16x256xf32> to vector<1x16x256xf32>
    %stack3A_476 = vector.shape_cast %reduce_max3A_320 : vector<16x256xf32> to vector<1x16x256xf32>
    %stack3A_477 = vector.shape_cast %reduce_max3A_342 : vector<16x256xf32> to vector<1x16x256xf32>
    %stack3A_478 = vector.shape_cast %reduce_max3A_364 : vector<16x256xf32> to vector<1x16x256xf32>
    %stack3A_479 = vector.shape_cast %reduce_max3A_386 : vector<16x256xf32> to vector<1x16x256xf32>
    %stack3A_480 = vector.shape_cast %reduce_max3A_408 : vector<16x256xf32> to vector<1x16x256xf32>
    %stack3A_481 = vector.shape_cast %reduce_max3A_430 : vector<16x256xf32> to vector<1x16x256xf32>
    %stack3A_482 = tpu.concatenate %stack3A_462, %stack3A_463, %stack3A_464, %stack3A_465, %stack3A_466, %stack3A_467, %stack3A_468, %stack3A_469, %stack3A_470, %stack3A_471, %stack3A_472, %stack3A_473, %stack3A_474, %stack3A_475, %stack3A_476, %stack3A_477, %stack3A_478, %stack3A_479, %stack3A_480, %stack3A_481 in 0 : vector<1x16x256xf32>, vector<1x16x256xf32>, vector<1x16x256xf32>, vector<1x16x256xf32>, vector<1x16x256xf32>, vector<1x16x256xf32>, vector<1x16x256xf32>, vector<1x16x256xf32>, vector<1x16x256xf32>, vector<1x16x256xf32>, vector<1x16x256xf32>, vector<1x16x256xf32>, vector<1x16x256xf32>, vector<1x16x256xf32>, vector<1x16x256xf32>, vector<1x16x256xf32>, vector<1x16x256xf32>, vector<1x16x256xf32>, vector<1x16x256xf32>, vector<1x16x256xf32> -> vector<20x16x256xf32>
    %get3A_483 = arith.constant 0 : index
    %get3A_484 = arith.constant 0 : index
    %get3A_485 = vector.load %arg2[%get3A_483, %get3A_484] : memref<20x256xf32, #tpu.memory_space<vmem>>, vector<20x256xf32>
    %reduce_sum3A_486 = arith.constant dense<0.000000e+00> : vector<20x256xf32>
    %reduce_sum3A_487 = vector.multi_reduction <add>, %stack3A_461, %reduce_sum3A_486 [1] : vector<20x16x256xf32> to vector<20x256xf32>
    %add3A_488 = arith.addf %get3A_485, %reduce_sum3A_487 : vector<20x256xf32>
    %broadcast_in_dim3A_489 = vector.shape_cast %add3A_488 : vector<20x256xf32> to vector<20x1x256xf32>
    %sub3A = vector.broadcast %broadcast_in_dim3A_489 : vector<20x1x256xf32> to vector<20x16x256xf32>
    %sub3A_490 = arith.subf %sub3A, %stack3A_461 : vector<20x16x256xf32>
    %sub3A_491 = arith.subf %sub3A_490, %add3A_438 : vector<20x16x256xf32>
    %add3A_492 = arith.addf %sub3A_491, %stack3A_482 : vector<20x16x256xf32>
    %reduce_max3A_493 = arith.constant dense<0xFF800000> : vector<16x256xf32>
    %reduce_max3A_494 = vector.multi_reduction <maximumf>, %add3A_492, %reduce_max3A_493 [0] : vector<20x16x256xf32> to vector<16x256xf32>
    %broadcast_in_dim3A_495 = vector.shape_cast %reduce_max3A_494 : vector<16x256xf32> to vector<1x16x256xf32>
    %sub3A_496 = vector.broadcast %broadcast_in_dim3A_495 : vector<1x16x256xf32> to vector<20x16x256xf32>
    %sub3A_497 = arith.subf %sub3A_491, %sub3A_496 : vector<20x16x256xf32>
    %broadcast_in_dim3A_498 = arith.constant 0.000000e+00 : f32
    %broadcast_in_dim3A_499 = vector.broadcast %broadcast_in_dim3A_498 : f32 to vector<20x16x256xf32>
    %slice3A_500 = vector.extract_strided_slice %sub3A_497 {offsets = [0, 0, 0], sizes = [1, 16, 256], strides = [1, 1, 1]} : vector<20x16x256xf32> to vector<1x16x256xf32>
    %squeeze3A = vector.shape_cast %slice3A_500 : vector<1x16x256xf32> to vector<16x256xf32>
    %broadcast_in_dim3A_501 = vector.shape_cast %squeeze3A : vector<16x256xf32> to vector<1x16x256xf32>
    %get3A_502 = arith.constant 0 : index
    %get3A_503 = arith.constant 0 : index
    %get3A_504 = arith.constant 0 : index
    %get3A_505 = arith.constant 0 : index
    %get3A_506 = vector.load %arg1[%get3A_502, %get3A_503, %get3A_504, %get3A_505] : memref<20x20x16x256xf32, #tpu.memory_space<vmem>>, vector<1x20x16x256xf32>
    %get3A_507 = vector.shape_cast %get3A_506 : vector<1x20x16x256xf32> to vector<20x16x256xf32>
    %add3A_508 = vector.broadcast %broadcast_in_dim3A_501 : vector<1x16x256xf32> to vector<20x16x256xf32>
    %add3A_509 = arith.addf %add3A_508, %get3A_507 : vector<20x16x256xf32>
    %exp3A = math.exp %add3A_509 : vector<20x16x256xf32>
    %add3A_510 = arith.addf %broadcast_in_dim3A_499, %exp3A : vector<20x16x256xf32>
    %slice3A_511 = vector.extract_strided_slice %sub3A_497 {offsets = [1, 0, 0], sizes = [1, 16, 256], strides = [1, 1, 1]} : vector<20x16x256xf32> to vector<1x16x256xf32>
    %squeeze3A_512 = vector.shape_cast %slice3A_511 : vector<1x16x256xf32> to vector<16x256xf32>
    %broadcast_in_dim3A_513 = vector.shape_cast %squeeze3A_512 : vector<16x256xf32> to vector<1x16x256xf32>
    %get3A_514 = arith.constant 1 : index
    %get3A_515 = arith.constant 0 : index
    %get3A_516 = arith.constant 0 : index
    %get3A_517 = arith.constant 0 : index
    %get3A_518 = vector.load %arg1[%get3A_514, %get3A_515, %get3A_516, %get3A_517] : memref<20x20x16x256xf32, #tpu.memory_space<vmem>>, vector<1x20x16x256xf32>
    %get3A_519 = vector.shape_cast %get3A_518 : vector<1x20x16x256xf32> to vector<20x16x256xf32>
    %add3A_520 = vector.broadcast %broadcast_in_dim3A_513 : vector<1x16x256xf32> to vector<20x16x256xf32>
    %add3A_521 = arith.addf %add3A_520, %get3A_519 : vector<20x16x256xf32>
    %exp3A_522 = math.exp %add3A_521 : vector<20x16x256xf32>
    %add3A_523 = arith.addf %add3A_510, %exp3A_522 : vector<20x16x256xf32>
    %slice3A_524 = vector.extract_strided_slice %sub3A_497 {offsets = [2, 0, 0], sizes = [1, 16, 256], strides = [1, 1, 1]} : vector<20x16x256xf32> to vector<1x16x256xf32>
    %squeeze3A_525 = vector.shape_cast %slice3A_524 : vector<1x16x256xf32> to vector<16x256xf32>
    %broadcast_in_dim3A_526 = vector.shape_cast %squeeze3A_525 : vector<16x256xf32> to vector<1x16x256xf32>
    %get3A_527 = arith.constant 2 : index
    %get3A_528 = arith.constant 0 : index
    %get3A_529 = arith.constant 0 : index
    %get3A_530 = arith.constant 0 : index
    %get3A_531 = vector.load %arg1[%get3A_527, %get3A_528, %get3A_529, %get3A_530] : memref<20x20x16x256xf32, #tpu.memory_space<vmem>>, vector<1x20x16x256xf32>
    %get3A_532 = vector.shape_cast %get3A_531 : vector<1x20x16x256xf32> to vector<20x16x256xf32>
    %add3A_533 = vector.broadcast %broadcast_in_dim3A_526 : vector<1x16x256xf32> to vector<20x16x256xf32>
    %add3A_534 = arith.addf %add3A_533, %get3A_532 : vector<20x16x256xf32>
    %exp3A_535 = math.exp %add3A_534 : vector<20x16x256xf32>
    %add3A_536 = arith.addf %add3A_523, %exp3A_535 : vector<20x16x256xf32>
    %slice3A_537 = vector.extract_strided_slice %sub3A_497 {offsets = [3, 0, 0], sizes = [1, 16, 256], strides = [1, 1, 1]} : vector<20x16x256xf32> to vector<1x16x256xf32>
    %squeeze3A_538 = vector.shape_cast %slice3A_537 : vector<1x16x256xf32> to vector<16x256xf32>
    %broadcast_in_dim3A_539 = vector.shape_cast %squeeze3A_538 : vector<16x256xf32> to vector<1x16x256xf32>
    %get3A_540 = arith.constant 3 : index
    %get3A_541 = arith.constant 0 : index
    %get3A_542 = arith.constant 0 : index
    %get3A_543 = arith.constant 0 : index
    %get3A_544 = vector.load %arg1[%get3A_540, %get3A_541, %get3A_542, %get3A_543] : memref<20x20x16x256xf32, #tpu.memory_space<vmem>>, vector<1x20x16x256xf32>
    %get3A_545 = vector.shape_cast %get3A_544 : vector<1x20x16x256xf32> to vector<20x16x256xf32>
    %add3A_546 = vector.broadcast %broadcast_in_dim3A_539 : vector<1x16x256xf32> to vector<20x16x256xf32>
    %add3A_547 = arith.addf %add3A_546, %get3A_545 : vector<20x16x256xf32>
    %exp3A_548 = math.exp %add3A_547 : vector<20x16x256xf32>
    %add3A_549 = arith.addf %add3A_536, %exp3A_548 : vector<20x16x256xf32>
    %slice3A_550 = vector.extract_strided_slice %sub3A_497 {offsets = [4, 0, 0], sizes = [1, 16, 256], strides = [1, 1, 1]} : vector<20x16x256xf32> to vector<1x16x256xf32>
    %squeeze3A_551 = vector.shape_cast %slice3A_550 : vector<1x16x256xf32> to vector<16x256xf32>
    %broadcast_in_dim3A_552 = vector.shape_cast %squeeze3A_551 : vector<16x256xf32> to vector<1x16x256xf32>
    %get3A_553 = arith.constant 4 : index
    %get3A_554 = arith.constant 0 : index
    %get3A_555 = arith.constant 0 : index
    %get3A_556 = arith.constant 0 : index
    %get3A_557 = vector.load %arg1[%get3A_553, %get3A_554, %get3A_555, %get3A_556] : memref<20x20x16x256xf32, #tpu.memory_space<vmem>>, vector<1x20x16x256xf32>
    %get3A_558 = vector.shape_cast %get3A_557 : vector<1x20x16x256xf32> to vector<20x16x256xf32>
    %add3A_559 = vector.broadcast %broadcast_in_dim3A_552 : vector<1x16x256xf32> to vector<20x16x256xf32>
    %add3A_560 = arith.addf %add3A_559, %get3A_558 : vector<20x16x256xf32>
    %exp3A_561 = math.exp %add3A_560 : vector<20x16x256xf32>
    %add3A_562 = arith.addf %add3A_549, %exp3A_561 : vector<20x16x256xf32>
    %slice3A_563 = vector.extract_strided_slice %sub3A_497 {offsets = [5, 0, 0], sizes = [1, 16, 256], strides = [1, 1, 1]} : vector<20x16x256xf32> to vector<1x16x256xf32>
    %squeeze3A_564 = vector.shape_cast %slice3A_563 : vector<1x16x256xf32> to vector<16x256xf32>
    %broadcast_in_dim3A_565 = vector.shape_cast %squeeze3A_564 : vector<16x256xf32> to vector<1x16x256xf32>
    %get3A_566 = arith.constant 5 : index
    %get3A_567 = arith.constant 0 : index
    %get3A_568 = arith.constant 0 : index
    %get3A_569 = arith.constant 0 : index
    %get3A_570 = vector.load %arg1[%get3A_566, %get3A_567, %get3A_568, %get3A_569] : memref<20x20x16x256xf32, #tpu.memory_space<vmem>>, vector<1x20x16x256xf32>
    %get3A_571 = vector.shape_cast %get3A_570 : vector<1x20x16x256xf32> to vector<20x16x256xf32>
    %add3A_572 = vector.broadcast %broadcast_in_dim3A_565 : vector<1x16x256xf32> to vector<20x16x256xf32>
    %add3A_573 = arith.addf %add3A_572, %get3A_571 : vector<20x16x256xf32>
    %exp3A_574 = math.exp %add3A_573 : vector<20x16x256xf32>
    %add3A_575 = arith.addf %add3A_562, %exp3A_574 : vector<20x16x256xf32>
    %slice3A_576 = vector.extract_strided_slice %sub3A_497 {offsets = [6, 0, 0], sizes = [1, 16, 256], strides = [1, 1, 1]} : vector<20x16x256xf32> to vector<1x16x256xf32>
    %squeeze3A_577 = vector.shape_cast %slice3A_576 : vector<1x16x256xf32> to vector<16x256xf32>
    %broadcast_in_dim3A_578 = vector.shape_cast %squeeze3A_577 : vector<16x256xf32> to vector<1x16x256xf32>
    %get3A_579 = arith.constant 6 : index
    %get3A_580 = arith.constant 0 : index
    %get3A_581 = arith.constant 0 : index
    %get3A_582 = arith.constant 0 : index
    %get3A_583 = vector.load %arg1[%get3A_579, %get3A_580, %get3A_581, %get3A_582] : memref<20x20x16x256xf32, #tpu.memory_space<vmem>>, vector<1x20x16x256xf32>
    %get3A_584 = vector.shape_cast %get3A_583 : vector<1x20x16x256xf32> to vector<20x16x256xf32>
    %add3A_585 = vector.broadcast %broadcast_in_dim3A_578 : vector<1x16x256xf32> to vector<20x16x256xf32>
    %add3A_586 = arith.addf %add3A_585, %get3A_584 : vector<20x16x256xf32>
    %exp3A_587 = math.exp %add3A_586 : vector<20x16x256xf32>
    %add3A_588 = arith.addf %add3A_575, %exp3A_587 : vector<20x16x256xf32>
    %slice3A_589 = vector.extract_strided_slice %sub3A_497 {offsets = [7, 0, 0], sizes = [1, 16, 256], strides = [1, 1, 1]} : vector<20x16x256xf32> to vector<1x16x256xf32>
    %squeeze3A_590 = vector.shape_cast %slice3A_589 : vector<1x16x256xf32> to vector<16x256xf32>
    %broadcast_in_dim3A_591 = vector.shape_cast %squeeze3A_590 : vector<16x256xf32> to vector<1x16x256xf32>
    %get3A_592 = arith.constant 7 : index
    %get3A_593 = arith.constant 0 : index
    %get3A_594 = arith.constant 0 : index
    %get3A_595 = arith.constant 0 : index
    %get3A_596 = vector.load %arg1[%get3A_592, %get3A_593, %get3A_594, %get3A_595] : memref<20x20x16x256xf32, #tpu.memory_space<vmem>>, vector<1x20x16x256xf32>
    %get3A_597 = vector.shape_cast %get3A_596 : vector<1x20x16x256xf32> to vector<20x16x256xf32>
    %add3A_598 = vector.broadcast %broadcast_in_dim3A_591 : vector<1x16x256xf32> to vector<20x16x256xf32>
    %add3A_599 = arith.addf %add3A_598, %get3A_597 : vector<20x16x256xf32>
    %exp3A_600 = math.exp %add3A_599 : vector<20x16x256xf32>
    %add3A_601 = arith.addf %add3A_588, %exp3A_600 : vector<20x16x256xf32>
    %slice3A_602 = vector.extract_strided_slice %sub3A_497 {offsets = [8, 0, 0], sizes = [1, 16, 256], strides = [1, 1, 1]} : vector<20x16x256xf32> to vector<1x16x256xf32>
    %squeeze3A_603 = vector.shape_cast %slice3A_602 : vector<1x16x256xf32> to vector<16x256xf32>
    %broadcast_in_dim3A_604 = vector.shape_cast %squeeze3A_603 : vector<16x256xf32> to vector<1x16x256xf32>
    %get3A_605 = arith.constant 8 : index
    %get3A_606 = arith.constant 0 : index
    %get3A_607 = arith.constant 0 : index
    %get3A_608 = arith.constant 0 : index
    %get3A_609 = vector.load %arg1[%get3A_605, %get3A_606, %get3A_607, %get3A_608] : memref<20x20x16x256xf32, #tpu.memory_space<vmem>>, vector<1x20x16x256xf32>
    %get3A_610 = vector.shape_cast %get3A_609 : vector<1x20x16x256xf32> to vector<20x16x256xf32>
    %add3A_611 = vector.broadcast %broadcast_in_dim3A_604 : vector<1x16x256xf32> to vector<20x16x256xf32>
    %add3A_612 = arith.addf %add3A_611, %get3A_610 : vector<20x16x256xf32>
    %exp3A_613 = math.exp %add3A_612 : vector<20x16x256xf32>
    %add3A_614 = arith.addf %add3A_601, %exp3A_613 : vector<20x16x256xf32>
    %slice3A_615 = vector.extract_strided_slice %sub3A_497 {offsets = [9, 0, 0], sizes = [1, 16, 256], strides = [1, 1, 1]} : vector<20x16x256xf32> to vector<1x16x256xf32>
    %squeeze3A_616 = vector.shape_cast %slice3A_615 : vector<1x16x256xf32> to vector<16x256xf32>
    %broadcast_in_dim3A_617 = vector.shape_cast %squeeze3A_616 : vector<16x256xf32> to vector<1x16x256xf32>
    %get3A_618 = arith.constant 9 : index
    %get3A_619 = arith.constant 0 : index
    %get3A_620 = arith.constant 0 : index
    %get3A_621 = arith.constant 0 : index
    %get3A_622 = vector.load %arg1[%get3A_618, %get3A_619, %get3A_620, %get3A_621] : memref<20x20x16x256xf32, #tpu.memory_space<vmem>>, vector<1x20x16x256xf32>
    %get3A_623 = vector.shape_cast %get3A_622 : vector<1x20x16x256xf32> to vector<20x16x256xf32>
    %add3A_624 = vector.broadcast %broadcast_in_dim3A_617 : vector<1x16x256xf32> to vector<20x16x256xf32>
    %add3A_625 = arith.addf %add3A_624, %get3A_623 : vector<20x16x256xf32>
    %exp3A_626 = math.exp %add3A_625 : vector<20x16x256xf32>
    %add3A_627 = arith.addf %add3A_614, %exp3A_626 : vector<20x16x256xf32>
    %slice3A_628 = vector.extract_strided_slice %sub3A_497 {offsets = [10, 0, 0], sizes = [1, 16, 256], strides = [1, 1, 1]} : vector<20x16x256xf32> to vector<1x16x256xf32>
    %squeeze3A_629 = vector.shape_cast %slice3A_628 : vector<1x16x256xf32> to vector<16x256xf32>
    %broadcast_in_dim3A_630 = vector.shape_cast %squeeze3A_629 : vector<16x256xf32> to vector<1x16x256xf32>
    %get3A_631 = arith.constant 10 : index
    %get3A_632 = arith.constant 0 : index
    %get3A_633 = arith.constant 0 : index
    %get3A_634 = arith.constant 0 : index
    %get3A_635 = vector.load %arg1[%get3A_631, %get3A_632, %get3A_633, %get3A_634] : memref<20x20x16x256xf32, #tpu.memory_space<vmem>>, vector<1x20x16x256xf32>
    %get3A_636 = vector.shape_cast %get3A_635 : vector<1x20x16x256xf32> to vector<20x16x256xf32>
    %add3A_637 = vector.broadcast %broadcast_in_dim3A_630 : vector<1x16x256xf32> to vector<20x16x256xf32>
    %add3A_638 = arith.addf %add3A_637, %get3A_636 : vector<20x16x256xf32>
    %exp3A_639 = math.exp %add3A_638 : vector<20x16x256xf32>
    %add3A_640 = arith.addf %add3A_627, %exp3A_639 : vector<20x16x256xf32>
    %slice3A_641 = vector.extract_strided_slice %sub3A_497 {offsets = [11, 0, 0], sizes = [1, 16, 256], strides = [1, 1, 1]} : vector<20x16x256xf32> to vector<1x16x256xf32>
    %squeeze3A_642 = vector.shape_cast %slice3A_641 : vector<1x16x256xf32> to vector<16x256xf32>
    %broadcast_in_dim3A_643 = vector.shape_cast %squeeze3A_642 : vector<16x256xf32> to vector<1x16x256xf32>
    %get3A_644 = arith.constant 11 : index
    %get3A_645 = arith.constant 0 : index
    %get3A_646 = arith.constant 0 : index
    %get3A_647 = arith.constant 0 : index
    %get3A_648 = vector.load %arg1[%get3A_644, %get3A_645, %get3A_646, %get3A_647] : memref<20x20x16x256xf32, #tpu.memory_space<vmem>>, vector<1x20x16x256xf32>
    %get3A_649 = vector.shape_cast %get3A_648 : vector<1x20x16x256xf32> to vector<20x16x256xf32>
    %add3A_650 = vector.broadcast %broadcast_in_dim3A_643 : vector<1x16x256xf32> to vector<20x16x256xf32>
    %add3A_651 = arith.addf %add3A_650, %get3A_649 : vector<20x16x256xf32>
    %exp3A_652 = math.exp %add3A_651 : vector<20x16x256xf32>
    %add3A_653 = arith.addf %add3A_640, %exp3A_652 : vector<20x16x256xf32>
    %slice3A_654 = vector.extract_strided_slice %sub3A_497 {offsets = [12, 0, 0], sizes = [1, 16, 256], strides = [1, 1, 1]} : vector<20x16x256xf32> to vector<1x16x256xf32>
    %squeeze3A_655 = vector.shape_cast %slice3A_654 : vector<1x16x256xf32> to vector<16x256xf32>
    %broadcast_in_dim3A_656 = vector.shape_cast %squeeze3A_655 : vector<16x256xf32> to vector<1x16x256xf32>
    %get3A_657 = arith.constant 12 : index
    %get3A_658 = arith.constant 0 : index
    %get3A_659 = arith.constant 0 : index
    %get3A_660 = arith.constant 0 : index
    %get3A_661 = vector.load %arg1[%get3A_657, %get3A_658, %get3A_659, %get3A_660] : memref<20x20x16x256xf32, #tpu.memory_space<vmem>>, vector<1x20x16x256xf32>
    %get3A_662 = vector.shape_cast %get3A_661 : vector<1x20x16x256xf32> to vector<20x16x256xf32>
    %add3A_663 = vector.broadcast %broadcast_in_dim3A_656 : vector<1x16x256xf32> to vector<20x16x256xf32>
    %add3A_664 = arith.addf %add3A_663, %get3A_662 : vector<20x16x256xf32>
    %exp3A_665 = math.exp %add3A_664 : vector<20x16x256xf32>
    %add3A_666 = arith.addf %add3A_653, %exp3A_665 : vector<20x16x256xf32>
    %slice3A_667 = vector.extract_strided_slice %sub3A_497 {offsets = [13, 0, 0], sizes = [1, 16, 256], strides = [1, 1, 1]} : vector<20x16x256xf32> to vector<1x16x256xf32>
    %squeeze3A_668 = vector.shape_cast %slice3A_667 : vector<1x16x256xf32> to vector<16x256xf32>
    %broadcast_in_dim3A_669 = vector.shape_cast %squeeze3A_668 : vector<16x256xf32> to vector<1x16x256xf32>
    %get3A_670 = arith.constant 13 : index
    %get3A_671 = arith.constant 0 : index
    %get3A_672 = arith.constant 0 : index
    %get3A_673 = arith.constant 0 : index
    %get3A_674 = vector.load %arg1[%get3A_670, %get3A_671, %get3A_672, %get3A_673] : memref<20x20x16x256xf32, #tpu.memory_space<vmem>>, vector<1x20x16x256xf32>
    %get3A_675 = vector.shape_cast %get3A_674 : vector<1x20x16x256xf32> to vector<20x16x256xf32>
    %add3A_676 = vector.broadcast %broadcast_in_dim3A_669 : vector<1x16x256xf32> to vector<20x16x256xf32>
    %add3A_677 = arith.addf %add3A_676, %get3A_675 : vector<20x16x256xf32>
    %exp3A_678 = math.exp %add3A_677 : vector<20x16x256xf32>
    %add3A_679 = arith.addf %add3A_666, %exp3A_678 : vector<20x16x256xf32>
    %slice3A_680 = vector.extract_strided_slice %sub3A_497 {offsets = [14, 0, 0], sizes = [1, 16, 256], strides = [1, 1, 1]} : vector<20x16x256xf32> to vector<1x16x256xf32>
    %squeeze3A_681 = vector.shape_cast %slice3A_680 : vector<1x16x256xf32> to vector<16x256xf32>
    %broadcast_in_dim3A_682 = vector.shape_cast %squeeze3A_681 : vector<16x256xf32> to vector<1x16x256xf32>
    %get3A_683 = arith.constant 14 : index
    %get3A_684 = arith.constant 0 : index
    %get3A_685 = arith.constant 0 : index
    %get3A_686 = arith.constant 0 : index
    %get3A_687 = vector.load %arg1[%get3A_683, %get3A_684, %get3A_685, %get3A_686] : memref<20x20x16x256xf32, #tpu.memory_space<vmem>>, vector<1x20x16x256xf32>
    %get3A_688 = vector.shape_cast %get3A_687 : vector<1x20x16x256xf32> to vector<20x16x256xf32>
    %add3A_689 = vector.broadcast %broadcast_in_dim3A_682 : vector<1x16x256xf32> to vector<20x16x256xf32>
    %add3A_690 = arith.addf %add3A_689, %get3A_688 : vector<20x16x256xf32>
    %exp3A_691 = math.exp %add3A_690 : vector<20x16x256xf32>
    %add3A_692 = arith.addf %add3A_679, %exp3A_691 : vector<20x16x256xf32>
    %slice3A_693 = vector.extract_strided_slice %sub3A_497 {offsets = [15, 0, 0], sizes = [1, 16, 256], strides = [1, 1, 1]} : vector<20x16x256xf32> to vector<1x16x256xf32>
    %squeeze3A_694 = vector.shape_cast %slice3A_693 : vector<1x16x256xf32> to vector<16x256xf32>
    %broadcast_in_dim3A_695 = vector.shape_cast %squeeze3A_694 : vector<16x256xf32> to vector<1x16x256xf32>
    %get3A_696 = arith.constant 15 : index
    %get3A_697 = arith.constant 0 : index
    %get3A_698 = arith.constant 0 : index
    %get3A_699 = arith.constant 0 : index
    %get3A_700 = vector.load %arg1[%get3A_696, %get3A_697, %get3A_698, %get3A_699] : memref<20x20x16x256xf32, #tpu.memory_space<vmem>>, vector<1x20x16x256xf32>
    %get3A_701 = vector.shape_cast %get3A_700 : vector<1x20x16x256xf32> to vector<20x16x256xf32>
    %add3A_702 = vector.broadcast %broadcast_in_dim3A_695 : vector<1x16x256xf32> to vector<20x16x256xf32>
    %add3A_703 = arith.addf %add3A_702, %get3A_701 : vector<20x16x256xf32>
    %exp3A_704 = math.exp %add3A_703 : vector<20x16x256xf32>
    %add3A_705 = arith.addf %add3A_692, %exp3A_704 : vector<20x16x256xf32>
    %slice3A_706 = vector.extract_strided_slice %sub3A_497 {offsets = [16, 0, 0], sizes = [1, 16, 256], strides = [1, 1, 1]} : vector<20x16x256xf32> to vector<1x16x256xf32>
    %squeeze3A_707 = vector.shape_cast %slice3A_706 : vector<1x16x256xf32> to vector<16x256xf32>
    %broadcast_in_dim3A_708 = vector.shape_cast %squeeze3A_707 : vector<16x256xf32> to vector<1x16x256xf32>
    %get3A_709 = arith.constant 16 : index
    %get3A_710 = arith.constant 0 : index
    %get3A_711 = arith.constant 0 : index
    %get3A_712 = arith.constant 0 : index
    %get3A_713 = vector.load %arg1[%get3A_709, %get3A_710, %get3A_711, %get3A_712] : memref<20x20x16x256xf32, #tpu.memory_space<vmem>>, vector<1x20x16x256xf32>
    %get3A_714 = vector.shape_cast %get3A_713 : vector<1x20x16x256xf32> to vector<20x16x256xf32>
    %add3A_715 = vector.broadcast %broadcast_in_dim3A_708 : vector<1x16x256xf32> to vector<20x16x256xf32>
    %add3A_716 = arith.addf %add3A_715, %get3A_714 : vector<20x16x256xf32>
    %exp3A_717 = math.exp %add3A_716 : vector<20x16x256xf32>
    %add3A_718 = arith.addf %add3A_705, %exp3A_717 : vector<20x16x256xf32>
    %slice3A_719 = vector.extract_strided_slice %sub3A_497 {offsets = [17, 0, 0], sizes = [1, 16, 256], strides = [1, 1, 1]} : vector<20x16x256xf32> to vector<1x16x256xf32>
    %squeeze3A_720 = vector.shape_cast %slice3A_719 : vector<1x16x256xf32> to vector<16x256xf32>
    %broadcast_in_dim3A_721 = vector.shape_cast %squeeze3A_720 : vector<16x256xf32> to vector<1x16x256xf32>
    %get3A_722 = arith.constant 17 : index
    %get3A_723 = arith.constant 0 : index
    %get3A_724 = arith.constant 0 : index
    %get3A_725 = arith.constant 0 : index
    %get3A_726 = vector.load %arg1[%get3A_722, %get3A_723, %get3A_724, %get3A_725] : memref<20x20x16x256xf32, #tpu.memory_space<vmem>>, vector<1x20x16x256xf32>
    %get3A_727 = vector.shape_cast %get3A_726 : vector<1x20x16x256xf32> to vector<20x16x256xf32>
    %add3A_728 = vector.broadcast %broadcast_in_dim3A_721 : vector<1x16x256xf32> to vector<20x16x256xf32>
    %add3A_729 = arith.addf %add3A_728, %get3A_727 : vector<20x16x256xf32>
    %exp3A_730 = math.exp %add3A_729 : vector<20x16x256xf32>
    %add3A_731 = arith.addf %add3A_718, %exp3A_730 : vector<20x16x256xf32>
    %slice3A_732 = vector.extract_strided_slice %sub3A_497 {offsets = [18, 0, 0], sizes = [1, 16, 256], strides = [1, 1, 1]} : vector<20x16x256xf32> to vector<1x16x256xf32>
    %squeeze3A_733 = vector.shape_cast %slice3A_732 : vector<1x16x256xf32> to vector<16x256xf32>
    %broadcast_in_dim3A_734 = vector.shape_cast %squeeze3A_733 : vector<16x256xf32> to vector<1x16x256xf32>
    %get3A_735 = arith.constant 18 : index
    %get3A_736 = arith.constant 0 : index
    %get3A_737 = arith.constant 0 : index
    %get3A_738 = arith.constant 0 : index
    %get3A_739 = vector.load %arg1[%get3A_735, %get3A_736, %get3A_737, %get3A_738] : memref<20x20x16x256xf32, #tpu.memory_space<vmem>>, vector<1x20x16x256xf32>
    %get3A_740 = vector.shape_cast %get3A_739 : vector<1x20x16x256xf32> to vector<20x16x256xf32>
    %add3A_741 = vector.broadcast %broadcast_in_dim3A_734 : vector<1x16x256xf32> to vector<20x16x256xf32>
    %add3A_742 = arith.addf %add3A_741, %get3A_740 : vector<20x16x256xf32>
    %exp3A_743 = math.exp %add3A_742 : vector<20x16x256xf32>
    %add3A_744 = arith.addf %add3A_731, %exp3A_743 : vector<20x16x256xf32>
    %slice3A_745 = vector.extract_strided_slice %sub3A_497 {offsets = [19, 0, 0], sizes = [1, 16, 256], strides = [1, 1, 1]} : vector<20x16x256xf32> to vector<1x16x256xf32>
    %squeeze3A_746 = vector.shape_cast %slice3A_745 : vector<1x16x256xf32> to vector<16x256xf32>
    %broadcast_in_dim3A_747 = vector.shape_cast %squeeze3A_746 : vector<16x256xf32> to vector<1x16x256xf32>
    %get3A_748 = arith.constant 19 : index
    %get3A_749 = arith.constant 0 : index
    %get3A_750 = arith.constant 0 : index
    %get3A_751 = arith.constant 0 : index
    %get3A_752 = vector.load %arg1[%get3A_748, %get3A_749, %get3A_750, %get3A_751] : memref<20x20x16x256xf32, #tpu.memory_space<vmem>>, vector<1x20x16x256xf32>
    %get3A_753 = vector.shape_cast %get3A_752 : vector<1x20x16x256xf32> to vector<20x16x256xf32>
    %add3A_754 = vector.broadcast %broadcast_in_dim3A_747 : vector<1x16x256xf32> to vector<20x16x256xf32>
    %add3A_755 = arith.addf %add3A_754, %get3A_753 : vector<20x16x256xf32>
    %exp3A_756 = math.exp %add3A_755 : vector<20x16x256xf32>
    %add3A_757 = arith.addf %add3A_744, %exp3A_756 : vector<20x16x256xf32>
    %get3A_758 = arith.constant 0 : index
    %get3A_759 = arith.constant 0 : index
    %get3A_760 = vector.load %arg3[%get3A_758, %get3A_759] : memref<20x256xf32, #tpu.memory_space<vmem>>, vector<20x256xf32>
    %convert_element_type3A = arith.truncf %add3A_757 : vector<20x16x256xf32> to vector<20x16x256xbf16>
    %swap3A = arith.constant 0 : index
    %swap3A_761 = arith.constant 0 : index
    %swap3A_762 = arith.constant 0 : index
    %swap3A_763 = vector.load %arg5[%swap3A, %swap3A_761, %swap3A_762] : memref<20x16x256xbf16, #tpu.memory_space<vmem>>, vector<20x16x256xbf16>
    tpu.vector_store %arg5[%swap3A, %swap3A_761, %swap3A_762], %convert_element_type3A {strides = array<i32>} : memref<20x16x256xbf16, #tpu.memory_space<vmem>>, vector<20x16x256xbf16>,
    %swap3A_764 = arith.constant 0 : index
    %swap3A_765 = arith.constant 0 : index
    %swap3A_766 = vector.load %arg6[%swap3A_764, %swap3A_765] : memref<16x256xf32, #tpu.memory_space<vmem>>, vector<16x256xf32>
    tpu.vector_store %arg6[%swap3A_764, %swap3A_765], %reduce_max3A_494 {strides = array<i32>} : memref<16x256xf32, #tpu.memory_space<vmem>>, vector<16x256xf32>,
    %broadcast_in_dim3A_767 = vector.shape_cast %get3A_760 : vector<20x256xf32> to vector<20x1x256xf32>
    %mul3A_768 = vector.broadcast %broadcast_in_dim3A_767 : vector<20x1x256xf32> to vector<20x16x256xf32>
    %mul3A_769 = arith.mulf %sub3A_491, %mul3A_768 : vector<20x16x256xf32>
    %reduce_sum3A_770 = arith.constant dense<0.000000e+00> : vector<16x256xf32>
    %reduce_sum3A_771 = vector.multi_reduction <add>, %mul3A_769, %reduce_sum3A_770 [0] : vector<20x16x256xf32> to vector<16x256xf32>
    %swap3A_772 = arith.constant 0 : index
    %swap3A_773 = arith.constant 0 : index
    %swap3A_774 = vector.load %arg7[%swap3A_772, %swap3A_773] : memref<16x256xf32, #tpu.memory_space<vmem>>, vector<16x256xf32>
    tpu.vector_store %arg7[%swap3A_772, %swap3A_773], %reduce_sum3A_771 {strides = array<i32>} : memref<16x256xf32, #tpu.memory_space<vmem>>, vector<16x256xf32>,
    %reduce_sum3A_775 = arith.constant dense<0.000000e+00> : vector<16x256xf32>
    %reduce_sum3A_776 = vector.multi_reduction <add>, %sub3A_491, %reduce_sum3A_775 [0] : vector<20x16x256xf32> to vector<16x256xf32>
    %swap3A_777 = arith.constant 0 : index
    %swap3A_778 = arith.constant 0 : index
    %swap3A_779 = vector.load %arg8[%swap3A_777, %swap3A_778] : memref<16x256xf32, #tpu.memory_space<vmem>>, vector<16x256xf32>
    tpu.vector_store %arg8[%swap3A_777, %swap3A_778], %reduce_sum3A_776 {strides = array<i32>} : memref<16x256xf32, #tpu.memory_space<vmem>>, vector<16x256xf32>,
    %broadcast_in_dim3A_780 = vector.shape_cast %get3A_760 : vector<20x256xf32> to vector<20x1x256xf32>
    %mul3A_781 = vector.broadcast %broadcast_in_dim3A_780 : vector<20x1x256xf32> to vector<20x16x256xf32>
    %mul3A_782 = arith.mulf %stack3A_461, %mul3A_781 : vector<20x16x256xf32>
    %reduce_sum3A_783 = arith.constant dense<0.000000e+00> : vector<16x256xf32>
    %reduce_sum3A_784 = vector.multi_reduction <add>, %mul3A_782, %reduce_sum3A_783 [0] : vector<20x16x256xf32> to vector<16x256xf32>
    %swap3A_785 = arith.constant 0 : index
    %swap3A_786 = arith.constant 0 : index
    %swap3A_787 = vector.load %arg9[%swap3A_785, %swap3A_786] : memref<16x256xf32, #tpu.memory_space<vmem>>, vector<16x256xf32>
    tpu.vector_store %arg9[%swap3A_785, %swap3A_786], %reduce_sum3A_784 {strides = array<i32>} : memref<16x256xf32, #tpu.memory_space<vmem>>, vector<16x256xf32>,
    %swap3A_788 = arith.constant 0 : index
    %swap3A_789 = arith.constant 0 : index
    %swap3A_790 = vector.load %arg10[%swap3A_788, %swap3A_789] : memref<16x256xf32, #tpu.memory_space<vmem>>, vector<16x256xf32>
    tpu.vector_store %arg10[%swap3A_788, %swap3A_789], %add3A_441 {strides = array<i32>} : memref<16x256xf32, #tpu.memory_space<vmem>>, vector<16x256xf32>,
    %mul3A_791 = arith.mulf %add3A_488, %get3A_760 : vector<20x256xf32>
    %reduce_sum3A_792 = arith.constant dense<0.000000e+00> : vector<256xf32>
    %reduce_sum3A_793 = vector.multi_reduction <add>, %mul3A_791, %reduce_sum3A_792 [0] : vector<20x256xf32> to vector<256xf32>
    %broadcast_in_dim3A_794 = vector.shape_cast %reduce_sum3A_793 : vector<256xf32> to vector<1x256xf32>
    %reduce_sum3A_795 = arith.constant dense<0.000000e+00> : vector<256xf32>
    %reduce_sum3A_796 = vector.multi_reduction <add>, %add3A_488, %reduce_sum3A_795 [0] : vector<20x256xf32> to vector<256xf32>
    %broadcast_in_dim3A_797 = vector.shape_cast %reduce_sum3A_796 : vector<256xf32> to vector<1x256xf32>
    %reduce_max3A_798 = arith.constant dense<0xFF800000> : vector<256xf32>
    %reduce_max3A_799 = vector.multi_reduction <maximumf>, %add3A_488, %reduce_max3A_798 [0] : vector<20x256xf32> to vector<256xf32>
    %broadcast_in_dim3A_800 = vector.shape_cast %reduce_max3A_799 : vector<256xf32> to vector<1x256xf32>
    %reduce_sum3A_801 = arith.constant dense<0.000000e+00> : vector<256xf32>
    %reduce_sum3A_802 = vector.multi_reduction <add>, %get3A_760, %reduce_sum3A_801 [0] : vector<20x256xf32> to vector<256xf32>
    %broadcast_in_dim3A_803 = vector.shape_cast %reduce_sum3A_802 : vector<256xf32> to vector<1x256xf32>
    %broadcast_in_dim3A_804 = arith.constant 0.000000e+00 : f32
    %broadcast_in_dim3A_805 = vector.broadcast %broadcast_in_dim3A_804 : f32 to vector<8x256xf32>
    %concatenate3A = tpu.concatenate %add3A_488, %broadcast_in_dim3A_794, %broadcast_in_dim3A_797, %broadcast_in_dim3A_800, %broadcast_in_dim3A_803, %broadcast_in_dim3A_805 in 0 : vector<20x256xf32>, vector<1x256xf32>, vector<1x256xf32>, vector<1x256xf32>, vector<1x256xf32>, vector<8x256xf32> -> vector<32x256xf32>
    %swap3A_806 = arith.constant 0 : index
    %swap3A_807 = arith.constant 0 : index
    %swap3A_808 = vector.load %arg11[%swap3A_806, %swap3A_807] : memref<32x256xf32, #tpu.memory_space<vmem>>, vector<32x256xf32>
    tpu.vector_store %arg11[%swap3A_806, %swap3A_807], %concatenate3A {strides = array<i32>} : memref<32x256xf32, #tpu.memory_space<vmem>>, vector<32x256xf32>,
    return
  }
  func.func @transform_0(%arg0: i32) -> (i32, i32, i32, i32) {
    %c0_i32 = arith.constant 0 : i32
    %c0_i32_0 = arith.constant 0 : i32
    %c0_i32_1 = arith.constant 0 : i32
    %c0_i32_2 = arith.constant 0 : i32
    return %c0_i32, %c0_i32_0, %c0_i32_1, %arg0 : i32, i32, i32, i32
  }
  func.func @transform_1(%arg0: i32) -> (i32, i32) {
    %c0_i32 = arith.constant 0 : i32
    %c0_i32_0 = arith.constant 0 : i32
    return %c0_i32, %arg0 : i32, i32
  }
  func.func @transform_2(%arg0: i32) -> (i32, i32) {
    %c0_i32 = arith.constant 0 : i32
    %c0_i32_0 = arith.constant 0 : i32
    return %c0_i32, %arg0 : i32, i32
  }
  func.func @transform_3(%arg0: i32) -> (i32, i32, i32) {
    %c0_i32 = arith.constant 0 : i32
    %c0_i32_0 = arith.constant 0 : i32
    %c0_i32_1 = arith.constant 0 : i32
    return %c0_i32, %arg0, %c0_i32_0 : i32, i32, i32
  }
  func.func @transform_4(%arg0: i32) -> (i32, i32, i32) {
    %c0_i32 = arith.constant 0 : i32
    %c0_i32_0 = arith.constant 0 : i32
    %c0_i32_1 = arith.constant 0 : i32
    return %c0_i32, %c0_i32_0, %arg0 : i32, i32, i32
  }
  func.func @transform_5(%arg0: i32) -> (i32, i32) {
    %c0_i32 = arith.constant 0 : i32
    %c0_i32_0 = arith.constant 0 : i32
    return %c0_i32, %arg0 : i32, i32
  }
  func.func @transform_6(%arg0: i32) -> (i32, i32) {
    %c0_i32 = arith.constant 0 : i32
    %c0_i32_0 = arith.constant 0 : i32
    return %c0_i32, %arg0 : i32, i32
  }
  func.func @transform_7(%arg0: i32) -> (i32, i32) {
    %c0_i32 = arith.constant 0 : i32
    %c0_i32_0 = arith.constant 0 : i32
    return %c0_i32, %arg0 : i32, i32
  }
  func.func @transform_8(%arg0: i32) -> (i32, i32) {
    %c0_i32 = arith.constant 0 : i32
    %c0_i32_0 = arith.constant 0 : i32
    return %c0_i32, %arg0 : i32, i32
  }
  func.func @transform_9(%arg0: i32) -> (i32, i32) {
    %c0_i32 = arith.constant 0 : i32
    %c0_i32_0 = arith.constant 0 : i32
    return %c0_i32, %arg0 : i32, i32
  }
  func.func @transform_10(%arg0: i32) -> (i32, i32) {
    %c0_i32 = arith.constant 0 : i32
    %c0_i32_0 = arith.constant 0 : i32
    return %c0_i32, %arg0 : i32, i32
  }
}

module attributes {stable_mosaic.version = 14 : i64} {
  func.func @_p2_body(%arg0: i32, %arg1: memref<20x16x256xbf16, #tpu.memory_space<vmem>>, %arg2: memref<16x256xf32, #tpu.memory_space<vmem>>, %arg3: memref<16x256xf32, #tpu.memory_space<vmem>>, %arg4: memref<16x256xf32, #tpu.memory_space<vmem>>, %arg5: memref<16x256xf32, #tpu.memory_space<vmem>>, %arg6: memref<16x256xf32, #tpu.memory_space<vmem>>, %arg7: memref<16x256x32xf32, #tpu.memory_space<vmem>>, %arg8: memref<20x256xf32, #tpu.memory_space<vmem>>, %arg9: memref<16x256xf32, #tpu.memory_space<vmem>>, %arg10: memref<8x256xf32, #tpu.memory_space<vmem>>) attributes {dimension_semantics = [#tpu.dimension_semantics<arbitrary>], iteration_bounds = array<i64: 40>, scalar_prefetch = 0 : i64, scratch_operands = 0 : i64, tpu.core_type = #tpu.core_type<tc>, window_params = [{transform_indices = @transform_0, window_bounds = array<i64: 20, 16, 256>}, {transform_indices = @transform_1, window_bounds = array<i64: 16, 256>}, {transform_indices = @transform_2, window_bounds = array<i64: 16, 256>}, {transform_indices = @transform_3, window_bounds = array<i64: 16, 256>}, {transform_indices = @transform_4, window_bounds = array<i64: 16, 256>}, {transform_indices = @transform_5, window_bounds = array<i64: 16, 256>}, {transform_indices = @transform_6, window_bounds = array<i64: 16, 256, 32>}, {transform_indices = @transform_7, window_bounds = array<i64: 20, 256>}, {transform_indices = @transform_8, window_bounds = array<i64: 16, 256>}, {transform_indices = @transform_9, window_bounds = array<i64: 8, 256>}]} {
    %get3A = arith.constant 0 : index
    %get3A_0 = arith.constant 0 : index
    %get3A_1 = arith.constant 0 : index
    %get3A_2 = vector.load %arg1[%get3A, %get3A_0, %get3A_1] : memref<20x16x256xbf16, #tpu.memory_space<vmem>>, vector<20x16x256xbf16>
    %convert_element_type3A = arith.extf %get3A_2 : vector<20x16x256xbf16> to vector<20x16x256xf32>
    %get3A_3 = arith.constant 0 : index
    %get3A_4 = arith.constant 0 : index
    %get3A_5 = arith.constant 0 : index
    %get3A_6 = vector.load %arg7[%get3A_3, %get3A_4, %get3A_5] : memref<16x256x32xf32, #tpu.memory_space<vmem>>, vector<16x256x32xf32>
    %slice3A = vector.extract_strided_slice %get3A_6 {offsets = [0, 0, 0], sizes = [16, 256, 24], strides = [1, 1, 1]} : vector<16x256x32xf32> to vector<16x256x24xf32>
    %transpose3A = tpu.transpose %slice3A, [2, 0, 1] : vector<16x256x24xf32> -> vector<24x16x256xf32>
    %slice3A_7 = vector.extract_strided_slice %transpose3A {offsets = [0, 0, 0], sizes = [20, 16, 256], strides = [1, 1, 1]} : vector<24x16x256xf32> to vector<20x16x256xf32>
    %slice3A_8 = vector.extract_strided_slice %transpose3A {offsets = [20, 0, 0], sizes = [1, 16, 256], strides = [1, 1, 1]} : vector<24x16x256xf32> to vector<1x16x256xf32>
    %squeeze3A = vector.shape_cast %slice3A_8 : vector<1x16x256xf32> to vector<16x256xf32>
    %slice3A_9 = vector.extract_strided_slice %transpose3A {offsets = [21, 0, 0], sizes = [1, 16, 256], strides = [1, 1, 1]} : vector<24x16x256xf32> to vector<1x16x256xf32>
    %squeeze3A_10 = vector.shape_cast %slice3A_9 : vector<1x16x256xf32> to vector<16x256xf32>
    %slice3A_11 = vector.extract_strided_slice %transpose3A {offsets = [22, 0, 0], sizes = [1, 16, 256], strides = [1, 1, 1]} : vector<24x16x256xf32> to vector<1x16x256xf32>
    %squeeze3A_12 = vector.shape_cast %slice3A_11 : vector<1x16x256xf32> to vector<16x256xf32>
    %slice3A_13 = vector.extract_strided_slice %transpose3A {offsets = [23, 0, 0], sizes = [1, 16, 256], strides = [1, 1, 1]} : vector<24x16x256xf32> to vector<1x16x256xf32>
    %squeeze3A_14 = vector.shape_cast %slice3A_13 : vector<1x16x256xf32> to vector<16x256xf32>
    %broadcast_in_dim3A = vector.shape_cast %squeeze3A_12 : vector<16x256xf32> to vector<1x16x256xf32>
    %sub3A = vector.broadcast %broadcast_in_dim3A : vector<1x16x256xf32> to vector<20x16x256xf32>
    %sub3A_15 = arith.subf %slice3A_7, %sub3A : vector<20x16x256xf32>
    %exp3A = math.exp %sub3A_15 : vector<20x16x256xf32>
    %mul3A = arith.mulf %convert_element_type3A, %exp3A : vector<20x16x256xf32>
    %reduce_sum3A = arith.constant dense<0.000000e+00> : vector<16x256xf32>
    %reduce_sum3A_16 = vector.multi_reduction <add>, %mul3A, %reduce_sum3A [0] : vector<20x16x256xf32> to vector<16x256xf32>
    %get3A_17 = arith.constant 0 : index
    %get3A_18 = arith.constant 0 : index
    %get3A_19 = vector.load %arg2[%get3A_17, %get3A_18] : memref<16x256xf32, #tpu.memory_space<vmem>>, vector<16x256xf32>
    %add3A = arith.addf %get3A_19, %squeeze3A_12 : vector<16x256xf32>
    %log3A = math.log %reduce_sum3A_16 : vector<16x256xf32>
    %add3A_20 = arith.addf %add3A, %log3A : vector<16x256xf32>
    %get3A_21 = arith.constant 0 : index
    %get3A_22 = arith.constant 0 : index
    %get3A_23 = vector.load %arg8[%get3A_21, %get3A_22] : memref<20x256xf32, #tpu.memory_space<vmem>>, vector<20x256xf32>
    %reduce_sum3A_24 = arith.constant dense<0.000000e+00> : vector<256xf32>
    %reduce_sum3A_25 = vector.multi_reduction <add>, %get3A_23, %reduce_sum3A_24 [0] : vector<20x256xf32> to vector<256xf32>
    %broadcast_in_dim3A_26 = vector.shape_cast %reduce_sum3A_25 : vector<256xf32> to vector<1x256xf32>
    %get3A_27 = arith.constant 0 : index
    %get3A_28 = arith.constant 0 : index
    %get3A_29 = vector.load %arg3[%get3A_27, %get3A_28] : memref<16x256xf32, #tpu.memory_space<vmem>>, vector<16x256xf32>
    %mul3A_30 = arith.mulf %get3A_29, %squeeze3A_14 : vector<16x256xf32>
    %mul3A_31 = vector.broadcast %broadcast_in_dim3A_26 : vector<1x256xf32> to vector<16x256xf32>
    %mul3A_32 = arith.mulf %squeeze3A, %mul3A_31 : vector<16x256xf32>
    %add3A_33 = arith.addf %mul3A_30, %mul3A_32 : vector<16x256xf32>
    %get3A_34 = arith.constant 0 : index
    %get3A_35 = arith.constant 0 : index
    %get3A_36 = vector.load %arg5[%get3A_34, %get3A_35] : memref<16x256xf32, #tpu.memory_space<vmem>>, vector<16x256xf32>
    %add3A_37 = arith.addf %add3A_33, %get3A_36 : vector<16x256xf32>
    %mul3A_38 = arith.mulf %add3A_20, %squeeze3A_14 : vector<16x256xf32>
    %mul3A_39 = vector.broadcast %broadcast_in_dim3A_26 : vector<1x256xf32> to vector<16x256xf32>
    %mul3A_40 = arith.mulf %mul3A_38, %mul3A_39 : vector<16x256xf32>
    %sub3A_41 = arith.subf %add3A_37, %mul3A_40 : vector<16x256xf32>
    %get3A_42 = arith.constant 0 : index
    %get3A_43 = arith.constant 0 : index
    %get3A_44 = vector.load %arg4[%get3A_42, %get3A_43] : memref<16x256xf32, #tpu.memory_space<vmem>>, vector<16x256xf32>
    %mul3A_45 = arith.constant 2.000000e+01 : f32
    %mul3A_46 = vector.broadcast %mul3A_45 : f32 to vector<16x256xf32>
    %mul3A_47 = arith.mulf %mul3A_46, %get3A_44 : vector<16x256xf32>
    %mul3A_48 = arith.constant 2.000000e+01 : f32
    %mul3A_49 = vector.broadcast %mul3A_48 : f32 to vector<16x256xf32>
    %mul3A_50 = arith.mulf %mul3A_49, %squeeze3A_10 : vector<16x256xf32>
    %add3A_51 = arith.addf %mul3A_47, %mul3A_50 : vector<16x256xf32>
    %get3A_52 = arith.constant 0 : index
    %get3A_53 = arith.constant 0 : index
    %get3A_54 = vector.load %arg6[%get3A_52, %get3A_53] : memref<16x256xf32, #tpu.memory_space<vmem>>, vector<16x256xf32>
    %add3A_55 = arith.addf %add3A_51, %get3A_54 : vector<16x256xf32>
    %mul3A_56 = arith.constant 4.000000e+02 : f32
    %mul3A_57 = vector.broadcast %mul3A_56 : f32 to vector<16x256xf32>
    %mul3A_58 = arith.mulf %mul3A_57, %add3A_20 : vector<16x256xf32>
    %sub3A_59 = arith.subf %add3A_55, %mul3A_58 : vector<16x256xf32>
    %mul3A_60 = arith.constant 0.809523821 : f32
    %mul3A_61 = vector.broadcast %mul3A_60 : f32 to vector<16x256xf32>
    %mul3A_62 = arith.mulf %mul3A_61, %sub3A_41 : vector<16x256xf32>
    %mul3A_63 = arith.constant 4.76190471E-4 : f32
    %mul3A_64 = vector.broadcast %mul3A_63 : f32 to vector<16x256xf32>
    %mul3A_65 = arith.mulf %mul3A_64, %sub3A_59 : vector<16x256xf32>
    %add3A_66 = arith.addf %mul3A_62, %mul3A_65 : vector<16x256xf32>
    %swap3A = arith.constant 0 : index
    %swap3A_67 = arith.constant 0 : index
    %swap3A_68 = vector.load %arg9[%swap3A, %swap3A_67] : memref<16x256xf32, #tpu.memory_space<vmem>>, vector<16x256xf32>
    tpu.vector_store %arg9[%swap3A, %swap3A_67], %add3A_66 {strides = array<i32>} : memref<16x256xf32, #tpu.memory_space<vmem>>, vector<16x256xf32>,
    %reduce_sum3A_69 = arith.constant dense<0.000000e+00> : vector<256xf32>
    %reduce_sum3A_70 = vector.multi_reduction <add>, %add3A_66, %reduce_sum3A_69 [0] : vector<16x256xf32> to vector<256xf32>
    %broadcast_in_dim3A_71 = vector.shape_cast %reduce_sum3A_70 : vector<256xf32> to vector<1x256xf32>
    %mul3A_72 = arith.constant 3.125000e-02 : f32
    %mul3A_73 = vector.broadcast %mul3A_72 : f32 to vector<1x256xf32>
    %mul3A_74 = arith.mulf %broadcast_in_dim3A_71, %mul3A_73 : vector<1x256xf32>
    %broadcast_in_dim3A_75 = vector.shape_cast %mul3A_74 : vector<1x256xf32> to vector<1x256xf32>
    %broadcast_in_dim3A_76 = vector.broadcast %broadcast_in_dim3A_75 : vector<1x256xf32> to vector<8x256xf32>
    %swap3A_77 = arith.constant 0 : index
    %swap3A_78 = arith.constant 0 : index
    %swap3A_79 = vector.load %arg10[%swap3A_77, %swap3A_78] : memref<8x256xf32, #tpu.memory_space<vmem>>, vector<8x256xf32>
    tpu.vector_store %arg10[%swap3A_77, %swap3A_78], %broadcast_in_dim3A_76 {strides = array<i32>} : memref<8x256xf32, #tpu.memory_space<vmem>>, vector<8x256xf32>,
    return
  }
  func.func @transform_0(%arg0: i32) -> (i32, i32, i32) {
    %c0_i32 = arith.constant 0 : i32
    %c0_i32_0 = arith.constant 0 : i32
    %c0_i32_1 = arith.constant 0 : i32
    return %c0_i32, %c0_i32_0, %arg0 : i32, i32, i32
  }
  func.func @transform_1(%arg0: i32) -> (i32, i32) {
    %c0_i32 = arith.constant 0 : i32
    %c0_i32_0 = arith.constant 0 : i32
    return %c0_i32, %arg0 : i32, i32
  }
  func.func @transform_2(%arg0: i32) -> (i32, i32) {
    %c0_i32 = arith.constant 0 : i32
    %c0_i32_0 = arith.constant 0 : i32
    return %c0_i32, %arg0 : i32, i32
  }
  func.func @transform_3(%arg0: i32) -> (i32, i32) {
    %c0_i32 = arith.constant 0 : i32
    %c0_i32_0 = arith.constant 0 : i32
    return %c0_i32, %arg0 : i32, i32
  }
  func.func @transform_4(%arg0: i32) -> (i32, i32) {
    %c0_i32 = arith.constant 0 : i32
    %c0_i32_0 = arith.constant 0 : i32
    return %c0_i32, %arg0 : i32, i32
  }
  func.func @transform_5(%arg0: i32) -> (i32, i32) {
    %c0_i32 = arith.constant 0 : i32
    %c0_i32_0 = arith.constant 0 : i32
    return %c0_i32, %arg0 : i32, i32
  }
  func.func @transform_6(%arg0: i32) -> (i32, i32, i32) {
    %c0_i32 = arith.constant 0 : i32
    %c0_i32_0 = arith.constant 0 : i32
    %c0_i32_1 = arith.constant 0 : i32
    return %c0_i32, %arg0, %c0_i32_0 : i32, i32, i32
  }
  func.func @transform_7(%arg0: i32) -> (i32, i32) {
    %c0_i32 = arith.constant 0 : i32
    %c0_i32_0 = arith.constant 0 : i32
    return %c0_i32, %arg0 : i32, i32
  }
  func.func @transform_8(%arg0: i32) -> (i32, i32) {
    %c0_i32 = arith.constant 0 : i32
    %c0_i32_0 = arith.constant 0 : i32
    return %c0_i32, %arg0 : i32, i32
  }
  func.func @transform_9(%arg0: i32) -> (i32, i32) {
    %c0_i32 = arith.constant 0 : i32
    %c0_i32_0 = arith.constant 0 : i32
    return %c0_i32, %arg0 : i32, i32
  }
}

</mosaic_0001>

<sc_bundles>
// kernel: kernel.6.cloned.1.call-start
scs
__scs_entry_jumppad:
0x0: {  	(pc) =	sbr.rel $0x88, $3  }
0x1: {  	(tag) =	ssettag $0x0;
	lr =	simm.s32 $0x1  }
0x2: {  	[smem:$0x3F9D] =	sst lr;
	_ =	strace $0xD0000000  }
0x3: {  	_ = 	snop  }
0x4: {  	_ = 	snop  }
0x5: {  	_ = 	snop  }
0x6: {  	_ = 	snop  }
0x7: {  	_ = 	snop  }
__scs_overlays_trampoline_lowered:
0x8: {  	[smem:$0x3FAC] =	sst s0  }
0x9: {  	[smem:$0x3FAD] =	sst s1  }
0xa: {  	[smem:$0x3FAE] =	sst s2  }
0xb: {  	[smem:$0x3FAF] =	sst s3  }
0xc: {  	[smem:$0x3FB0] =	sst s4  }
0xd: {  	[smem:$0x3FB1] =	sst s5  }
0xe: {  	[smem:$0x3FB2] =	sst s6  }
0xf: {  	[smem:$0x3FB3] =	sst s7  }
0x10: {  	[smem:$0x3FB4] =	sst s8  }
0x11: {  	[smem:$0x3FB5] =	sst s9;
	s0 =	simm.s32 @!p0 $0x0  }
0x12: {  	s1 =	sld [smem:$0x3F9B];
	s0 =	simm.s32 @p0 $0x1  }
0x13: {  	[smem:$0x3FB6] =	sst s0;
	s0 =	simm.s32 @!p1 $0x0  }
0x14: {  	s2 =	sld [smem:$0x3F9A];
	s0 =	simm.s32 @p1 $0x1  }
0x15: {  	[smem:$0x3FB7] =	sst s0;
	s0 =	simm.s32 @!p2 $0x0  }
0x16: {  	s3 =	sld [smem:$0x3FDB];
	s0 =	simm.s32 @p2 $0x1  }
0x17: {  	s4 =	simm.s32 $0x1BF5;
	[smem:$0x3FB9] =	sst s0  }
0x18: {  	s0 =	sld [smem:$0x3F9C];
	_ =	swait.ge [sflag:s4], $0x0  }
0x19: {  	s7 =	sld [smem:$0x3F9D]  }
0x1a: {  	s8 =	sadd.s32 $0xFFFFE003, lr  }
0x1b: {  	s9 =	sadd.s32 $0xFFFFFEF7, lr;
	s5 =	simm.s32 $0xFFFFFFFF;
	p2 =	slt.u32 s8, $0xFFFFF086  }
0x1c: {  	p1 =	slt.u32 s9, $0xF7A;
	s5 =	simm.s32 @!p2 $0x0  }
0x1d: {  	s5 =	simm.s32 @p1 $0x1;
	p0 =	seq.s32 s7, s2  }
0x1e: {  	s7 =	smul.u32 @!p0 $0xF7A, s2;
	p2 =	seq.s32 @!p0 s5, $0x0  }
0x1f: {  	s9 =	smul.u32 $0xF7A, s1;
	s8 =	simm.s32 @!p0 $0x1BF5;
	p2 =	por !p2, p0  }
0x20: {  	[sflag:s8] =	ssyncset.s32 @!p0 $0xFFFFF086;
	s6 =	sadd.s32 @!p0 s3, s7;
	s7 =	simm.s32 @!p0 $0x108  }
0x21: {  	s3 =	sadd.s32 s3, s9;
	s6 =	sadd.s32 @!p0 $0x88, s6;
	s7 =	simm.s32 @p2 $0x1082  }
0x22: {  	[simem:s7], [sflag:s8] =	dma.local @!p0 [hbm:s6], $0xF7A  }
0x23: {  	s9 =	sor.u32 $0xD0000000, s2;
	s6 =	simm.s32 $0x108;
	_ =	swait.ge @!p0 [sflag:s8], $0x0  }
0x24: {  	s3 =	sadd.s32 $0x88, s3;
	s6 =	simm.s32 @!p1 $0x1082;
	[sflag:s4] =	ssyncset.s32 $0xFFFFF086  }
0x25: {  	[simem:s6], [sflag:s4] =	dma.local [hbm:s3], $0xF7A  }
0x26: {  	[smem:$0x3F9D] =	sst s1;
	(tag) =	ssettag s2;
	_ =	strace s9  }
0x27: {  	s1 =	sld [smem:$0x3FAD]  }
0x28: {  	s2 =	sld [smem:$0x3FAE]  }
0x29: {  	s4 =	sld [smem:$0x3FB0]  }
0x2a: {  	p0 =	seq.s32 s5, $0x0;
	s5 =	sld [smem:$0x3FB1]  }
0x2b: {  	s6 =	sld [smem:$0x3FB2]  }
0x2c: {  	s7 =	sld [smem:$0x3FB3]  }
0x2d: {  	s3 =	simm.s32 $0x108;
	s8 =	sld [smem:$0x3FB4]  }
0x2e: {  	s3 =	simm.s32 @!p0 $0x1082;
	s9 =	sld [smem:$0x3FB5]  }
0x2f: {  	lr =	sadd.s32 s0, s3;
	s0 =	sld [smem:$0x3FAC]  }
0x30: {  	s3 =	sld [smem:$0x3FAF]  }
0x31: {  	[smem:$0x3FB8] =	sst s10  }
0x32: {  	s10 =	sld [smem:$0x3FB6];
	_ =	sdelay $0x3  }
0x33: {  	p0 =	seq.s32 s10, $0x1;
	s10 =	sld [smem:$0x3FB8];
	_ =	sdelay $0x3  }
0x34: {  	[smem:$0x3FB8] =	sst s10  }
0x35: {  	s10 =	sld [smem:$0x3FB7];
	_ =	sdelay $0x3  }
0x36: {  	p1 =	seq.s32 s10, $0x1;
	s10 =	sld [smem:$0x3FB8];
	_ =	sdelay $0x3  }
0x37: {  	[smem:$0x3FB8] =	sst s10  }
0x38: {  	s10 =	sld [smem:$0x3FB9]  }
0x39: {  	_ = 	snop;
	(pc) =	sbr.ind lr, $3  }
0x3a: {  	_ = 	snop  }
0x3b: {  	_ = 	snop  }
0x3c: {  	p2 =	seq.s32 s10, $0x1;
	s10 =	sld [smem:$0x3FB8]  }
0x3d: {  	_ =	shalt  }
0x3e: {  	_ =	shalt  }
0x3f: {  	_ =	shalt  }
0x40: {  	_ =	shalt  }
0x41: {  	_ =	shalt  }
0x42: {  	_ =	shalt  }
0x43: {  	_ =	shalt  }
0x44: {  	_ =	shalt  }
0x45: {  	_ =	shalt  }
0x46: {  	_ =	shalt  }
0x47: {  	_ =	shalt  }
0x48: {  	_ =	shalt  }
0x49: {  	_ =	shalt  }
0x4a: {  	_ =	shalt  }
0x4b: {  	_ =	shalt  }
0x4c: {  	_ =	shalt  }
0x4d: {  	_ =	shalt  }
0x4e: {  	_ =	shalt  }
0x4f: {  	_ =	shalt  }
0x50: {  	_ =	shalt  }
0x51: {  	_ =	shalt  }
0x52: {  	_ =	shalt  }
0x53: {  	_ =	shalt  }
0x54: {  	_ =	shalt  }
0x55: {  	_ =	shalt  }
0x56: {  	_ =	shalt  }
0x57: {  	_ =	shalt  }
0x58: {  	_ =	shalt  }
0x59: {  	_ =	shalt  }
0x5a: {  	_ =	shalt  }
0x5b: {  	_ =	shalt  }
0x5c: {  	_ =	shalt  }
0x5d: {  	_ =	shalt  }
0x5e: {  	_ =	shalt  }
0x5f: {  	_ =	shalt  }
0x60: {  	_ =	shalt  }
0x61: {  	_ =	shalt  }
0x62: {  	_ =	shalt  }
0x63: {  	_ =	shalt  }
0x64: {  	_ =	shalt  }
0x65: {  	_ =	shalt  }
0x66: {  	_ =	shalt  }
0x67: {  	_ =	shalt  }
0x68: {  	_ =	shalt  }
0x69: {  	_ =	shalt  }
0x6a: {  	_ =	shalt  }
0x6b: {  	_ =	shalt  }
0x6c: {  	_ =	shalt  }
0x6d: {  	_ =	shalt  }
0x6e: {  	_ =	shalt  }
0x6f: {  	_ =	shalt  }
0x70: {  	_ =	shalt  }
0x71: {  	_ =	shalt  }
0x72: {  	_ =	shalt  }
0x73: {  	_ =	shalt  }
0x74: {  	_ =	shalt  }
0x75: {  	_ =	shalt  }
0x76: {  	_ =	shalt  }
0x77: {  	_ =	shalt  }
0x78: {  	_ =	shalt  }
0x79: {  	_ =	shalt  }
0x7a: {  	_ =	shalt  }
0x7b: {  	_ =	shalt  }
0x7c: {  	_ =	shalt  }
0x7d: {  	_ =	shalt  }
0x7e: {  	_ =	shalt  }
0x7f: {  	_ =	shalt  }
0x80: {  	_ =	shalt  }
0x81: {  	_ =	shalt  }
0x82: {  	_ =	shalt  }
0x83: {  	_ =	shalt  }
0x84: {  	_ =	shalt  }
0x85: {  	_ =	shalt  }
0x86: {  	_ =	shalt  }
0x87: {  	_ =	shalt  }
.Lfunc_end0:
.L_simem_size_0:
called_computation_lowered:
.L_overlay_start_0:
0x88: {  	s2 =	sld [smem:$0x3FD9]  }
0x89: {  	s3 =	sld [smem:$0x3FFE];
	_ =	sdelay $0x1  }
0x8a: {  	s1 =	srdreg.scid  }
0x8b: {  	s0 =	sand.u32 $0x1, s1  }
0x8c: {  	s16 =	sshll.u32 s0, $0xA;
	s2 =	sadd.s32 s3, s2  }
0x8d: {  	s2 =	sadd.s32 s2, s16  }
0x8e: {  	[smem:$0x3FC4] =	sst s2  }
0x8f: {  	_ = 	snop  }
0x90: {  	(tm) =	ssettm $0x1  }
0x91: {  	s17 =	sld [smem:$0x3FFB];
	_ =	sdelay $0x3  }
0x92: {  	_ =	strace s17  }
0x93: {  	s2 =	sld [smem:$0x3FFC];
	_ =	sdelay $0x3  }
0x94: {  	_ =	strace s2  }
0x95: {  	s2 =	sld [smem:$0x3FFD];
	_ =	sdelay $0x3  }
0x96: {  	_ =	strace s2  }
0x97: {  	_ =	strace $0x8FFFFFFF  }
0x98: {  	s18 =	sld [smem:$0x3FDB];
	_ =	sdelay $0x1  }
0x99: {  	s19 =	simm.s32 $_scs_section_size  }
0x9a: {  	s4 =	simm.s32 $_size__tile_overlayer_lowered;
	s5 =	simm.s32 $_tile_overlayer_lowered  }
0x9b: {  	s22 =	simm.s32 $0x1BFF;
	s21 =	sshll.u32 s5, $0x1;
	s2 =	sadd.s32 s19, s18  }
0x9c: {  	s6 =	simm.s32 $0x0;
	s20 =	sshll.u32 s4, $0x1;
	s4 =	sadd.s32 s21, s2  }
0x9d: {  	[timem:s6], [sflag:s22] =	dma.local [hbm:s4], s20  }
0x9e: {  	_ =	swait.ge [sflag:s22], s20  }
0x9f: {  	s3 =	ssub.s32 $0x0, s20;
	[sflag:s22] =	ssyncset.done $0x0  }
0xa0: {  	[sflag:s22] =	ssyncadd.s32 s3;
	_ =	sdelay $0x1  }
0xa1: {  	s23 =	simm.s32 $0x1B8B  }
0xa2: {  	_ =	swait.ge [sflag:s23], $0x1  }
0xa3: {  	[sflag:s23] =	ssyncset.done $0x0  }
0xa4: {  	s25 =	simm.s32 $0x1B8E;
	s24 =	sld [smem:$0x3FFE];
	[sflag:s23] =	ssyncadd.s32 $0xFFFFFFFF  }
0xa5: {  	s26 =	simm.s32 $execute0_lowered;
	[smem:$0x3FD2] =	sst s25  }
0xa6: {  	s4 =	sshll.u32 s26, $0x1;
	_ =	strace $0x80000046;
	[dreg:$0x1] =	wrdreg $0xFFFFFFFF  }
0xa7: {  	s28 =	simm.s32 $_size_execute0_lowered;
	s2 =	sadd.s32 s2, s4;
	[dreg:$0x0] =	wrdreg $0x0  }
0xa8: {  	s4 =	sshll.u32 s28, $0x1;
	[dreg:$0x2] =	wrdreg s2  }
0xa9: {  	[dreg:$0x3] =	wrdreg s4  }
0xaa: {  	[dreg:$0x4] =	wrdreg $0xC0  }
0xab: {  	_ =	task [dreg:s6], $0x5FFFF  }
0xac: {  	[dreg:$0x1] =	wrdreg $0xFFFFFFFF  }
0xad: {  	[dreg:$0x0] =	wrdreg $0x60  }
0xae: {  	[dreg:$0x2] =	wrdreg s24  }
0xaf: {  	[dreg:$0x3] =	wrdreg $0x9  }
0xb0: {  	_ =	task.clear_ibuf [dreg:s6], $0x4FFFF;
	_ =	strace $0x90000046  }
0xb1: {  	s29 =	simm.s32 $0x9;
	_ =	strace $0x80000048  }
0xb2: {  	_ =	swait.ge [sflag:s29], $0x1  }
0xb3: {  	[sflag:s29] =	ssyncadd.s32 $0xFFFFFFFF  }
0xb4: {  	_ =	strace $0x90000048  }
0xb5: {  	_ =	sfence  }
0xb6: {  	s30 =	sld [smem:$0x0];
	_ =	sdelay $0x2  }
0xb7: {  	s31 =	sshll.u32 s1, $0xD;
	s1 =	sshrl.u32 s1, $0x2  }
0xb8: {  	s3 =	sand.u32 $0x4000, s31;
	s1 =	sadd.s32 s1, s30  }
0xb9: {  	s0 =	sor.u32 s3, s0;
	s1 =	sshll.u32 s1, $0x11  }
0xba: {  	s0 =	sor.u32 s1, s0  }
0xbb: {  	s0 =	sadd.s32 $0x8F2B, s0  }
0xbc: {  	[sflag:s0] =	ssyncadd.remote.s32 $0x1  }
0xbd: {  	_ =	sfence.sel $0xFFFF  }
0xbe: {  	[dreg:$0x0] =	wrdreg $0xFFFFFFFF;
	(pc) =	sbr.abs _section_cstart, $3  }
0xbf: {  	[dreg:$0x1] =	wrdreg $0xFFFFFFFF  }
0xc0: {  	_ =	task.clear_ibuf [dreg:s6], $0x2FFFF;
	_ =	strace $0x9FFFFFFF  }
0xc1: {  	(tm) =	ssettm $0x7FFFFFFF  }
tec
execute0_lowered:
.L_overlay_start_1:
0x0: {  	(tag) =	ssettag $0x1  }
0x1: {  	s0 =	srdreg.scid  }
0x2: {  	s7 =	stileid.u32;
	s1 =	rddreg [dreg:$0x0]  }
0x3: {  	s2 =	simm.s32 $0x0;
	s10 =	simm.s32 $0x3;
	s11 =	simm.s32 $0x80  }
0x4: {  	s12 =	simm.s32 $0x1400;
	s13 =	simm.s32 $0x2400;
	s15 =	simm.s32 $0x3400  }
0x5: {  	s17 =	simm.s32 $0x4400;
	s18 =	simm.s32 $0x5400;
	s19 =	simm.s32 $0x6400  }
0x6: {  	s20 =	simm.s32 $0x7400;
	s21 =	simm.s32 $0x8400;
	s22 =	simm.s32 $0x1  }
0x7: {  	s23 =	simm.s32 $0x4;
	s24 =	simm.s32 $0x2;
	s28 =	simm.s32 $0x1300  }
0x8: {  	s29 =	simm.s32 $0x1380;
	s30 =	simm.s32 $0x0;
	s0 =	sand.u32 $0x1, s0  }
0x9: {  	s3 =	sshll.u32 s7, $0x1;
	[smem:$0x7FF] =	sst s2;
	s7 =	smul.u32 $0x50000, s7  }
0xa: {  	s4 =	sor.u32 s0, s3;
	s26 =	ssub.s32 $0x2, s0;
	s0 =	smul.u32 $0x28000, s0  }
0xb: {  	_ =	strace $0x80000047;
	s3 =	sadd.s32 $0x5C00, s1;
	s5 =	smul.u32 $0x280, s4  }
0xc: {  	s6 =	smul.u32 $0x28000, s4;
	s8 =	sshrl.u32 s26, $0x1;
	s0 =	sadd.s32 s0, s7  }
0xd: {  	s25 =	sadd.s32 s5, s1;
	s1 =	sadd.s32 $0xFA00, s1;
	s5 =	ssub.s32 s26, s8  }
0xe: {  	s6 =	sshrl.u32 s6, $0x3;
	s9 =	sshrl.u32 s0, $0x3;
	s0 =	sor.u32 $0x4000, s0  }
0xf: {  	s26 =	simm.s32 $0x1280;
	s4 =	sadd.s32 $0xC00, s25;
	s5 =	smax.u32 s5, $0x1  }
0x10: {  	s31 =	sadd.s32 s1, s6;
	s8 =	sadd.s32 s9, s1;
	s0 =	sshrl.u32 s0, $0x3  }
0x11: {  	s6 =	sadd.s32 $0x4000, s31;
	s7 =	sadd.s32 $0x4800, s31;
	s9 =	sadd.s32 s0, s1  }
.LBB2_1:
0x12: {  	[tilespmem:s2], [sflag:$0x3] =	stream.linear.gather [hbm4b:s4+s2], $0x1400, $0x38;
	[tilespmem:$0x9400] =	vst v63  }
0x13: {  	_ =	swait.ge [sflag:s10], $0x1400  }
0x14: {  	[sflag:s10] =	ssyncset.done $0x0  }
0x15: {  	[sflag:s10] =	ssyncadd.s32 $0xFFFFEC00  }
0x16: {  	[tilespmem:s12], [sflag:$0x1] =	stream.indirect.gather [hbm4b:s3+s11], $0x20, s2, s11, $0xb8;
	[tilespmem:$0x9400] =	vst v63  }
0x17: {  	_ = 	snop  }
0x18: {  	[tilespmem:s13], [sflag:$0x1] =	stream.indirect.gather [hbm4b:s3+s11], $0x20, s11, s11, $0xb8;
	[tilespmem:$0x9400] =	vst v63  }
0x19: {  	s0 =	simm.s32 $0x100  }
0x1a: {  	[tilespmem:s15], [sflag:$0x1] =	stream.indirect.gather [hbm4b:s3+s11], $0x20, s0, s11, $0xb8;
	[tilespmem:$0x9400] =	vst v63  }
0x1b: {  	s14 =	simm.s32 $0x180  }
0x1c: {  	[tilespmem:s17], [sflag:$0x1] =	stream.indirect.gather [hbm4b:s3+s11], $0x20, s14, s11, $0xb8;
	[tilespmem:$0x9400] =	vst v63  }
0x1d: {  	s16 =	simm.s32 $0x200  }
0x1e: {  	[tilespmem:s18], [sflag:$0x2] =	stream.indirect.gather [hbm4b:s3+s11], $0x20, s16, s11, $0xb8;
	[tilespmem:$0x9400] =	vst v63  }
0x1f: {  	s25 =	simm.s32 $0x280  }
0x20: {  	[tilespmem:s19], [sflag:$0x2] =	stream.indirect.gather [hbm4b:s3+s11], $0x20, s25, s11, $0xb8;
	[tilespmem:$0x9400] =	vst v63  }
0x21: {  	s1 =	simm.s32 $0x300  }
0x22: {  	[tilespmem:s20], [sflag:$0x2] =	stream.indirect.gather [hbm4b:s3+s11], $0x20, s1, s11, $0xb8;
	[tilespmem:$0x9400] =	vst v63  }
0x23: {  	s14 =	simm.s32 $0x380  }
0x24: {  	[tilespmem:s21], [sflag:$0x2] =	stream.indirect.gather [hbm4b:s3+s11], $0x20, s14, s11, $0xb8;
	[tilespmem:$0x9400] =	vst v63  }
0x25: {  	_ =	swait.ge [sflag:s22], $0x1000  }
0x26: {  	[sflag:s22] =	ssyncset.done $0x0  }
0x27: {  	[sflag:s22] =	ssyncadd.s32 $0xFFFFF000  }
0x28: {  	_ =	swait.ge [sflag:s22], $0x1000  }
0x29: {  	[sflag:s22] =	ssyncset.done $0x0  }
0x2a: {  	[sflag:s22] =	ssyncadd.s32 $0xFFFFF000  }
0x2b: {  	_ =	swait.ge [sflag:s22], $0x1000  }
0x2c: {  	[sflag:s22] =	ssyncset.done $0x0  }
0x2d: {  	[sflag:s22] =	ssyncadd.s32 $0xFFFFF000  }
0x2e: {  	_ =	swait.ge [sflag:s22], $0x1000  }
0x2f: {  	[sflag:s22] =	ssyncset.done $0x0  }
0x30: {  	s16 =	sadd.s32 $0x0, s8;
	[sflag:s22] =	ssyncadd.s32 $0xFFFFF000  }
0x31: {  	[hbm4b:s16+s2] =	stream.linear.scatter [tilespmem:s12], [sflag:$0x4], $0x4000, $0x38;
	[tilespmem:$0x9400] =	vst v63  }
0x32: {  	_ =	swait.ge [sflag:s23], $0x4000  }
0x33: {  	[sflag:s23] =	ssyncset.done $0x0  }
0x34: {  	s25 =	simm.s32 $0x400;
	[sflag:s23] =	ssyncadd.s32 $0xFFFFC000  }
0x35: {  	[tilespmem:s12], [sflag:$0x1] =	stream.indirect.gather [hbm4b:s3+s11], $0x20, s25, s11, $0xb8;
	[tilespmem:$0x9400] =	vst v63  }
0x36: {  	s1 =	simm.s32 $0x480  }
0x37: {  	[tilespmem:s13], [sflag:$0x1] =	stream.indirect.gather [hbm4b:s3+s11], $0x20, s1, s11, $0xb8;
	[tilespmem:$0x9400] =	vst v63  }
0x38: {  	s14 =	simm.s32 $0x500  }
0x39: {  	[tilespmem:s15], [sflag:$0x1] =	stream.indirect.gather [hbm4b:s3+s11], $0x20, s14, s11, $0xb8;
	[tilespmem:$0x9400] =	vst v63  }
0x3a: {  	s16 =	simm.s32 $0x580  }
0x3b: {  	[tilespmem:s17], [sflag:$0x1] =	stream.indirect.gather [hbm4b:s3+s11], $0x20, s16, s11, $0xb8;
	[tilespmem:$0x9400] =	vst v63  }
0x3c: {  	_ =	swait.ge [sflag:s24], $0x1000  }
0x3d: {  	[sflag:s24] =	ssyncset.done $0x0  }
0x3e: {  	[sflag:s24] =	ssyncadd.s32 $0xFFFFF000  }
0x3f: {  	_ =	swait.ge [sflag:s24], $0x1000  }
0x40: {  	[sflag:s24] =	ssyncset.done $0x0  }
0x41: {  	[sflag:s24] =	ssyncadd.s32 $0xFFFFF000  }
0x42: {  	_ =	swait.ge [sflag:s24], $0x1000  }
0x43: {  	[sflag:s24] =	ssyncset.done $0x0  }
0x44: {  	[sflag:s24] =	ssyncadd.s32 $0xFFFFF000  }
0x45: {  	_ =	swait.ge [sflag:s24], $0x1000  }
0x46: {  	[sflag:s24] =	ssyncset.done $0x0  }
0x47: {  	s25 =	sadd.s32 $0x0, s9;
	[sflag:s24] =	ssyncadd.s32 $0xFFFFF000  }
0x48: {  	[hbm4b:s25+s2] =	stream.linear.scatter [tilespmem:s18], [sflag:$0x3], $0x4000, $0x38;
	[tilespmem:$0x9400] =	vst v63  }
0x49: {  	s31 =	simm.s32 $0x1000;
	_ =	swait.ge [sflag:s10], $0x4000  }
0x4a: {  	s0 =	simm.s32 $0x2000;
	s1 =	simm.s32 $0x400;
	[sflag:s10] =	ssyncset.done $0x0  }
.LBB2_2:
0x4b: {  	s25 =	sadd.s32 $0x200, s1  }
0x4c: {  	[sflag:s10] =	ssyncadd.s32 $0xFFFFC000;
	s14 =	smov.u32 s0;
	s16 =	sadd.s32 $0x1000, s0  }
0x4d: {  	[tilespmem:s18], [sflag:$0x2] =	stream.indirect.gather [hbm4b:s3+s11], $0x20, s25, s11, $0xb8;
	[tilespmem:$0x9400] =	vst v63  }
0x4e: {  	p0 =	sne.s32 s0, $0x3000;
	s0 =	sadd.s32 $0x280, s1  }
0x4f: {  	[tilespmem:s19], [sflag:$0x2] =	stream.indirect.gather [hbm4b:s3+s11], $0x20, s0, s11, $0xb8;
	[tilespmem:$0x9400] =	vst v63  }
0x50: {  	s0 =	sadd.s32 $0x300, s1  }
0x51: {  	[tilespmem:s20], [sflag:$0x2] =	stream.indirect.gather [hbm4b:s3+s11], $0x20, s0, s11, $0xb8;
	[tilespmem:$0x9400] =	vst v63  }
0x52: {  	s0 =	sadd.s32 $0x380, s1  }
0x53: {  	[tilespmem:s21], [sflag:$0x2] =	stream.indirect.gather [hbm4b:s3+s11], $0x20, s0, s11, $0xb8;
	[tilespmem:$0x9400] =	vst v63  }
0x54: {  	_ =	swait.ge [sflag:s22], $0x1000  }
0x55: {  	[sflag:s22] =	ssyncset.done $0x0  }
0x56: {  	[sflag:s22] =	ssyncadd.s32 $0xFFFFF000  }
0x57: {  	_ =	swait.ge [sflag:s22], $0x1000  }
0x58: {  	[sflag:s22] =	ssyncset.done $0x0  }
0x59: {  	[sflag:s22] =	ssyncadd.s32 $0xFFFFF000  }
0x5a: {  	_ =	swait.ge [sflag:s22], $0x1000  }
0x5b: {  	[sflag:s22] =	ssyncset.done $0x0  }
0x5c: {  	[sflag:s22] =	ssyncadd.s32 $0xFFFFF000  }
0x5d: {  	_ =	swait.ge [sflag:s22], $0x1000  }
0x5e: {  	[sflag:s22] =	ssyncset.done $0x0  }
0x5f: {  	s0 =	sadd.s32 s31, s8;
	[sflag:s22] =	ssyncadd.s32 $0xFFFFF000  }
0x60: {  	[hbm4b:s0+s2] =	stream.linear.scatter [tilespmem:s12], [sflag:$0x4], $0x4000, $0x38;
	[tilespmem:$0x9400] =	vst v63  }
0x61: {  	_ =	swait.ge [sflag:s23], $0x4000  }
0x62: {  	[sflag:s23] =	ssyncset.done $0x0  }
0x63: {  	s0 =	sadd.s32 $0x400, s1;
	[sflag:s23] =	ssyncadd.s32 $0xFFFFC000  }
0x64: {  	[tilespmem:s12], [sflag:$0x1] =	stream.indirect.gather [hbm4b:s3+s11], $0x20, s0, s11, $0xb8;
	[tilespmem:$0x9400] =	vst v63  }
0x65: {  	s0 =	sadd.s32 $0x480, s1  }
0x66: {  	[tilespmem:s13], [sflag:$0x1] =	stream.indirect.gather [hbm4b:s3+s11], $0x20, s0, s11, $0xb8;
	[tilespmem:$0x9400] =	vst v63  }
0x67: {  	s0 =	sadd.s32 $0x500, s1  }
0x68: {  	[tilespmem:s15], [sflag:$0x1] =	stream.indirect.gather [hbm4b:s3+s11], $0x20, s0, s11, $0xb8;
	[tilespmem:$0x9400] =	vst v63  }
0x69: {  	s0 =	sadd.s32 $0x580, s1  }
0x6a: {  	[tilespmem:s17], [sflag:$0x1] =	stream.indirect.gather [hbm4b:s3+s11], $0x20, s0, s11, $0xb8;
	[tilespmem:$0x9400] =	vst v63  }
0x6b: {  	_ =	swait.ge [sflag:s24], $0x1000  }
0x6c: {  	[sflag:s24] =	ssyncset.done $0x0  }
0x6d: {  	[sflag:s24] =	ssyncadd.s32 $0xFFFFF000  }
0x6e: {  	_ =	swait.ge [sflag:s24], $0x1000  }
0x6f: {  	[sflag:s24] =	ssyncset.done $0x0  }
0x70: {  	[sflag:s24] =	ssyncadd.s32 $0xFFFFF000  }
0x71: {  	_ =	swait.ge [sflag:s24], $0x1000  }
0x72: {  	[sflag:s24] =	ssyncset.done $0x0  }
0x73: {  	[sflag:s24] =	ssyncadd.s32 $0xFFFFF000  }
0x74: {  	_ =	swait.ge [sflag:s24], $0x1000  }
.Ltmp0:
0x75: {  	[sflag:s24] =	ssyncset.done $0x0;
	(pc) =	sbr.rel @p0 .LBB2_2-.Ltmp0, $4  }
0x76: {  	s0 =	sadd.s32 s31, s9;
	s31 =	smov.u32 s14;
	[sflag:s24] =	ssyncadd.s32 $0xFFFFF000  }
0x77: {  	[hbm4b:s0+s2] =	stream.linear.scatter [tilespmem:s18], [sflag:$0x3], $0x4000, $0x38;
	[tilespmem:$0x9400] =	vst v63  }
0x78: {  	_ =	swait.ge [sflag:s10], $0x4000  }
0x79: {  	s1 =	sshra.s32 s31, $0x2;
	s0 =	smov.u32 s16;
	[sflag:s10] =	ssyncset.done $0x0  }
0x7a: {  	s0 =	sadd.s32 $0x200, s1;
	[sflag:s10] =	ssyncadd.s32 $0xFFFFC000  }
0x7b: {  	[tilespmem:s18], [sflag:$0x2] =	stream.indirect.gather [hbm4b:s3+s11], $0x20, s0, s11, $0xb8;
	[tilespmem:$0x9400] =	vst v63  }
0x7c: {  	s14 =	sadd.s32 $0x280, s1  }
0x7d: {  	[tilespmem:s19], [sflag:$0x2] =	stream.indirect.gather [hbm4b:s3+s11], $0x20, s14, s11, $0xb8;
	[tilespmem:$0x9400] =	vst v63  }
0x7e: {  	s16 =	sadd.s32 $0x300, s1  }
0x7f: {  	[tilespmem:s20], [sflag:$0x2] =	stream.indirect.gather [hbm4b:s3+s11], $0x20, s16, s11, $0xb8;
	[tilespmem:$0x9400] =	vst v63  }
0x80: {  	s25 =	sadd.s32 $0x380, s1  }
0x81: {  	[tilespmem:s21], [sflag:$0x2] =	stream.indirect.gather [hbm4b:s3+s11], $0x20, s25, s11, $0xb8;
	[tilespmem:$0x9400] =	vst v63  }
0x82: {  	_ =	swait.ge [sflag:s22], $0x1000  }
0x83: {  	[sflag:s22] =	ssyncset.done $0x0  }
0x84: {  	[sflag:s22] =	ssyncadd.s32 $0xFFFFF000  }
0x85: {  	_ =	swait.ge [sflag:s22], $0x1000  }
0x86: {  	[sflag:s22] =	ssyncset.done $0x0  }
0x87: {  	[sflag:s22] =	ssyncadd.s32 $0xFFFFF000  }
0x88: {  	_ =	swait.ge [sflag:s22], $0x1000  }
0x89: {  	[sflag:s22] =	ssyncset.done $0x0  }
0x8a: {  	[sflag:s22] =	ssyncadd.s32 $0xFFFFF000  }
0x8b: {  	_ =	swait.ge [sflag:s22], $0x1000  }
0x8c: {  	[sflag:s22] =	ssyncset.done $0x0  }
0x8d: {  	s14 =	sadd.s32 s31, s8;
	[sflag:s22] =	ssyncadd.s32 $0xFFFFF000  }
0x8e: {  	[hbm4b:s14+s2] =	stream.linear.scatter [tilespmem:s12], [sflag:$0x4], $0x4000, $0x38;
	[tilespmem:$0x9400] =	vst v63  }
0x8f: {  	_ =	swait.ge [sflag:s23], $0x4000  }
0x90: {  	[sflag:s23] =	ssyncset.done $0x0  }
0x91: {  	s16 =	sadd.s32 $0x400, s1;
	[sflag:s23] =	ssyncadd.s32 $0xFFFFC000  }
0x92: {  	[tilespmem:s12], [sflag:$0x1] =	stream.indirect.gather [hbm4b:s3+s11], $0x20, s16, s11, $0xb8;
	[tilespmem:$0x9400] =	vst v63  }
0x93: {  	s25 =	sadd.s32 $0x480, s1  }
0x94: {  	[tilespmem:s13], [sflag:$0x1] =	stream.indirect.gather [hbm4b:s3+s11], $0x20, s25, s11, $0xb8;
	[tilespmem:$0x9400] =	vst v63  }
0x95: {  	s14 =	sadd.s32 $0x500, s1  }
0x96: {  	[tilespmem:s15], [sflag:$0x1] =	stream.indirect.gather [hbm4b:s3+s11], $0x20, s14, s11, $0xb8;
	[tilespmem:$0x9400] =	vst v63  }
0x97: {  	s16 =	sadd.s32 $0x580, s1  }
0x98: {  	[tilespmem:s17], [sflag:$0x1] =	stream.indirect.gather [hbm4b:s3+s11], $0x20, s16, s11, $0xb8;
	[tilespmem:$0x9400] =	vst v63  }
0x99: {  	_ =	swait.ge [sflag:s24], $0x1000  }
0x9a: {  	[sflag:s24] =	ssyncset.done $0x0  }
0x9b: {  	[sflag:s24] =	ssyncadd.s32 $0xFFFFF000  }
0x9c: {  	_ =	swait.ge [sflag:s24], $0x1000  }
0x9d: {  	[sflag:s24] =	ssyncset.done $0x0  }
0x9e: {  	[sflag:s24] =	ssyncadd.s32 $0xFFFFF000  }
0x9f: {  	_ =	swait.ge [sflag:s24], $0x1000  }
0xa0: {  	[sflag:s24] =	ssyncset.done $0x0  }
0xa1: {  	[sflag:s24] =	ssyncadd.s32 $0xFFFFF000  }
0xa2: {  	_ =	swait.ge [sflag:s24], $0x1000  }
0xa3: {  	[sflag:s24] =	ssyncset.done $0x0  }
0xa4: {  	s25 =	sadd.s32 s31, s9;
	[sflag:s24] =	ssyncadd.s32 $0xFFFFF000  }
0xa5: {  	[hbm4b:s25+s2] =	stream.linear.scatter [tilespmem:s18], [sflag:$0x3], $0x4000, $0x38;
	[tilespmem:$0x9400] =	vst v63  }
0xa6: {  	_ =	swait.ge [sflag:s10], $0x4000  }
0xa7: {  	[sflag:s10] =	ssyncset.done $0x0  }
0xa8: {  	s31 =	simm.s32 $0x1200;
	[sflag:s10] =	ssyncadd.s32 $0xFFFFC000  }
0xa9: {  	[tilespmem:s18], [sflag:$0x2] =	stream.indirect.gather [hbm4b:s3+s11], $0x20, s31, s11, $0xb8;
	[tilespmem:$0x9400] =	vst v63  }
0xaa: {  	_ = 	snop  }
0xab: {  	[tilespmem:s19], [sflag:$0x2] =	stream.indirect.gather [hbm4b:s3+s11], $0x20, s26, s11, $0xb8;
	[tilespmem:$0x9400] =	vst v63  }
0xac: {  	_ = 	snop  }
0xad: {  	[tilespmem:s20], [sflag:$0x2] =	stream.indirect.gather [hbm4b:s3+s11], $0x20, s28, s11, $0xb8;
	[tilespmem:$0x9400] =	vst v63  }
0xae: {  	_ = 	snop  }
0xaf: {  	[tilespmem:s21], [sflag:$0x2] =	stream.indirect.gather [hbm4b:s3+s11], $0x20, s29, s11, $0xb8;
	[tilespmem:$0x9400] =	vst v63  }
0xb0: {  	_ =	swait.ge [sflag:s22], $0x1000  }
0xb1: {  	[sflag:s22] =	ssyncset.done $0x0  }
0xb2: {  	[sflag:s22] =	ssyncadd.s32 $0xFFFFF000  }
0xb3: {  	_ =	swait.ge [sflag:s22], $0x1000  }
0xb4: {  	[sflag:s22] =	ssyncset.done $0x0  }
0xb5: {  	[sflag:s22] =	ssyncadd.s32 $0xFFFFF000  }
0xb6: {  	_ =	swait.ge [sflag:s22], $0x1000  }
0xb7: {  	[sflag:s22] =	ssyncset.done $0x0  }
0xb8: {  	[sflag:s22] =	ssyncadd.s32 $0xFFFFF000  }
0xb9: {  	_ =	swait.ge [sflag:s22], $0x1000  }
0xba: {  	[sflag:s22] =	ssyncset.done $0x0  }
0xbb: {  	[sflag:s22] =	ssyncadd.s32 $0xFFFFF000  }
0xbc: {  	[hbm4b:s6+s2] =	stream.linear.scatter [tilespmem:s12], [sflag:$0x4], $0x4000, $0x38;
	[tilespmem:$0x9400] =	vst v63  }
0xbd: {  	_ =	swait.ge [sflag:s23], $0x4000  }
0xbe: {  	[sflag:s23] =	ssyncset.done $0x0  }
0xbf: {  	[sflag:s23] =	ssyncadd.s32 $0xFFFFC000  }
0xc0: {  	_ =	swait.ge [sflag:s24], $0x1000  }
0xc1: {  	[sflag:s24] =	ssyncset.done $0x0  }
0xc2: {  	[sflag:s24] =	ssyncadd.s32 $0xFFFFF000  }
0xc3: {  	_ =	swait.ge [sflag:s24], $0x1000  }
0xc4: {  	[sflag:s24] =	ssyncset.done $0x0  }
0xc5: {  	[sflag:s24] =	ssyncadd.s32 $0xFFFFF000  }
0xc6: {  	_ =	swait.ge [sflag:s24], $0x1000  }
0xc7: {  	[sflag:s24] =	ssyncset.done $0x0  }
0xc8: {  	[sflag:s24] =	ssyncadd.s32 $0xFFFFF000  }
0xc9: {  	s30 =	sadd.s32 $0x1, s30;
	_ =	swait.ge [sflag:s24], $0x1000  }
0xca: {  	p0 =	sne.s32 s30, s5;
	[sflag:s24] =	ssyncset.done $0x0  }
.Ltmp1:
0xcb: {  	[sflag:s24] =	ssyncadd.s32 $0xFFFFF000;
	(pc) =	sbr.rel @p0 .LBB2_1-.Ltmp1, $4  }
0xcc: {  	[hbm4b:s7+s2] =	stream.linear.scatter [tilespmem:s18], [sflag:$0x3], $0x4000, $0x38;
	[tilespmem:$0x9400] =	vst v63  }
0xcd: {  	_ =	swait.ge [sflag:s10], $0x4000  }
0xce: {  	[sflag:s10] =	ssyncset.done $0x0  }
0xcf: {  	[sflag:s10] =	ssyncadd.s32 $0xFFFFC000  }
0xd0: {  	_ =	sfence.sel $0x180000  }
0xd1: {  	[bflag:$0x0] =	sbarrier.arrive $0xFFFF  }
0xd2: {  	_ =	strace $0x90000047  }
0xd3: {  	s0 =	stileid.u32;
	[bflag:$0x2] =	sbarrier.arrive $0xFFFF  }
0xd4: {  	p0 =	sne.s32 s0, $0x0;
	s0 =	rddreg [dreg:$0x1]  }
0xd5: {  	s0 =	sadd.s32 @!p0 $0x100000, s0  }
0xd6: {  	[sflag:s0] =	ssyncadd.tile.s32 @!p0 $0x1;
	_ =	shalt  }
.Lfunc_end2:
_tile_overlayer_lowered:
.L_overlay_start_2:
0xd7: {  	(tag) =	ssettag $0x2  }
0xd8: {  	s0 =	rddreg [dreg:$0x0];
	s2 =	stileid.u32  }
0xd9: {  	s1 =	rddreg [dreg:$0x1];
	p0 =	sne.s32 s2, $0x0  }
0xda: {  	s3 =	rddreg [dreg:$0x2];
	[bflag:$0x3] =	sbarrier.arrive $0xFFFF;
	s2 =	simm.s32 @!p0 $0x1C03  }
0xdb: {  	[timem:s3], [sflag:s2] =	dma.local @!p0 [hbm:s0], s1  }
0xdc: {  	s0 =	simm.s32 @!p0 $0x3  }
0xdd: {  	_ =	swait.ge @!p0 [sflag:s0], s1  }
0xde: {  	s1 =	ssub.s32 @!p0 $0x0, s1;
	[sflag:s0] =	ssyncset.done @!p0 $0x0  }
0xdf: {  	[sflag:s0] =	ssyncadd.s32 @!p0 s1  }
0xe0: {  	[bflag:$0x3] =	sbarrier.arrive $0xFFFF  }
0xe1: {  	_ =	shalt  }

// kernel: kernel.9.cloned.1.call-start
scs
__scs_entry_jumppad:
0x0: {  	(pc) =	sbr.rel $0x88, $3  }
0x1: {  	(tag) =	ssettag $0x0;
	lr =	simm.s32 $0x1  }
0x2: {  	[smem:$0x3F9D] =	sst lr;
	_ =	strace $0xD0000000  }
0x3: {  	_ = 	snop  }
0x4: {  	_ = 	snop  }
0x5: {  	_ = 	snop  }
0x6: {  	_ = 	snop  }
0x7: {  	_ = 	snop  }
__scs_overlays_trampoline_lowered:
0x8: {  	[smem:$0x3FAC] =	sst s0  }
0x9: {  	[smem:$0x3FAD] =	sst s1  }
0xa: {  	[smem:$0x3FAE] =	sst s2  }
0xb: {  	[smem:$0x3FAF] =	sst s3  }
0xc: {  	[smem:$0x3FB0] =	sst s4  }
0xd: {  	[smem:$0x3FB1] =	sst s5  }
0xe: {  	[smem:$0x3FB2] =	sst s6  }
0xf: {  	[smem:$0x3FB3] =	sst s7  }
0x10: {  	[smem:$0x3FB4] =	sst s8  }
0x11: {  	[smem:$0x3FB5] =	sst s9;
	s0 =	simm.s32 @!p0 $0x0  }
0x12: {  	s1 =	sld [smem:$0x3F9B];
	s0 =	simm.s32 @p0 $0x1  }
0x13: {  	[smem:$0x3FB6] =	sst s0;
	s0 =	simm.s32 @!p1 $0x0  }
0x14: {  	s2 =	sld [smem:$0x3F9A];
	s0 =	simm.s32 @p1 $0x1  }
0x15: {  	[smem:$0x3FB7] =	sst s0;
	s0 =	simm.s32 @!p2 $0x0  }
0x16: {  	s3 =	sld [smem:$0x3FDB];
	s0 =	simm.s32 @p2 $0x1  }
0x17: {  	s4 =	simm.s32 $0x1BF5;
	[smem:$0x3FB9] =	sst s0  }
0x18: {  	s0 =	sld [smem:$0x3F9C];
	_ =	swait.ge [sflag:s4], $0x0  }
0x19: {  	s7 =	sld [smem:$0x3F9D]  }
0x1a: {  	s8 =	sadd.s32 $0xFFFFE003, lr  }
0x1b: {  	s9 =	sadd.s32 $0xFFFFFEF7, lr;
	s5 =	simm.s32 $0xFFFFFFFF;
	p2 =	slt.u32 s8, $0xFFFFF086  }
0x1c: {  	p1 =	slt.u32 s9, $0xF7A;
	s5 =	simm.s32 @!p2 $0x0  }
0x1d: {  	s5 =	simm.s32 @p1 $0x1;
	p0 =	seq.s32 s7, s2  }
0x1e: {  	s7 =	smul.u32 @!p0 $0xF7A, s2;
	p2 =	seq.s32 @!p0 s5, $0x0  }
0x1f: {  	s9 =	smul.u32 $0xF7A, s1;
	s8 =	simm.s32 @!p0 $0x1BF5;
	p2 =	por !p2, p0  }
0x20: {  	[sflag:s8] =	ssyncset.s32 @!p0 $0xFFFFF086;
	s6 =	sadd.s32 @!p0 s3, s7;
	s7 =	simm.s32 @!p0 $0x108  }
0x21: {  	s3 =	sadd.s32 s3, s9;
	s6 =	sadd.s32 @!p0 $0x88, s6;
	s7 =	simm.s32 @p2 $0x1082  }
0x22: {  	[simem:s7], [sflag:s8] =	dma.local @!p0 [hbm:s6], $0xF7A  }
0x23: {  	s9 =	sor.u32 $0xD0000000, s2;
	s6 =	simm.s32 $0x108;
	_ =	swait.ge @!p0 [sflag:s8], $0x0  }
0x24: {  	s3 =	sadd.s32 $0x88, s3;
	s6 =	simm.s32 @!p1 $0x1082;
	[sflag:s4] =	ssyncset.s32 $0xFFFFF086  }
0x25: {  	[simem:s6], [sflag:s4] =	dma.local [hbm:s3], $0xF7A  }
0x26: {  	[smem:$0x3F9D] =	sst s1;
	(tag) =	ssettag s2;
	_ =	strace s9  }
0x27: {  	s1 =	sld [smem:$0x3FAD]  }
0x28: {  	s2 =	sld [smem:$0x3FAE]  }
0x29: {  	s4 =	sld [smem:$0x3FB0]  }
0x2a: {  	p0 =	seq.s32 s5, $0x0;
	s5 =	sld [smem:$0x3FB1]  }
0x2b: {  	s6 =	sld [smem:$0x3FB2]  }
0x2c: {  	s7 =	sld [smem:$0x3FB3]  }
0x2d: {  	s3 =	simm.s32 $0x108;
	s8 =	sld [smem:$0x3FB4]  }
0x2e: {  	s3 =	simm.s32 @!p0 $0x1082;
	s9 =	sld [smem:$0x3FB5]  }
0x2f: {  	lr =	sadd.s32 s0, s3;
	s0 =	sld [smem:$0x3FAC]  }
0x30: {  	s3 =	sld [smem:$0x3FAF]  }
0x31: {  	[smem:$0x3FB8] =	sst s10  }
0x32: {  	s10 =	sld [smem:$0x3FB6];
	_ =	sdelay $0x3  }
0x33: {  	p0 =	seq.s32 s10, $0x1;
	s10 =	sld [smem:$0x3FB8];
	_ =	sdelay $0x3  }
0x34: {  	[smem:$0x3FB8] =	sst s10  }
0x35: {  	s10 =	sld [smem:$0x3FB7];
	_ =	sdelay $0x3  }
0x36: {  	p1 =	seq.s32 s10, $0x1;
	s10 =	sld [smem:$0x3FB8];
	_ =	sdelay $0x3  }
0x37: {  	[smem:$0x3FB8] =	sst s10  }
0x38: {  	s10 =	sld [smem:$0x3FB9]  }
0x39: {  	_ = 	snop;
	(pc) =	sbr.ind lr, $3  }
0x3a: {  	_ = 	snop  }
0x3b: {  	_ = 	snop  }
0x3c: {  	p2 =	seq.s32 s10, $0x1;
	s10 =	sld [smem:$0x3FB8]  }
0x3d: {  	_ =	shalt  }
0x3e: {  	_ =	shalt  }
0x3f: {  	_ =	shalt  }
0x40: {  	_ =	shalt  }
0x41: {  	_ =	shalt  }
0x42: {  	_ =	shalt  }
0x43: {  	_ =	shalt  }
0x44: {  	_ =	shalt  }
0x45: {  	_ =	shalt  }
0x46: {  	_ =	shalt  }
0x47: {  	_ =	shalt  }
0x48: {  	_ =	shalt  }
0x49: {  	_ =	shalt  }
0x4a: {  	_ =	shalt  }
0x4b: {  	_ =	shalt  }
0x4c: {  	_ =	shalt  }
0x4d: {  	_ =	shalt  }
0x4e: {  	_ =	shalt  }
0x4f: {  	_ =	shalt  }
0x50: {  	_ =	shalt  }
0x51: {  	_ =	shalt  }
0x52: {  	_ =	shalt  }
0x53: {  	_ =	shalt  }
0x54: {  	_ =	shalt  }
0x55: {  	_ =	shalt  }
0x56: {  	_ =	shalt  }
0x57: {  	_ =	shalt  }
0x58: {  	_ =	shalt  }
0x59: {  	_ =	shalt  }
0x5a: {  	_ =	shalt  }
0x5b: {  	_ =	shalt  }
0x5c: {  	_ =	shalt  }
0x5d: {  	_ =	shalt  }
0x5e: {  	_ =	shalt  }
0x5f: {  	_ =	shalt  }
0x60: {  	_ =	shalt  }
0x61: {  	_ =	shalt  }
0x62: {  	_ =	shalt  }
0x63: {  	_ =	shalt  }
0x64: {  	_ =	shalt  }
0x65: {  	_ =	shalt  }
0x66: {  	_ =	shalt  }
0x67: {  	_ =	shalt  }
0x68: {  	_ =	shalt  }
0x69: {  	_ =	shalt  }
0x6a: {  	_ =	shalt  }
0x6b: {  	_ =	shalt  }
0x6c: {  	_ =	shalt  }
0x6d: {  	_ =	shalt  }
0x6e: {  	_ =	shalt  }
0x6f: {  	_ =	shalt  }
0x70: {  	_ =	shalt  }
0x71: {  	_ =	shalt  }
0x72: {  	_ =	shalt  }
0x73: {  	_ =	shalt  }
0x74: {  	_ =	shalt  }
0x75: {  	_ =	shalt  }
0x76: {  	_ =	shalt  }
0x77: {  	_ =	shalt  }
0x78: {  	_ =	shalt  }
0x79: {  	_ =	shalt  }
0x7a: {  	_ =	shalt  }
0x7b: {  	_ =	shalt  }
0x7c: {  	_ =	shalt  }
0x7d: {  	_ =	shalt  }
0x7e: {  	_ =	shalt  }
0x7f: {  	_ =	shalt  }
0x80: {  	_ =	shalt  }
0x81: {  	_ =	shalt  }
0x82: {  	_ =	shalt  }
0x83: {  	_ =	shalt  }
0x84: {  	_ =	shalt  }
0x85: {  	_ =	shalt  }
0x86: {  	_ =	shalt  }
0x87: {  	_ =	shalt  }
.Lfunc_end0:
.L_simem_size_0:
called_computation.1_lowered:
.L_overlay_start_0:
0x88: {  	s2 =	sld [smem:$0x3FD9]  }
0x89: {  	s3 =	sld [smem:$0x3FFE];
	_ =	sdelay $0x1  }
0x8a: {  	s1 =	srdreg.scid  }
0x8b: {  	s0 =	sand.u32 $0x1, s1  }
0x8c: {  	s16 =	sshll.u32 s0, $0xA;
	s2 =	sadd.s32 s3, s2  }
0x8d: {  	s2 =	sadd.s32 s2, s16  }
0x8e: {  	[smem:$0x3FC4] =	sst s2  }
0x8f: {  	_ = 	snop  }
0x90: {  	(tm) =	ssettm $0x1  }
0x91: {  	s17 =	sld [smem:$0x3FFB];
	_ =	sdelay $0x3  }
0x92: {  	_ =	strace s17  }
0x93: {  	s2 =	sld [smem:$0x3FFC];
	_ =	sdelay $0x3  }
0x94: {  	_ =	strace s2  }
0x95: {  	s2 =	sld [smem:$0x3FFD];
	_ =	sdelay $0x3  }
0x96: {  	_ =	strace s2  }
0x97: {  	_ =	strace $0x8FFFFFFF  }
0x98: {  	s18 =	sld [smem:$0x3FDB];
	_ =	sdelay $0x1  }
0x99: {  	s19 =	simm.s32 $_scs_section_size  }
0x9a: {  	s4 =	simm.s32 $_size__tile_overlayer_lowered;
	s5 =	simm.s32 $_tile_overlayer_lowered  }
0x9b: {  	s22 =	simm.s32 $0x1BFF;
	s21 =	sshll.u32 s5, $0x1;
	s2 =	sadd.s32 s19, s18  }
0x9c: {  	s6 =	simm.s32 $0x0;
	s20 =	sshll.u32 s4, $0x1;
	s4 =	sadd.s32 s21, s2  }
0x9d: {  	[timem:s6], [sflag:s22] =	dma.local [hbm:s4], s20  }
0x9e: {  	_ =	swait.ge [sflag:s22], s20  }
0x9f: {  	s3 =	ssub.s32 $0x0, s20;
	[sflag:s22] =	ssyncset.done $0x0  }
0xa0: {  	[sflag:s22] =	ssyncadd.s32 s3;
	_ =	sdelay $0x1  }
0xa1: {  	s23 =	simm.s32 $0x1B8B  }
0xa2: {  	_ =	swait.ge [sflag:s23], $0x1  }
0xa3: {  	[sflag:s23] =	ssyncset.done $0x0  }
0xa4: {  	s25 =	simm.s32 $0x1B8E;
	s24 =	sld [smem:$0x3FFE];
	[sflag:s23] =	ssyncadd.s32 $0xFFFFFFFF  }
0xa5: {  	s26 =	simm.s32 $execute0_lowered;
	[smem:$0x3FD2] =	sst s25  }
0xa6: {  	s4 =	sshll.u32 s26, $0x1;
	_ =	strace $0x80000049;
	[dreg:$0x1] =	wrdreg $0xFFFFFFFF  }
0xa7: {  	s28 =	simm.s32 $_size_execute0_lowered;
	s2 =	sadd.s32 s2, s4;
	[dreg:$0x0] =	wrdreg $0x0  }
0xa8: {  	s4 =	sshll.u32 s28, $0x1;
	[dreg:$0x2] =	wrdreg s2  }
0xa9: {  	[dreg:$0x3] =	wrdreg s4  }
0xaa: {  	[dreg:$0x4] =	wrdreg $0xC0  }
0xab: {  	_ =	task [dreg:s6], $0x5FFFF  }
0xac: {  	[dreg:$0x1] =	wrdreg $0xFFFFFFFF  }
0xad: {  	[dreg:$0x0] =	wrdreg $0x60  }
0xae: {  	[dreg:$0x2] =	wrdreg s24  }
0xaf: {  	[dreg:$0x3] =	wrdreg $0x9  }
0xb0: {  	_ =	task.clear_ibuf [dreg:s6], $0x4FFFF;
	_ =	strace $0x90000049  }
0xb1: {  	s29 =	simm.s32 $0x9;
	_ =	strace $0x8000004B  }
0xb2: {  	_ =	swait.ge [sflag:s29], $0x1  }
0xb3: {  	[sflag:s29] =	ssyncadd.s32 $0xFFFFFFFF  }
0xb4: {  	_ =	strace $0x9000004B  }
0xb5: {  	_ =	sfence  }
0xb6: {  	s30 =	sld [smem:$0x0];
	_ =	sdelay $0x2  }
0xb7: {  	s31 =	sshll.u32 s1, $0xD;
	s1 =	sshrl.u32 s1, $0x2  }
0xb8: {  	s3 =	sand.u32 $0x4000, s31;
	s1 =	sadd.s32 s1, s30  }
0xb9: {  	s0 =	sor.u32 s3, s0;
	s1 =	sshll.u32 s1, $0x11  }
0xba: {  	s0 =	sor.u32 s1, s0  }
0xbb: {  	s0 =	sadd.s32 $0x8F2B, s0  }
0xbc: {  	[sflag:s0] =	ssyncadd.remote.s32 $0x1  }
0xbd: {  	_ =	sfence.sel $0xFFFF  }
0xbe: {  	[dreg:$0x0] =	wrdreg $0xFFFFFFFF;
	(pc) =	sbr.abs _section_cstart, $3  }
0xbf: {  	[dreg:$0x1] =	wrdreg $0xFFFFFFFF  }
0xc0: {  	_ =	task.clear_ibuf [dreg:s6], $0x2FFFF;
	_ =	strace $0x9FFFFFFF  }
0xc1: {  	(tm) =	ssettm $0x7FFFFFFF  }
tec
execute0_lowered:
.L_overlay_start_1:
0x0: {  	(tag) =	ssettag $0x1  }
0x1: {  	s0 =	srdreg.scid  }
0x2: {  	s7 =	stileid.u32;
	s1 =	rddreg [dreg:$0x0]  }
0x3: {  	s2 =	simm.s32 $0x0;
	s10 =	simm.s32 $0x3;
	s11 =	simm.s32 $0x80  }
0x4: {  	s12 =	simm.s32 $0x1400;
	s13 =	simm.s32 $0x2400;
	s15 =	simm.s32 $0x3400  }
0x5: {  	s17 =	simm.s32 $0x4400;
	s18 =	simm.s32 $0x5400;
	s19 =	simm.s32 $0x6400  }
0x6: {  	s20 =	simm.s32 $0x7400;
	s21 =	simm.s32 $0x8400;
	s22 =	simm.s32 $0x1  }
0x7: {  	s23 =	simm.s32 $0x4;
	s24 =	simm.s32 $0x2;
	s28 =	simm.s32 $0x1300  }
0x8: {  	s29 =	simm.s32 $0x1380;
	s30 =	simm.s32 $0x0;
	s0 =	sand.u32 $0x1, s0  }
0x9: {  	s3 =	sshll.u32 s7, $0x1;
	[smem:$0x7FF] =	sst s2;
	s7 =	smul.u32 $0x50000, s7  }
0xa: {  	s4 =	sor.u32 s0, s3;
	s26 =	ssub.s32 $0x2, s0;
	s0 =	smul.u32 $0x28000, s0  }
0xb: {  	_ =	strace $0x8000004A;
	s3 =	sadd.s32 $0x5C00, s1;
	s5 =	smul.u32 $0x280, s4  }
0xc: {  	s6 =	smul.u32 $0x28000, s4;
	s8 =	sshrl.u32 s26, $0x1;
	s0 =	sadd.s32 s0, s7  }
0xd: {  	s25 =	sadd.s32 s5, s1;
	s1 =	sadd.s32 $0xFA00, s1;
	s5 =	ssub.s32 s26, s8  }
0xe: {  	s6 =	sshrl.u32 s6, $0x3;
	s9 =	sshrl.u32 s0, $0x3;
	s0 =	sor.u32 $0x4000, s0  }
0xf: {  	s26 =	simm.s32 $0x1280;
	s4 =	sadd.s32 $0xC00, s25;
	s5 =	smax.u32 s5, $0x1  }
0x10: {  	s31 =	sadd.s32 s1, s6;
	s8 =	sadd.s32 s9, s1;
	s0 =	sshrl.u32 s0, $0x3  }
0x11: {  	s6 =	sadd.s32 $0x4000, s31;
	s7 =	sadd.s32 $0x4800, s31;
	s9 =	sadd.s32 s0, s1  }
.LBB2_1:
0x12: {  	[tilespmem:s2], [sflag:$0x3] =	stream.linear.gather [hbm4b:s4+s2], $0x1400, $0x38;
	[tilespmem:$0x9400] =	vst v63  }
0x13: {  	_ =	swait.ge [sflag:s10], $0x1400  }
0x14: {  	[sflag:s10] =	ssyncset.done $0x0  }
0x15: {  	[sflag:s10] =	ssyncadd.s32 $0xFFFFEC00  }
0x16: {  	[tilespmem:s12], [sflag:$0x1] =	stream.indirect.gather [hbm4b:s3+s11], $0x20, s2, s11, $0xb8;
	[tilespmem:$0x9400] =	vst v63  }
0x17: {  	_ = 	snop  }
0x18: {  	[tilespmem:s13], [sflag:$0x1] =	stream.indirect.gather [hbm4b:s3+s11], $0x20, s11, s11, $0xb8;
	[tilespmem:$0x9400] =	vst v63  }
0x19: {  	s0 =	simm.s32 $0x100  }
0x1a: {  	[tilespmem:s15], [sflag:$0x1] =	stream.indirect.gather [hbm4b:s3+s11], $0x20, s0, s11, $0xb8;
	[tilespmem:$0x9400] =	vst v63  }
0x1b: {  	s14 =	simm.s32 $0x180  }
0x1c: {  	[tilespmem:s17], [sflag:$0x1] =	stream.indirect.gather [hbm4b:s3+s11], $0x20, s14, s11, $0xb8;
	[tilespmem:$0x9400] =	vst v63  }
0x1d: {  	s16 =	simm.s32 $0x200  }
0x1e: {  	[tilespmem:s18], [sflag:$0x2] =	stream.indirect.gather [hbm4b:s3+s11], $0x20, s16, s11, $0xb8;
	[tilespmem:$0x9400] =	vst v63  }
0x1f: {  	s25 =	simm.s32 $0x280  }
0x20: {  	[tilespmem:s19], [sflag:$0x2] =	stream.indirect.gather [hbm4b:s3+s11], $0x20, s25, s11, $0xb8;
	[tilespmem:$0x9400] =	vst v63  }
0x21: {  	s1 =	simm.s32 $0x300  }
0x22: {  	[tilespmem:s20], [sflag:$0x2] =	stream.indirect.gather [hbm4b:s3+s11], $0x20, s1, s11, $0xb8;
	[tilespmem:$0x9400] =	vst v63  }
0x23: {  	s14 =	simm.s32 $0x380  }
0x24: {  	[tilespmem:s21], [sflag:$0x2] =	stream.indirect.gather [hbm4b:s3+s11], $0x20, s14, s11, $0xb8;
	[tilespmem:$0x9400] =	vst v63  }
0x25: {  	_ =	swait.ge [sflag:s22], $0x1000  }
0x26: {  	[sflag:s22] =	ssyncset.done $0x0  }
0x27: {  	[sflag:s22] =	ssyncadd.s32 $0xFFFFF000  }
0x28: {  	_ =	swait.ge [sflag:s22], $0x1000  }
0x29: {  	[sflag:s22] =	ssyncset.done $0x0  }
0x2a: {  	[sflag:s22] =	ssyncadd.s32 $0xFFFFF000  }
0x2b: {  	_ =	swait.ge [sflag:s22], $0x1000  }
0x2c: {  	[sflag:s22] =	ssyncset.done $0x0  }
0x2d: {  	[sflag:s22] =	ssyncadd.s32 $0xFFFFF000  }
0x2e: {  	_ =	swait.ge [sflag:s22], $0x1000  }
0x2f: {  	[sflag:s22] =	ssyncset.done $0x0  }
0x30: {  	s16 =	sadd.s32 $0x0, s8;
	[sflag:s22] =	ssyncadd.s32 $0xFFFFF000  }
0x31: {  	[hbm4b:s16+s2] =	stream.linear.scatter [tilespmem:s12], [sflag:$0x4], $0x4000, $0x38;
	[tilespmem:$0x9400] =	vst v63  }
0x32: {  	_ =	swait.ge [sflag:s23], $0x4000  }
0x33: {  	[sflag:s23] =	ssyncset.done $0x0  }
0x34: {  	s25 =	simm.s32 $0x400;
	[sflag:s23] =	ssyncadd.s32 $0xFFFFC000  }
0x35: {  	[tilespmem:s12], [sflag:$0x1] =	stream.indirect.gather [hbm4b:s3+s11], $0x20, s25, s11, $0xb8;
	[tilespmem:$0x9400] =	vst v63  }
0x36: {  	s1 =	simm.s32 $0x480  }
0x37: {  	[tilespmem:s13], [sflag:$0x1] =	stream.indirect.gather [hbm4b:s3+s11], $0x20, s1, s11, $0xb8;
	[tilespmem:$0x9400] =	vst v63  }
0x38: {  	s14 =	simm.s32 $0x500  }
0x39: {  	[tilespmem:s15], [sflag:$0x1] =	stream.indirect.gather [hbm4b:s3+s11], $0x20, s14, s11, $0xb8;
	[tilespmem:$0x9400] =	vst v63  }
0x3a: {  	s16 =	simm.s32 $0x580  }
0x3b: {  	[tilespmem:s17], [sflag:$0x1] =	stream.indirect.gather [hbm4b:s3+s11], $0x20, s16, s11, $0xb8;
	[tilespmem:$0x9400] =	vst v63  }
0x3c: {  	_ =	swait.ge [sflag:s24], $0x1000  }
0x3d: {  	[sflag:s24] =	ssyncset.done $0x0  }
0x3e: {  	[sflag:s24] =	ssyncadd.s32 $0xFFFFF000  }
0x3f: {  	_ =	swait.ge [sflag:s24], $0x1000  }
0x40: {  	[sflag:s24] =	ssyncset.done $0x0  }
0x41: {  	[sflag:s24] =	ssyncadd.s32 $0xFFFFF000  }
0x42: {  	_ =	swait.ge [sflag:s24], $0x1000  }
0x43: {  	[sflag:s24] =	ssyncset.done $0x0  }
0x44: {  	[sflag:s24] =	ssyncadd.s32 $0xFFFFF000  }
0x45: {  	_ =	swait.ge [sflag:s24], $0x1000  }
0x46: {  	[sflag:s24] =	ssyncset.done $0x0  }
0x47: {  	s25 =	sadd.s32 $0x0, s9;
	[sflag:s24] =	ssyncadd.s32 $0xFFFFF000  }
0x48: {  	[hbm4b:s25+s2] =	stream.linear.scatter [tilespmem:s18], [sflag:$0x3], $0x4000, $0x38;
	[tilespmem:$0x9400] =	vst v63  }
0x49: {  	s31 =	simm.s32 $0x1000;
	_ =	swait.ge [sflag:s10], $0x4000  }
0x4a: {  	s0 =	simm.s32 $0x2000;
	s1 =	simm.s32 $0x400;
	[sflag:s10] =	ssyncset.done $0x0  }
.LBB2_2:
0x4b: {  	s25 =	sadd.s32 $0x200, s1  }
0x4c: {  	[sflag:s10] =	ssyncadd.s32 $0xFFFFC000;
	s14 =	smov.u32 s0;
	s16 =	sadd.s32 $0x1000, s0  }
0x4d: {  	[tilespmem:s18], [sflag:$0x2] =	stream.indirect.gather [hbm4b:s3+s11], $0x20, s25, s11, $0xb8;
	[tilespmem:$0x9400] =	vst v63  }
0x4e: {  	p0 =	sne.s32 s0, $0x3000;
	s0 =	sadd.s32 $0x280, s1  }
0x4f: {  	[tilespmem:s19], [sflag:$0x2] =	stream.indirect.gather [hbm4b:s3+s11], $0x20, s0, s11, $0xb8;
	[tilespmem:$0x9400] =	vst v63  }
0x50: {  	s0 =	sadd.s32 $0x300, s1  }
0x51: {  	[tilespmem:s20], [sflag:$0x2] =	stream.indirect.gather [hbm4b:s3+s11], $0x20, s0, s11, $0xb8;
	[tilespmem:$0x9400] =	vst v63  }
0x52: {  	s0 =	sadd.s32 $0x380, s1  }
0x53: {  	[tilespmem:s21], [sflag:$0x2] =	stream.indirect.gather [hbm4b:s3+s11], $0x20, s0, s11, $0xb8;
	[tilespmem:$0x9400] =	vst v63  }
0x54: {  	_ =	swait.ge [sflag:s22], $0x1000  }
0x55: {  	[sflag:s22] =	ssyncset.done $0x0  }
0x56: {  	[sflag:s22] =	ssyncadd.s32 $0xFFFFF000  }
0x57: {  	_ =	swait.ge [sflag:s22], $0x1000  }
0x58: {  	[sflag:s22] =	ssyncset.done $0x0  }
0x59: {  	[sflag:s22] =	ssyncadd.s32 $0xFFFFF000  }
0x5a: {  	_ =	swait.ge [sflag:s22], $0x1000  }
0x5b: {  	[sflag:s22] =	ssyncset.done $0x0  }
0x5c: {  	[sflag:s22] =	ssyncadd.s32 $0xFFFFF000  }
0x5d: {  	_ =	swait.ge [sflag:s22], $0x1000  }
0x5e: {  	[sflag:s22] =	ssyncset.done $0x0  }
0x5f: {  	s0 =	sadd.s32 s31, s8;
	[sflag:s22] =	ssyncadd.s32 $0xFFFFF000  }
0x60: {  	[hbm4b:s0+s2] =	stream.linear.scatter [tilespmem:s12], [sflag:$0x4], $0x4000, $0x38;
	[tilespmem:$0x9400] =	vst v63  }
0x61: {  	_ =	swait.ge [sflag:s23], $0x4000  }
0x62: {  	[sflag:s23] =	ssyncset.done $0x0  }
0x63: {  	s0 =	sadd.s32 $0x400, s1;
	[sflag:s23] =	ssyncadd.s32 $0xFFFFC000  }
0x64: {  	[tilespmem:s12], [sflag:$0x1] =	stream.indirect.gather [hbm4b:s3+s11], $0x20, s0, s11, $0xb8;
	[tilespmem:$0x9400] =	vst v63  }
0x65: {  	s0 =	sadd.s32 $0x480, s1  }
0x66: {  	[tilespmem:s13], [sflag:$0x1] =	stream.indirect.gather [hbm4b:s3+s11], $0x20, s0, s11, $0xb8;
	[tilespmem:$0x9400] =	vst v63  }
0x67: {  	s0 =	sadd.s32 $0x500, s1  }
0x68: {  	[tilespmem:s15], [sflag:$0x1] =	stream.indirect.gather [hbm4b:s3+s11], $0x20, s0, s11, $0xb8;
	[tilespmem:$0x9400] =	vst v63  }
0x69: {  	s0 =	sadd.s32 $0x580, s1  }
0x6a: {  	[tilespmem:s17], [sflag:$0x1] =	stream.indirect.gather [hbm4b:s3+s11], $0x20, s0, s11, $0xb8;
	[tilespmem:$0x9400] =	vst v63  }
0x6b: {  	_ =	swait.ge [sflag:s24], $0x1000  }
0x6c: {  	[sflag:s24] =	ssyncset.done $0x0  }
0x6d: {  	[sflag:s24] =	ssyncadd.s32 $0xFFFFF000  }
0x6e: {  	_ =	swait.ge [sflag:s24], $0x1000  }
0x6f: {  	[sflag:s24] =	ssyncset.done $0x0  }
0x70: {  	[sflag:s24] =	ssyncadd.s32 $0xFFFFF000  }
0x71: {  	_ =	swait.ge [sflag:s24], $0x1000  }
0x72: {  	[sflag:s24] =	ssyncset.done $0x0  }
0x73: {  	[sflag:s24] =	ssyncadd.s32 $0xFFFFF000  }
0x74: {  	_ =	swait.ge [sflag:s24], $0x1000  }
.Ltmp0:
0x75: {  	[sflag:s24] =	ssyncset.done $0x0;
	(pc) =	sbr.rel @p0 .LBB2_2-.Ltmp0, $4  }
0x76: {  	s0 =	sadd.s32 s31, s9;
	s31 =	smov.u32 s14;
	[sflag:s24] =	ssyncadd.s32 $0xFFFFF000  }
0x77: {  	[hbm4b:s0+s2] =	stream.linear.scatter [tilespmem:s18], [sflag:$0x3], $0x4000, $0x38;
	[tilespmem:$0x9400] =	vst v63  }
0x78: {  	_ =	swait.ge [sflag:s10], $0x4000  }
0x79: {  	s1 =	sshra.s32 s31, $0x2;
	s0 =	smov.u32 s16;
	[sflag:s10] =	ssyncset.done $0x0  }
0x7a: {  	s0 =	sadd.s32 $0x200, s1;
	[sflag:s10] =	ssyncadd.s32 $0xFFFFC000  }
0x7b: {  	[tilespmem:s18], [sflag:$0x2] =	stream.indirect.gather [hbm4b:s3+s11], $0x20, s0, s11, $0xb8;
	[tilespmem:$0x9400] =	vst v63  }
0x7c: {  	s14 =	sadd.s32 $0x280, s1  }
0x7d: {  	[tilespmem:s19], [sflag:$0x2] =	stream.indirect.gather [hbm4b:s3+s11], $0x20, s14, s11, $0xb8;
	[tilespmem:$0x9400] =	vst v63  }
0x7e: {  	s16 =	sadd.s32 $0x300, s1  }
0x7f: {  	[tilespmem:s20], [sflag:$0x2] =	stream.indirect.gather [hbm4b:s3+s11], $0x20, s16, s11, $0xb8;
	[tilespmem:$0x9400] =	vst v63  }
0x80: {  	s25 =	sadd.s32 $0x380, s1  }
0x81: {  	[tilespmem:s21], [sflag:$0x2] =	stream.indirect.gather [hbm4b:s3+s11], $0x20, s25, s11, $0xb8;
	[tilespmem:$0x9400] =	vst v63  }
0x82: {  	_ =	swait.ge [sflag:s22], $0x1000  }
0x83: {  	[sflag:s22] =	ssyncset.done $0x0  }
0x84: {  	[sflag:s22] =	ssyncadd.s32 $0xFFFFF000  }
0x85: {  	_ =	swait.ge [sflag:s22], $0x1000  }
0x86: {  	[sflag:s22] =	ssyncset.done $0x0  }
0x87: {  	[sflag:s22] =	ssyncadd.s32 $0xFFFFF000  }
0x88: {  	_ =	swait.ge [sflag:s22], $0x1000  }
0x89: {  	[sflag:s22] =	ssyncset.done $0x0  }
0x8a: {  	[sflag:s22] =	ssyncadd.s32 $0xFFFFF000  }
0x8b: {  	_ =	swait.ge [sflag:s22], $0x1000  }
0x8c: {  	[sflag:s22] =	ssyncset.done $0x0  }
0x8d: {  	s14 =	sadd.s32 s31, s8;
	[sflag:s22] =	ssyncadd.s32 $0xFFFFF000  }
0x8e: {  	[hbm4b:s14+s2] =	stream.linear.scatter [tilespmem:s12], [sflag:$0x4], $0x4000, $0x38;
	[tilespmem:$0x9400] =	vst v63  }
0x8f: {  	_ =	swait.ge [sflag:s23], $0x4000  }
0x90: {  	[sflag:s23] =	ssyncset.done $0x0  }
0x91: {  	s16 =	sadd.s32 $0x400, s1;
	[sflag:s23] =	ssyncadd.s32 $0xFFFFC000  }
0x92: {  	[tilespmem:s12], [sflag:$0x1] =	stream.indirect.gather [hbm4b:s3+s11], $0x20, s16, s11, $0xb8;
	[tilespmem:$0x9400] =	vst v63  }
0x93: {  	s25 =	sadd.s32 $0x480, s1  }
0x94: {  	[tilespmem:s13], [sflag:$0x1] =	stream.indirect.gather [hbm4b:s3+s11], $0x20, s25, s11, $0xb8;
	[tilespmem:$0x9400] =	vst v63  }
0x95: {  	s14 =	sadd.s32 $0x500, s1  }
0x96: {  	[tilespmem:s15], [sflag:$0x1] =	stream.indirect.gather [hbm4b:s3+s11], $0x20, s14, s11, $0xb8;
	[tilespmem:$0x9400] =	vst v63  }
0x97: {  	s16 =	sadd.s32 $0x580, s1  }
0x98: {  	[tilespmem:s17], [sflag:$0x1] =	stream.indirect.gather [hbm4b:s3+s11], $0x20, s16, s11, $0xb8;
	[tilespmem:$0x9400] =	vst v63  }
0x99: {  	_ =	swait.ge [sflag:s24], $0x1000  }
0x9a: {  	[sflag:s24] =	ssyncset.done $0x0  }
0x9b: {  	[sflag:s24] =	ssyncadd.s32 $0xFFFFF000  }
0x9c: {  	_ =	swait.ge [sflag:s24], $0x1000  }
0x9d: {  	[sflag:s24] =	ssyncset.done $0x0  }
0x9e: {  	[sflag:s24] =	ssyncadd.s32 $0xFFFFF000  }
0x9f: {  	_ =	swait.ge [sflag:s24], $0x1000  }
0xa0: {  	[sflag:s24] =	ssyncset.done $0x0  }
0xa1: {  	[sflag:s24] =	ssyncadd.s32 $0xFFFFF000  }
0xa2: {  	_ =	swait.ge [sflag:s24], $0x1000  }
0xa3: {  	[sflag:s24] =	ssyncset.done $0x0  }
0xa4: {  	s25 =	sadd.s32 s31, s9;
	[sflag:s24] =	ssyncadd.s32 $0xFFFFF000  }
0xa5: {  	[hbm4b:s25+s2] =	stream.linear.scatter [tilespmem:s18], [sflag:$0x3], $0x4000, $0x38;
	[tilespmem:$0x9400] =	vst v63  }
0xa6: {  	_ =	swait.ge [sflag:s10], $0x4000  }
0xa7: {  	[sflag:s10] =	ssyncset.done $0x0  }
0xa8: {  	s31 =	simm.s32 $0x1200;
	[sflag:s10] =	ssyncadd.s32 $0xFFFFC000  }
0xa9: {  	[tilespmem:s18], [sflag:$0x2] =	stream.indirect.gather [hbm4b:s3+s11], $0x20, s31, s11, $0xb8;
	[tilespmem:$0x9400] =	vst v63  }
0xaa: {  	_ = 	snop  }
0xab: {  	[tilespmem:s19], [sflag:$0x2] =	stream.indirect.gather [hbm4b:s3+s11], $0x20, s26, s11, $0xb8;
	[tilespmem:$0x9400] =	vst v63  }
0xac: {  	_ = 	snop  }
0xad: {  	[tilespmem:s20], [sflag:$0x2] =	stream.indirect.gather [hbm4b:s3+s11], $0x20, s28, s11, $0xb8;
	[tilespmem:$0x9400] =	vst v63  }
0xae: {  	_ = 	snop  }
0xaf: {  	[tilespmem:s21], [sflag:$0x2] =	stream.indirect.gather [hbm4b:s3+s11], $0x20, s29, s11, $0xb8;
	[tilespmem:$0x9400] =	vst v63  }
0xb0: {  	_ =	swait.ge [sflag:s22], $0x1000  }
0xb1: {  	[sflag:s22] =	ssyncset.done $0x0  }
0xb2: {  	[sflag:s22] =	ssyncadd.s32 $0xFFFFF000  }
0xb3: {  	_ =	swait.ge [sflag:s22], $0x1000  }
0xb4: {  	[sflag:s22] =	ssyncset.done $0x0  }
0xb5: {  	[sflag:s22] =	ssyncadd.s32 $0xFFFFF000  }
0xb6: {  	_ =	swait.ge [sflag:s22], $0x1000  }
0xb7: {  	[sflag:s22] =	ssyncset.done $0x0  }
0xb8: {  	[sflag:s22] =	ssyncadd.s32 $0xFFFFF000  }
0xb9: {  	_ =	swait.ge [sflag:s22], $0x1000  }
0xba: {  	[sflag:s22] =	ssyncset.done $0x0  }
0xbb: {  	[sflag:s22] =	ssyncadd.s32 $0xFFFFF000  }
0xbc: {  	[hbm4b:s6+s2] =	stream.linear.scatter [tilespmem:s12], [sflag:$0x4], $0x4000, $0x38;
	[tilespmem:$0x9400] =	vst v63  }
0xbd: {  	_ =	swait.ge [sflag:s23], $0x4000  }
0xbe: {  	[sflag:s23] =	ssyncset.done $0x0  }
0xbf: {  	[sflag:s23] =	ssyncadd.s32 $0xFFFFC000  }
0xc0: {  	_ =	swait.ge [sflag:s24], $0x1000  }
0xc1: {  	[sflag:s24] =	ssyncset.done $0x0  }
0xc2: {  	[sflag:s24] =	ssyncadd.s32 $0xFFFFF000  }
0xc3: {  	_ =	swait.ge [sflag:s24], $0x1000  }
0xc4: {  	[sflag:s24] =	ssyncset.done $0x0  }
0xc5: {  	[sflag:s24] =	ssyncadd.s32 $0xFFFFF000  }
0xc6: {  	_ =	swait.ge [sflag:s24], $0x1000  }
0xc7: {  	[sflag:s24] =	ssyncset.done $0x0  }
0xc8: {  	[sflag:s24] =	ssyncadd.s32 $0xFFFFF000  }
0xc9: {  	s30 =	sadd.s32 $0x1, s30;
	_ =	swait.ge [sflag:s24], $0x1000  }
0xca: {  	p0 =	sne.s32 s30, s5;
	[sflag:s24] =	ssyncset.done $0x0  }
.Ltmp1:
0xcb: {  	[sflag:s24] =	ssyncadd.s32 $0xFFFFF000;
	(pc) =	sbr.rel @p0 .LBB2_1-.Ltmp1, $4  }
0xcc: {  	[hbm4b:s7+s2] =	stream.linear.scatter [tilespmem:s18], [sflag:$0x3], $0x4000, $0x38;
	[tilespmem:$0x9400] =	vst v63  }
0xcd: {  	_ =	swait.ge [sflag:s10], $0x4000  }
0xce: {  	[sflag:s10] =	ssyncset.done $0x0  }
0xcf: {  	[sflag:s10] =	ssyncadd.s32 $0xFFFFC000  }
0xd0: {  	_ =	sfence.sel $0x180000  }
0xd1: {  	[bflag:$0x0] =	sbarrier.arrive $0xFFFF  }
0xd2: {  	_ =	strace $0x9000004A  }
0xd3: {  	s0 =	stileid.u32;
	[bflag:$0x2] =	sbarrier.arrive $0xFFFF  }
0xd4: {  	p0 =	sne.s32 s0, $0x0;
	s0 =	rddreg [dreg:$0x1]  }
0xd5: {  	s0 =	sadd.s32 @!p0 $0x100000, s0  }
0xd6: {  	[sflag:s0] =	ssyncadd.tile.s32 @!p0 $0x1;
	_ =	shalt  }
.Lfunc_end2:
_tile_overlayer_lowered:
.L_overlay_start_2:
0xd7: {  	(tag) =	ssettag $0x2  }
0xd8: {  	s0 =	rddreg [dreg:$0x0];
	s2 =	stileid.u32  }
0xd9: {  	s1 =	rddreg [dreg:$0x1];
	p0 =	sne.s32 s2, $0x0  }
0xda: {  	s3 =	rddreg [dreg:$0x2];
	[bflag:$0x3] =	sbarrier.arrive $0xFFFF;
	s2 =	simm.s32 @!p0 $0x1C03  }
0xdb: {  	[timem:s3], [sflag:s2] =	dma.local @!p0 [hbm:s0], s1  }
0xdc: {  	s0 =	simm.s32 @!p0 $0x3  }
0xdd: {  	_ =	swait.ge @!p0 [sflag:s0], s1  }
0xde: {  	s1 =	ssub.s32 @!p0 $0x0, s1;
	[sflag:s0] =	ssyncset.done @!p0 $0x0  }
0xdf: {  	[sflag:s0] =	ssyncadd.s32 @!p0 s1  }
0xe0: {  	[bflag:$0x3] =	sbarrier.arrive $0xFFFF  }
0xe1: {  	_ =	shalt  }

</sc_bundles>
